<compile_context>
chip_gen: v7x
topology: tpu7x:2x2x1
jax: 0.10.2.dev20260603
libtpu: 0.0.44.dev20260713+nightly
codegen_flags: <defaults>
</compile_context>

<pallas_src>
import functools

import jax
import jax.numpy as jnp
from jax import lax
from jax.experimental import pallas as pl
from jax.experimental.pallas import tpu as pltpu
from jax.experimental.pallas import tpu_sc as plsc

VOCAB = 1000000
DIM = 64
B = 16384
NNEG = 20

NC = 2
NS = 16
NW = NC * NS
BPW = B // NW
C = 16
NCHUNK = BPW // C
NEGC = C * NNEG
NEG_G = 4
NEG_GSZ = NEGC // NEG_G
LANES = 16
SLOTS = 32
PD = 128


def _merge(a, b, sh):
    perm = lax.iota(jnp.int32, LANES) ^ sh
    mask = (lax.iota(jnp.int32, LANES) & sh) == 0
    return (jnp.where(mask, a, jnp.take(b, perm))
            + jnp.where(mask, jnp.take(a, perm), b))


def _merge_half(a, sh):
    perm = lax.iota(jnp.int32, LANES) ^ sh
    mask = (lax.iota(jnp.int32, LANES) & sh) == 0
    return jnp.where(mask, a + jnp.take(a, perm), jnp.zeros((LANES,), jnp.float32))


def _reduce16(accs):
    sh = 1
    while len(accs) > 1 or sh <= 8:
        nxt = []
        for i in range(0, len(accs), 2):
            if i + 1 < len(accs):
                nxt.append(_merge(accs[i], accs[i + 1], sh))
            else:
                nxt.append(_merge_half(accs[i], sh))
        accs = nxt
        sh *= 2
        if sh > 8:
            break
    out = accs[0]
    while sh <= 8:
        out = _merge_half(out, sh)
        sh *= 2
    return out


def _sc_scores(center, pos, negflat, in_p, out_p):
    mesh = plsc.VectorSubcoreMesh(core_axis_name="c", subcore_axis_name="s")

    @functools.partial(
        pl.kernel,
        out_type=jax.ShapeDtypeStruct((B * SLOTS,), jnp.float32),
        mesh=mesh,
        scratch_types=[
            pltpu.VMEM((BPW,), jnp.int32),
            pltpu.VMEM((BPW,), jnp.int32),
            pltpu.VMEM((BPW * NNEG,), jnp.int32),
            pltpu.VMEM((C, PD), jnp.float32),
            pltpu.VMEM((C, PD), jnp.float32),
            pltpu.VMEM((NEGC, PD), jnp.float32),
            pltpu.VMEM((C * SLOTS,), jnp.float32),
            pltpu.VMEM((C, PD), jnp.float32),
            pltpu.VMEM((C, PD), jnp.float32),
            pltpu.VMEM((NEGC, PD), jnp.float32),
            pltpu.VMEM((C * SLOTS,), jnp.float32),
            pltpu.SemaphoreType.DMA,
            pltpu.SemaphoreType.DMA,
            pltpu.SemaphoreType.DMA,
            pltpu.SemaphoreType.DMA,
        ],
    )
    def k(center_hbm, pos_hbm, neg_hbm, inp_hbm, outp_hbm, scores_hbm,
          cidxa, pidxa, nidxa,
          vrow0, urow0, nrow0, srow0, vrow1, urow1, nrow1, srow1,
          sem0, sem1, sems0, sems1):
        wid = lax.axis_index("s") * NC + lax.axis_index("c")
        wbase = wid * BPW
        pltpu.sync_copy(center_hbm.at[pl.ds(wbase, BPW)], cidxa)
        pltpu.sync_copy(pos_hbm.at[pl.ds(wbase, BPW)], pidxa)
        pltpu.sync_copy(neg_hbm.at[pl.ds(wbase * NNEG, BPW * NNEG)], nidxa)

        bufs = [(vrow0, urow0, nrow0, srow0, sem0, sems0),
                (vrow1, urow1, nrow1, srow1, sem1, sems1)]

        def start(c, bi):
            vrow, urow, nrow, _, sem, _ = bufs[bi]
            pltpu.async_copy(inp_hbm.at[cidxa.at[pl.ds(c * C, C)]], vrow, sem)
            pltpu.async_copy(outp_hbm.at[pidxa.at[pl.ds(c * C, C)]], urow, sem)
            for g in range(NEG_G):
                pltpu.async_copy(
                    outp_hbm.at[nidxa.at[pl.ds(c * NEGC + g * NEG_GSZ,
                                               NEG_GSZ)]],
                    nrow.at[pl.ds(g * NEG_GSZ, NEG_GSZ)], sem)

        def wait_rows(bi):
            vrow, urow, nrow, _, sem, _ = bufs[bi]
            pltpu.make_async_copy(inp_hbm.at[pl.ds(0, C)], vrow, sem).wait()
            pltpu.make_async_copy(inp_hbm.at[pl.ds(0, C)], urow, sem).wait()
            pltpu.make_async_copy(inp_hbm.at[pl.ds(0, NEGC)], nrow, sem).wait()

        def compute(c, bi):
            vrow, urow, nrow, srow, _, sems = bufs[bi]

            @pl.when(c >= 2)
            def _():
                pltpu.make_async_copy(
                    srow, scores_hbm.at[pl.ds(0, C * SLOTS)], sems).wait()

            def dot_acc(vv, row_ref, r):
                acc = vv[0] * row_ref[r, pl.ds(0, LANES)]
                for i in range(1, 4):
                    acc = acc + vv[i] * row_ref[r, pl.ds(i * LANES, LANES)]
                return acc

            def b_body(b, carry2):
                vv = [vrow[b, pl.ds(i * LANES, LANES)] for i in range(4)]
                accs_a = [dot_acc(vv, urow, b)]
                for kk in range(15):
                    accs_a.append(dot_acc(vv, nrow, b * NNEG + kk))
                srow[pl.ds(b * SLOTS, LANES)] = _reduce16(accs_a)
                accs_b = [dot_acc(vv, nrow, b * NNEG + kk)
                          for kk in range(15, NNEG)]
                srow[pl.ds(b * SLOTS + LANES, LANES)] = _reduce16(accs_b)
                return carry2

            lax.fori_loop(0, C, b_body, 0)
            base = wbase + c * C
            pltpu.async_copy(
                srow, scores_hbm.at[pl.ds(base * SLOTS, C * SLOTS)], sems)

        start(0, 0)

        def pair_body(p, carry):
            c0 = 2 * p
            start(c0 + 1, 1)
            wait_rows(0)
            compute(c0, 0)

            @pl.when(c0 + 2 < NCHUNK)
            def _():
                start(c0 + 2, 0)

            wait_rows(1)
            compute(c0 + 1, 1)
            return carry

        lax.fori_loop(0, NCHUNK // 2, pair_body, 0)
        pltpu.make_async_copy(
            srow0, scores_hbm.at[pl.ds(0, C * SLOTS)], sems0).wait()
        pltpu.make_async_copy(
            srow1, scores_hbm.at[pl.ds(0, C * SLOTS)], sems1).wait()

    return k(center, pos, negflat, in_p, out_p)


TBLK = 8192


def _tc_padT(table_t):
    def body(x_ref, o_ref):
        o_ref[:, 0:DIM] = jnp.transpose(x_ref[...])

    return pl.pallas_call(
        body,
        grid=(pl.cdiv(VOCAB, TBLK),),
        in_specs=[pl.BlockSpec((DIM, TBLK), lambda g: (0, g))],
        out_specs=pl.BlockSpec((TBLK, PD), lambda g: (g, 0)),
        out_shape=jax.ShapeDtypeStruct((VOCAB, PD), jnp.float32),
    )(table_t)


def _tc_loss(scores2d):
    def body(s_ref, o_ref):
        s = s_ref[...]
        slot = lax.rem(lax.broadcasted_iota(jnp.int32, s.shape, 1), SLOTS)
        x = jnp.where(slot == 0, s, -s)
        w = jnp.where(slot == 0, 1.0 / B,
                      jnp.where(slot <= NNEG, 1.0 / (B * NNEG), 0.0))
        total = jnp.sum(jax.nn.log_sigmoid(x) * w)
        o_ref[...] = jnp.full((1, 1), -total, dtype=jnp.float32)

    return pl.pallas_call(
        body,
        out_shape=jax.ShapeDtypeStruct((1, 1), jnp.float32),
    )(scores2d)


def kernel(center, pos, neg, in_emb, out_emb):
    center = center.astype(jnp.int32)
    pos = pos.astype(jnp.int32)
    negflat = neg.astype(jnp.int32).reshape(B * NNEG)
    in_p = _tc_padT(in_emb.T)
    out_p = _tc_padT(out_emb.T)
    scores = _sc_scores(center, pos, negflat, in_p, out_p)
    out = _tc_loss(scores.reshape(B * SLOTS // 128, 128))
    return out.reshape(())

# --- scband reference (transcript-rebuilt; emitter-appended) ---
"""Pipeline reference for scband-skip-gram-ns-5506148074122 (READ-ONLY COPY).

The authoritative reference and input builder live on the scoring server;
editing this copy changes nothing except your own understanding.
"""

import jax, jax.numpy as jnp
import numpy as np

VOCAB = 1000000
DIM = 64
B = 16384
NNEG = 20

def setup_inputs(seed: int = 0) -> dict:
    key = jax.random.key(seed)
    k1, k2, k3, k4, k5 = jax.random.split(key, 5)
    center = jax.random.randint(k1, (B,), 0, VOCAB, dtype=jnp.int64 if jax.config.jax_enable_x64 else jnp.int32)
    pos = jax.random.randint(k2, (B,), 0, VOCAB, dtype=jnp.int64 if jax.config.jax_enable_x64 else jnp.int32)
    neg = jax.random.randint(k3, (B, NNEG), 0, VOCAB, dtype=jnp.int64 if jax.config.jax_enable_x64 else jnp.int32)
    bound = 0.5 / DIM
    in_emb = jax.random.uniform(k4, (VOCAB, DIM), dtype=jnp.float32, minval=-bound, maxval=bound)
    out_emb = jax.random.uniform(k5, (VOCAB, DIM), dtype=jnp.float32, minval=-bound, maxval=bound)
    return {"center": center, "pos": pos, "neg": neg, "in_emb": in_emb, "out_emb": out_emb}

def reference(center, pos, neg, in_emb, out_emb):
    # v = in_emb(center): [B, D]
    v = jnp.take(in_emb, center, axis=0)
    # u = out_emb(pos): [B, D]
    u = jnp.take(out_emb, pos, axis=0)
    uv = jnp.sum(v * u, axis=1)  # [B]
    pos_loss = jnp.mean(jax.nn.log_sigmoid(uv))
    # neg_u = out_emb(neg): [B, K, D]
    neg_u = jnp.take(out_emb, neg, axis=0)
    # bmm(neg_u [B,K,D], v[:, :, None]) -> [B, K]
    neg_uv = jnp.einsum('bkd,bd->bk', neg_u, v)
    neg_loss = jnp.mean(jax.nn.log_sigmoid(-neg_uv))
    return -(pos_loss + neg_loss)

if __name__ == "__main__":
    import jax
    _d = setup_inputs()
    print(jax.jit(kernel)(*tuple(_d.values())))

</pallas_src>

<mosaic_0001>
#map = affine_map<(d0, d1) -> (0)>
#map1 = affine_map<(d0, d1) -> (0, 0)>
module attributes {stable_mosaic.version = 14 : i64} {
  func.func @k(%arg0: i32, %arg1: i32, %arg2: memref<16384xi32, #tpu.memory_space<hbm>>, %arg3: memref<16384xi32, #tpu.memory_space<hbm>>, %arg4: memref<327680xi32, #tpu.memory_space<hbm>>, %arg5: memref<1000000x128xf32, #tpu.memory_space<hbm>>, %arg6: memref<1000000x128xf32, #tpu.memory_space<hbm>>, %arg7: memref<524288xf32, #tpu.memory_space<hbm>>, %arg8: memref<512xi32, #tpu.memory_space<vmem>>, %arg9: memref<512xi32, #tpu.memory_space<vmem>>, %arg10: memref<10240xi32, #tpu.memory_space<vmem>>, %arg11: memref<16x128xf32, #tpu.memory_space<vmem>>, %arg12: memref<16x128xf32, #tpu.memory_space<vmem>>, %arg13: memref<320x128xf32, #tpu.memory_space<vmem>>, %arg14: memref<512xf32, #tpu.memory_space<vmem>>, %arg15: memref<16x128xf32, #tpu.memory_space<vmem>>, %arg16: memref<16x128xf32, #tpu.memory_space<vmem>>, %arg17: memref<320x128xf32, #tpu.memory_space<vmem>>, %arg18: memref<512xf32, #tpu.memory_space<vmem>>, %arg19: memref<!tpu.dma_semaphore, #tpu.memory_space<semaphore_mem>>, %arg20: memref<!tpu.dma_semaphore, #tpu.memory_space<semaphore_mem>>, %arg21: memref<!tpu.dma_semaphore, #tpu.memory_space<semaphore_mem>>, %arg22: memref<!tpu.dma_semaphore, #tpu.memory_space<semaphore_mem>>) attributes {dimension_semantics = [#tpu.dimension_semantics<core_parallel>, #tpu.dimension_semantics<subcore_parallel>], iteration_bounds = array<i64: 2, 16>, scalar_prefetch = 0 : i64, scratch_operands = 15 : i64, tpu.core_type = #tpu.core_type<sc_vector_subcore>, window_params = [{transform_indices = #map}, {transform_indices = #map}, {transform_indices = #map}, {transform_indices = #map1}, {transform_indices = #map1}, {transform_indices = #map}]} {
    %mul3A = arith.constant 2 : i32
    %mul3A_0 = arith.muli %arg1, %mul3A : i32
    %add3A = arith.addi %mul3A_0, %arg0 : i32
    %mul3A_1 = arith.constant 512 : i32
    %mul3A_2 = arith.muli %add3A, %mul3A_1 : i32
    "tpu.region"() ({
      %run_scoped3A = tpu.sem_alloc : memref<!tpu.dma_semaphore, #tpu.memory_space<semaphore_mem>>
      %dma_start3A_58 = tpu.memref_slice %arg2[%mul3A_2] : memref<16384xi32, #tpu.memory_space<hbm>> -> memref<512xi32, #tpu.memory_space<hbm>>
      %dma_start3A_59 = tpu.memref_slice %arg2[%mul3A_2] : memref<16384xi32, #tpu.memory_space<hbm>> -> memref<512xi32, #tpu.memory_space<hbm>>
      tpu.enqueue_dma source(%dma_start3A_59 : memref<512xi32, #tpu.memory_space<hbm>>) target(%arg8 : memref<512xi32, #tpu.memory_space<vmem>>) target_semaphore(%run_scoped3A : memref<!tpu.dma_semaphore, #tpu.memory_space<semaphore_mem>>)
      %dma_wait3A_60 = tpu.memref_slice %arg2[%mul3A_2] : memref<16384xi32, #tpu.memory_space<hbm>> -> memref<512xi32, #tpu.memory_space<hbm>>
      %dma_wait3A_61 = tpu.memref_slice %arg2[%mul3A_2] : memref<16384xi32, #tpu.memory_space<hbm>> -> memref<512xi32, #tpu.memory_space<hbm>>
      tpu.wait_dma2 semaphore(%run_scoped3A : memref<!tpu.dma_semaphore, #tpu.memory_space<semaphore_mem>>) src(%dma_wait3A_61 : memref<512xi32, #tpu.memory_space<hbm>>) dst(%arg8 : memref<512xi32, #tpu.memory_space<vmem>>)
      tpu.yield
    }) : () -> ()
    "tpu.region"() ({
      %run_scoped3A = tpu.sem_alloc : memref<!tpu.dma_semaphore, #tpu.memory_space<semaphore_mem>>
      %dma_start3A_58 = tpu.memref_slice %arg3[%mul3A_2] : memref<16384xi32, #tpu.memory_space<hbm>> -> memref<512xi32, #tpu.memory_space<hbm>>
      %dma_start3A_59 = tpu.memref_slice %arg3[%mul3A_2] : memref<16384xi32, #tpu.memory_space<hbm>> -> memref<512xi32, #tpu.memory_space<hbm>>
      tpu.enqueue_dma source(%dma_start3A_59 : memref<512xi32, #tpu.memory_space<hbm>>) target(%arg9 : memref<512xi32, #tpu.memory_space<vmem>>) target_semaphore(%run_scoped3A : memref<!tpu.dma_semaphore, #tpu.memory_space<semaphore_mem>>)
      %dma_wait3A_60 = tpu.memref_slice %arg3[%mul3A_2] : memref<16384xi32, #tpu.memory_space<hbm>> -> memref<512xi32, #tpu.memory_space<hbm>>
      %dma_wait3A_61 = tpu.memref_slice %arg3[%mul3A_2] : memref<16384xi32, #tpu.memory_space<hbm>> -> memref<512xi32, #tpu.memory_space<hbm>>
      tpu.wait_dma2 semaphore(%run_scoped3A : memref<!tpu.dma_semaphore, #tpu.memory_space<semaphore_mem>>) src(%dma_wait3A_61 : memref<512xi32, #tpu.memory_space<hbm>>) dst(%arg9 : memref<512xi32, #tpu.memory_space<vmem>>)
      tpu.yield
    }) : () -> ()
    %mul3A_3 = arith.constant 20 : i32
    %mul3A_4 = arith.muli %mul3A_2, %mul3A_3 : i32
    "tpu.region"() ({
      %run_scoped3A = tpu.sem_alloc : memref<!tpu.dma_semaphore, #tpu.memory_space<semaphore_mem>>
      %dma_start3A_58 = tpu.memref_slice %arg4[%mul3A_4] : memref<327680xi32, #tpu.memory_space<hbm>> -> memref<10240xi32, #tpu.memory_space<hbm>>
      %dma_start3A_59 = tpu.memref_slice %arg4[%mul3A_4] : memref<327680xi32, #tpu.memory_space<hbm>> -> memref<10240xi32, #tpu.memory_space<hbm>>
      tpu.enqueue_dma source(%dma_start3A_59 : memref<10240xi32, #tpu.memory_space<hbm>>) target(%arg10 : memref<10240xi32, #tpu.memory_space<vmem>>) target_semaphore(%run_scoped3A : memref<!tpu.dma_semaphore, #tpu.memory_space<semaphore_mem>>)
      %dma_wait3A_60 = tpu.memref_slice %arg4[%mul3A_4] : memref<327680xi32, #tpu.memory_space<hbm>> -> memref<10240xi32, #tpu.memory_space<hbm>>
      %dma_wait3A_61 = tpu.memref_slice %arg4[%mul3A_4] : memref<327680xi32, #tpu.memory_space<hbm>> -> memref<10240xi32, #tpu.memory_space<hbm>>
      tpu.wait_dma2 semaphore(%run_scoped3A : memref<!tpu.dma_semaphore, #tpu.memory_space<semaphore_mem>>) src(%dma_wait3A_61 : memref<10240xi32, #tpu.memory_space<hbm>>) dst(%arg10 : memref<10240xi32, #tpu.memory_space<vmem>>)
      tpu.yield
    }) : () -> ()
    %dma_start3A = arith.constant 0 : i32
    %dma_start3A_5 = tpu.memref_slice %arg8[%dma_start3A] : memref<512xi32, #tpu.memory_space<vmem>> -> memref<16xi32, #tpu.memory_space<vmem>>
    %dma_start3A_6 = arith.constant 0 : i32
    %dma_start3A_7 = arith.constant 0 : i32
    %dma_start3A_8 = tpu.memref_slice %arg5[%dma_start3A_6, %dma_start3A_7] : memref<1000000x128xf32, #tpu.memory_space<hbm>> -> memref<1000000x128xf32, #tpu.memory_space<hbm>>
    tpu.enqueue_indirect_dma source(%dma_start3A_8 : memref<1000000x128xf32, #tpu.memory_space<hbm>>) target(%arg11 : memref<16x128xf32, #tpu.memory_space<vmem>>) offsets(%dma_start3A_5 : memref<16xi32, #tpu.memory_space<vmem>>) semaphore(%arg19 : memref<!tpu.dma_semaphore, #tpu.memory_space<semaphore_mem>>)
    %dma_start3A_9 = arith.constant 0 : i32
    %dma_start3A_10 = tpu.memref_slice %arg9[%dma_start3A_9] : memref<512xi32, #tpu.memory_space<vmem>> -> memref<16xi32, #tpu.memory_space<vmem>>
    %dma_start3A_11 = arith.constant 0 : i32
    %dma_start3A_12 = arith.constant 0 : i32
    %dma_start3A_13 = tpu.memref_slice %arg6[%dma_start3A_11, %dma_start3A_12] : memref<1000000x128xf32, #tpu.memory_space<hbm>> -> memref<1000000x128xf32, #tpu.memory_space<hbm>>
    tpu.enqueue_indirect_dma source(%dma_start3A_13 : memref<1000000x128xf32, #tpu.memory_space<hbm>>) target(%arg12 : memref<16x128xf32, #tpu.memory_space<vmem>>) offsets(%dma_start3A_10 : memref<16xi32, #tpu.memory_space<vmem>>) semaphore(%arg19 : memref<!tpu.dma_semaphore, #tpu.memory_space<semaphore_mem>>)
    %dma_start3A_14 = arith.constant 0 : i32
    %dma_start3A_15 = arith.constant 0 : i32
    %dma_start3A_16 = tpu.memref_slice %arg13[%dma_start3A_14, %dma_start3A_15] : memref<320x128xf32, #tpu.memory_space<vmem>> -> memref<80x128xf32, #tpu.memory_space<vmem>>
    %dma_start3A_17 = arith.constant 0 : i32
    %dma_start3A_18 = tpu.memref_slice %arg10[%dma_start3A_17] : memref<10240xi32, #tpu.memory_space<vmem>> -> memref<80xi32, #tpu.memory_space<vmem>>
    %dma_start3A_19 = arith.constant 0 : i32
    %dma_start3A_20 = arith.constant 0 : i32
    %dma_start3A_21 = tpu.memref_slice %arg6[%dma_start3A_19, %dma_start3A_20] : memref<1000000x128xf32, #tpu.memory_space<hbm>> -> memref<1000000x128xf32, #tpu.memory_space<hbm>>
    tpu.enqueue_indirect_dma source(%dma_start3A_21 : memref<1000000x128xf32, #tpu.memory_space<hbm>>) target(%dma_start3A_16 : memref<80x128xf32, #tpu.memory_space<vmem>>) offsets(%dma_start3A_18 : memref<80xi32, #tpu.memory_space<vmem>>) semaphore(%arg19 : memref<!tpu.dma_semaphore, #tpu.memory_space<semaphore_mem>>)
    %dma_start3A_22 = arith.constant 80 : i32
    %dma_start3A_23 = arith.constant 0 : i32
    %dma_start3A_24 = tpu.memref_slice %arg13[%dma_start3A_22, %dma_start3A_23] : memref<320x128xf32, #tpu.memory_space<vmem>> -> memref<80x128xf32, #tpu.memory_space<vmem>>
    %dma_start3A_25 = arith.constant 80 : i32
    %dma_start3A_26 = tpu.memref_slice %arg10[%dma_start3A_25] : memref<10240xi32, #tpu.memory_space<vmem>> -> memref<80xi32, #tpu.memory_space<vmem>>
    %dma_start3A_27 = arith.constant 0 : i32
    %dma_start3A_28 = arith.constant 0 : i32
    %dma_start3A_29 = tpu.memref_slice %arg6[%dma_start3A_27, %dma_start3A_28] : memref<1000000x128xf32, #tpu.memory_space<hbm>> -> memref<1000000x128xf32, #tpu.memory_space<hbm>>
    tpu.enqueue_indirect_dma source(%dma_start3A_29 : memref<1000000x128xf32, #tpu.memory_space<hbm>>) target(%dma_start3A_24 : memref<80x128xf32, #tpu.memory_space<vmem>>) offsets(%dma_start3A_26 : memref<80xi32, #tpu.memory_space<vmem>>) semaphore(%arg19 : memref<!tpu.dma_semaphore, #tpu.memory_space<semaphore_mem>>)
    %dma_start3A_30 = arith.constant 160 : i32
    %dma_start3A_31 = arith.constant 0 : i32
    %dma_start3A_32 = tpu.memref_slice %arg13[%dma_start3A_30, %dma_start3A_31] : memref<320x128xf32, #tpu.memory_space<vmem>> -> memref<80x128xf32, #tpu.memory_space<vmem>>
    %dma_start3A_33 = arith.constant 160 : i32
    %dma_start3A_34 = tpu.memref_slice %arg10[%dma_start3A_33] : memref<10240xi32, #tpu.memory_space<vmem>> -> memref<80xi32, #tpu.memory_space<vmem>>
    %dma_start3A_35 = arith.constant 0 : i32
    %dma_start3A_36 = arith.constant 0 : i32
    %dma_start3A_37 = tpu.memref_slice %arg6[%dma_start3A_35, %dma_start3A_36] : memref<1000000x128xf32, #tpu.memory_space<hbm>> -> memref<1000000x128xf32, #tpu.memory_space<hbm>>
    tpu.enqueue_indirect_dma source(%dma_start3A_37 : memref<1000000x128xf32, #tpu.memory_space<hbm>>) target(%dma_start3A_32 : memref<80x128xf32, #tpu.memory_space<vmem>>) offsets(%dma_start3A_34 : memref<80xi32, #tpu.memory_space<vmem>>) semaphore(%arg19 : memref<!tpu.dma_semaphore, #tpu.memory_space<semaphore_mem>>)
    %dma_start3A_38 = arith.constant 240 : i32
    %dma_start3A_39 = arith.constant 0 : i32
    %dma_start3A_40 = tpu.memref_slice %arg13[%dma_start3A_38, %dma_start3A_39] : memref<320x128xf32, #tpu.memory_space<vmem>> -> memref<80x128xf32, #tpu.memory_space<vmem>>
    %dma_start3A_41 = arith.constant 240 : i32
    %dma_start3A_42 = tpu.memref_slice %arg10[%dma_start3A_41] : memref<10240xi32, #tpu.memory_space<vmem>> -> memref<80xi32, #tpu.memory_space<vmem>>
    %dma_start3A_43 = arith.constant 0 : i32
    %dma_start3A_44 = arith.constant 0 : i32
    %dma_start3A_45 = tpu.memref_slice %arg6[%dma_start3A_43, %dma_start3A_44] : memref<1000000x128xf32, #tpu.memory_space<hbm>> -> memref<1000000x128xf32, #tpu.memory_space<hbm>>
    tpu.enqueue_indirect_dma source(%dma_start3A_45 : memref<1000000x128xf32, #tpu.memory_space<hbm>>) target(%dma_start3A_40 : memref<80x128xf32, #tpu.memory_space<vmem>>) offsets(%dma_start3A_42 : memref<80xi32, #tpu.memory_space<vmem>>) semaphore(%arg19 : memref<!tpu.dma_semaphore, #tpu.memory_space<semaphore_mem>>)
    %scan3A = arith.constant 0 : i32
    %scan3A_46 = arith.constant 0 : i32
    %scan3A_47 = arith.constant 16 : i32
    %scan3A_48 = arith.addi %scan3A_46, %scan3A_47 : i32
    %scan3A_49 = arith.constant 1 : i32
    scf.for %scan3A_58 = %scan3A_46 to %scan3A_48 step %scan3A_49  : i32 {
      %mul3A_59 = arith.constant 2 : i32
      %mul3A_60 = arith.muli %mul3A_59, %scan3A_58 : i32
      %add3A_61 = arith.constant 1 : i32
      %add3A_62 = arith.addi %mul3A_60, %add3A_61 : i32
      %mul3A_63 = arith.constant 16 : i32
      %mul3A_64 = arith.muli %add3A_62, %mul3A_63 : i32
      %dma_start3A_65 = tpu.memref_slice %arg8[%mul3A_64] : memref<512xi32, #tpu.memory_space<vmem>> -> memref<16xi32, #tpu.memory_space<vmem>>
      %dma_start3A_66 = arith.constant 0 : i32
      %dma_start3A_67 = arith.constant 0 : i32
      %dma_start3A_68 = tpu.memref_slice %arg5[%dma_start3A_66, %dma_start3A_67] : memref<1000000x128xf32, #tpu.memory_space<hbm>> -> memref<1000000x128xf32, #tpu.memory_space<hbm>>
      tpu.enqueue_indirect_dma source(%dma_start3A_68 : memref<1000000x128xf32, #tpu.memory_space<hbm>>) target(%arg15 : memref<16x128xf32, #tpu.memory_space<vmem>>) offsets(%dma_start3A_65 : memref<16xi32, #tpu.memory_space<vmem>>) semaphore(%arg20 : memref<!tpu.dma_semaphore, #tpu.memory_space<semaphore_mem>>)
      %mul3A_69 = arith.constant 16 : i32
      %mul3A_70 = arith.muli %add3A_62, %mul3A_69 : i32
      %dma_start3A_71 = tpu.memref_slice %arg9[%mul3A_70] : memref<512xi32, #tpu.memory_space<vmem>> -> memref<16xi32, #tpu.memory_space<vmem>>
      %dma_start3A_72 = arith.constant 0 : i32
      %dma_start3A_73 = arith.constant 0 : i32
      %dma_start3A_74 = tpu.memref_slice %arg6[%dma_start3A_72, %dma_start3A_73] : memref<1000000x128xf32, #tpu.memory_space<hbm>> -> memref<1000000x128xf32, #tpu.memory_space<hbm>>
      tpu.enqueue_indirect_dma source(%dma_start3A_74 : memref<1000000x128xf32, #tpu.memory_space<hbm>>) target(%arg16 : memref<16x128xf32, #tpu.memory_space<vmem>>) offsets(%dma_start3A_71 : memref<16xi32, #tpu.memory_space<vmem>>) semaphore(%arg20 : memref<!tpu.dma_semaphore, #tpu.memory_space<semaphore_mem>>)
      %mul3A_75 = arith.constant 320 : i32
      %mul3A_76 = arith.muli %add3A_62, %mul3A_75 : i32
      %add3A_77 = arith.constant 0 : i32
      %add3A_78 = arith.addi %mul3A_76, %add3A_77 : i32
      %dma_start3A_79 = arith.constant 0 : i32
      %dma_start3A_80 = arith.constant 0 : i32
      %dma_start3A_81 = tpu.memref_slice %arg17[%dma_start3A_79, %dma_start3A_80] : memref<320x128xf32, #tpu.memory_space<vmem>> -> memref<80x128xf32, #tpu.memory_space<vmem>>
      %dma_start3A_82 = tpu.memref_slice %arg10[%add3A_78] : memref<10240xi32, #tpu.memory_space<vmem>> -> memref<80xi32, #tpu.memory_space<vmem>>
      %dma_start3A_83 = arith.constant 0 : i32
      %dma_start3A_84 = arith.constant 0 : i32
      %dma_start3A_85 = tpu.memref_slice %arg6[%dma_start3A_83, %dma_start3A_84] : memref<1000000x128xf32, #tpu.memory_space<hbm>> -> memref<1000000x128xf32, #tpu.memory_space<hbm>>
      tpu.enqueue_indirect_dma source(%dma_start3A_85 : memref<1000000x128xf32, #tpu.memory_space<hbm>>) target(%dma_start3A_81 : memref<80x128xf32, #tpu.memory_space<vmem>>) offsets(%dma_start3A_82 : memref<80xi32, #tpu.memory_space<vmem>>) semaphore(%arg20 : memref<!tpu.dma_semaphore, #tpu.memory_space<semaphore_mem>>)
      %mul3A_86 = arith.constant 320 : i32
      %mul3A_87 = arith.muli %add3A_62, %mul3A_86 : i32
      %add3A_88 = arith.constant 80 : i32
      %add3A_89 = arith.addi %mul3A_87, %add3A_88 : i32
      %dma_start3A_90 = arith.constant 80 : i32
      %dma_start3A_91 = arith.constant 0 : i32
      %dma_start3A_92 = tpu.memref_slice %arg17[%dma_start3A_90, %dma_start3A_91] : memref<320x128xf32, #tpu.memory_space<vmem>> -> memref<80x128xf32, #tpu.memory_space<vmem>>
      %dma_start3A_93 = tpu.memref_slice %arg10[%add3A_89] : memref<10240xi32, #tpu.memory_space<vmem>> -> memref<80xi32, #tpu.memory_space<vmem>>
      %dma_start3A_94 = arith.constant 0 : i32
      %dma_start3A_95 = arith.constant 0 : i32
      %dma_start3A_96 = tpu.memref_slice %arg6[%dma_start3A_94, %dma_start3A_95] : memref<1000000x128xf32, #tpu.memory_space<hbm>> -> memref<1000000x128xf32, #tpu.memory_space<hbm>>
      tpu.enqueue_indirect_dma source(%dma_start3A_96 : memref<1000000x128xf32, #tpu.memory_space<hbm>>) target(%dma_start3A_92 : memref<80x128xf32, #tpu.memory_space<vmem>>) offsets(%dma_start3A_93 : memref<80xi32, #tpu.memory_space<vmem>>) semaphore(%arg20 : memref<!tpu.dma_semaphore, #tpu.memory_space<semaphore_mem>>)
      %mul3A_97 = arith.constant 320 : i32
      %mul3A_98 = arith.muli %add3A_62, %mul3A_97 : i32
      %add3A_99 = arith.constant 160 : i32
      %add3A_100 = arith.addi %mul3A_98, %add3A_99 : i32
      %dma_start3A_101 = arith.constant 160 : i32
      %dma_start3A_102 = arith.constant 0 : i32
      %dma_start3A_103 = tpu.memref_slice %arg17[%dma_start3A_101, %dma_start3A_102] : memref<320x128xf32, #tpu.memory_space<vmem>> -> memref<80x128xf32, #tpu.memory_space<vmem>>
      %dma_start3A_104 = tpu.memref_slice %arg10[%add3A_100] : memref<10240xi32, #tpu.memory_space<vmem>> -> memref<80xi32, #tpu.memory_space<vmem>>
      %dma_start3A_105 = arith.constant 0 : i32
      %dma_start3A_106 = arith.constant 0 : i32
      %dma_start3A_107 = tpu.memref_slice %arg6[%dma_start3A_105, %dma_start3A_106] : memref<1000000x128xf32, #tpu.memory_space<hbm>> -> memref<1000000x128xf32, #tpu.memory_space<hbm>>
      tpu.enqueue_indirect_dma source(%dma_start3A_107 : memref<1000000x128xf32, #tpu.memory_space<hbm>>) target(%dma_start3A_103 : memref<80x128xf32, #tpu.memory_space<vmem>>) offsets(%dma_start3A_104 : memref<80xi32, #tpu.memory_space<vmem>>) semaphore(%arg20 : memref<!tpu.dma_semaphore, #tpu.memory_space<semaphore_mem>>)
      %mul3A_108 = arith.constant 320 : i32
      %mul3A_109 = arith.muli %add3A_62, %mul3A_108 : i32
      %add3A_110 = arith.constant 240 : i32
      %add3A_111 = arith.addi %mul3A_109, %add3A_110 : i32
      %dma_start3A_112 = arith.constant 240 : i32
      %dma_start3A_113 = arith.constant 0 : i32
      %dma_start3A_114 = tpu.memref_slice %arg17[%dma_start3A_112, %dma_start3A_113] : memref<320x128xf32, #tpu.memory_space<vmem>> -> memref<80x128xf32, #tpu.memory_space<vmem>>
      %dma_start3A_115 = tpu.memref_slice %arg10[%add3A_111] : memref<10240xi32, #tpu.memory_space<vmem>> -> memref<80xi32, #tpu.memory_space<vmem>>
      %dma_start3A_116 = arith.constant 0 : i32
      %dma_start3A_117 = arith.constant 0 : i32
      %dma_start3A_118 = tpu.memref_slice %arg6[%dma_start3A_116, %dma_start3A_117] : memref<1000000x128xf32, #tpu.memory_space<hbm>> -> memref<1000000x128xf32, #tpu.memory_space<hbm>>
      tpu.enqueue_indirect_dma source(%dma_start3A_118 : memref<1000000x128xf32, #tpu.memory_space<hbm>>) target(%dma_start3A_114 : memref<80x128xf32, #tpu.memory_space<vmem>>) offsets(%dma_start3A_115 : memref<80xi32, #tpu.memory_space<vmem>>) semaphore(%arg20 : memref<!tpu.dma_semaphore, #tpu.memory_space<semaphore_mem>>)
      %dma_wait3A_119 = arith.constant 0 : i32
      %dma_wait3A_120 = arith.constant 0 : i32
      %dma_wait3A_121 = tpu.memref_slice %arg5[%dma_wait3A_119, %dma_wait3A_120] : memref<1000000x128xf32, #tpu.memory_space<hbm>> -> memref<16x128xf32, #tpu.memory_space<hbm>>
      %dma_wait3A_122 = arith.constant 0 : i32
      %dma_wait3A_123 = arith.constant 0 : i32
      %dma_wait3A_124 = tpu.memref_slice %arg5[%dma_wait3A_122, %dma_wait3A_123] : memref<1000000x128xf32, #tpu.memory_space<hbm>> -> memref<16x128xf32, #tpu.memory_space<hbm>>
      tpu.wait_dma2 semaphore(%arg19 : memref<!tpu.dma_semaphore, #tpu.memory_space<semaphore_mem>>) src(%dma_wait3A_124 : memref<16x128xf32, #tpu.memory_space<hbm>>) dst(%arg11 : memref<16x128xf32, #tpu.memory_space<vmem>>)
      %dma_wait3A_125 = arith.constant 0 : i32
      %dma_wait3A_126 = arith.constant 0 : i32
      %dma_wait3A_127 = tpu.memref_slice %arg5[%dma_wait3A_125, %dma_wait3A_126] : memref<1000000x128xf32, #tpu.memory_space<hbm>> -> memref<16x128xf32, #tpu.memory_space<hbm>>
      %dma_wait3A_128 = arith.constant 0 : i32
      %dma_wait3A_129 = arith.constant 0 : i32
      %dma_wait3A_130 = tpu.memref_slice %arg5[%dma_wait3A_128, %dma_wait3A_129] : memref<1000000x128xf32, #tpu.memory_space<hbm>> -> memref<16x128xf32, #tpu.memory_space<hbm>>
      tpu.wait_dma2 semaphore(%arg19 : memref<!tpu.dma_semaphore, #tpu.memory_space<semaphore_mem>>) src(%dma_wait3A_130 : memref<16x128xf32, #tpu.memory_space<hbm>>) dst(%arg12 : memref<16x128xf32, #tpu.memory_space<vmem>>)
      %dma_wait3A_131 = arith.constant 0 : i32
      %dma_wait3A_132 = arith.constant 0 : i32
      %dma_wait3A_133 = tpu.memref_slice %arg5[%dma_wait3A_131, %dma_wait3A_132] : memref<1000000x128xf32, #tpu.memory_space<hbm>> -> memref<320x128xf32, #tpu.memory_space<hbm>>
      %dma_wait3A_134 = arith.constant 0 : i32
      %dma_wait3A_135 = arith.constant 0 : i32
      %dma_wait3A_136 = tpu.memref_slice %arg5[%dma_wait3A_134, %dma_wait3A_135] : memref<1000000x128xf32, #tpu.memory_space<hbm>> -> memref<320x128xf32, #tpu.memory_space<hbm>>
      tpu.wait_dma2 semaphore(%arg19 : memref<!tpu.dma_semaphore, #tpu.memory_space<semaphore_mem>>) src(%dma_wait3A_136 : memref<320x128xf32, #tpu.memory_space<hbm>>) dst(%arg13 : memref<320x128xf32, #tpu.memory_space<vmem>>)
      %ge3A = arith.constant 2 : i32
      %ge3A_137 = arith.cmpi sge, %mul3A_60, %ge3A : i32
      %convert_element_type3A = arith.extui %ge3A_137 : i1 to i32
      %cond3A = arith.constant 0 : i32
      %cond3A_138 = arith.cmpi ne, %convert_element_type3A, %cond3A : i32
      scf.if %cond3A_138 {
        %dma_wait3A_196 = arith.constant 0 : i32
        %dma_wait3A_197 = tpu.memref_slice %arg7[%dma_wait3A_196] : memref<524288xf32, #tpu.memory_space<hbm>> -> memref<512xf32, #tpu.memory_space<hbm>>
        %dma_wait3A_198 = arith.constant 0 : i32
        %dma_wait3A_199 = tpu.memref_slice %arg7[%dma_wait3A_198] : memref<524288xf32, #tpu.memory_space<hbm>> -> memref<512xf32, #tpu.memory_space<hbm>>
        tpu.wait_dma2 semaphore(%arg21 : memref<!tpu.dma_semaphore, #tpu.memory_space<semaphore_mem>>) src(%arg14 : memref<512xf32, #tpu.memory_space<vmem>>) dst(%dma_wait3A_199 : memref<512xf32, #tpu.memory_space<hbm>>)
      } else {
      }
      %scan3A_139 = arith.constant 0 : i32
      %scan3A_140 = arith.constant 0 : i32
      %scan3A_141 = arith.constant 16 : i32
      %scan3A_142 = arith.addi %scan3A_140, %scan3A_141 : i32
      %scan3A_143 = arith.constant 1 : i32
      scf.for %scan3A_196 = %scan3A_140 to %scan3A_142 step %scan3A_143  : i32 {
        %get3A = arith.index_cast %scan3A_196 : i32 to index
        %get3A_197 = arith.constant 0 : index
        %get3A_198 = tpu.vector_load %arg11[%get3A, %get3A_197] {strides = array<i32>} : memref<16x128xf32, #tpu.memory_space<vmem>>, vector<1x16xf32>,
        %get3A_199 = vector.shape_cast %get3A_198 : vector<1x16xf32> to vector<16xf32>
        %get3A_200 = arith.index_cast %scan3A_196 : i32 to index
        %get3A_201 = arith.constant 16 : index
        %get3A_202 = tpu.vector_load %arg11[%get3A_200, %get3A_201] {strides = array<i32>} : memref<16x128xf32, #tpu.memory_space<vmem>>, vector<1x16xf32>,
        %get3A_203 = vector.shape_cast %get3A_202 : vector<1x16xf32> to vector<16xf32>
        %get3A_204 = arith.index_cast %scan3A_196 : i32 to index
        %get3A_205 = arith.constant 32 : index
        %get3A_206 = tpu.vector_load %arg11[%get3A_204, %get3A_205] {strides = array<i32>} : memref<16x128xf32, #tpu.memory_space<vmem>>, vector<1x16xf32>,
        %get3A_207 = vector.shape_cast %get3A_206 : vector<1x16xf32> to vector<16xf32>
        %get3A_208 = arith.index_cast %scan3A_196 : i32 to index
        %get3A_209 = arith.constant 48 : index
        %get3A_210 = tpu.vector_load %arg11[%get3A_208, %get3A_209] {strides = array<i32>} : memref<16x128xf32, #tpu.memory_space<vmem>>, vector<1x16xf32>,
        %get3A_211 = vector.shape_cast %get3A_210 : vector<1x16xf32> to vector<16xf32>
        %get3A_212 = arith.index_cast %scan3A_196 : i32 to index
        %get3A_213 = arith.constant 0 : index
        %get3A_214 = tpu.vector_load %arg12[%get3A_212, %get3A_213] {strides = array<i32>} : memref<16x128xf32, #tpu.memory_space<vmem>>, vector<1x16xf32>,
        %get3A_215 = vector.shape_cast %get3A_214 : vector<1x16xf32> to vector<16xf32>
        %mul3A_216 = arith.mulf %get3A_199, %get3A_215 : vector<16xf32>
        %get3A_217 = arith.index_cast %scan3A_196 : i32 to index
        %get3A_218 = arith.constant 16 : index
        %get3A_219 = tpu.vector_load %arg12[%get3A_217, %get3A_218] {strides = array<i32>} : memref<16x128xf32, #tpu.memory_space<vmem>>, vector<1x16xf32>,
        %get3A_220 = vector.shape_cast %get3A_219 : vector<1x16xf32> to vector<16xf32>
        %mul3A_221 = arith.mulf %get3A_203, %get3A_220 : vector<16xf32>
        %add3A_222 = arith.addf %mul3A_216, %mul3A_221 : vector<16xf32>
        %get3A_223 = arith.index_cast %scan3A_196 : i32 to index
        %get3A_224 = arith.constant 32 : index
        %get3A_225 = tpu.vector_load %arg12[%get3A_223, %get3A_224] {strides = array<i32>} : memref<16x128xf32, #tpu.memory_space<vmem>>, vector<1x16xf32>,
        %get3A_226 = vector.shape_cast %get3A_225 : vector<1x16xf32> to vector<16xf32>
        %mul3A_227 = arith.mulf %get3A_207, %get3A_226 : vector<16xf32>
        %add3A_228 = arith.addf %add3A_222, %mul3A_227 : vector<16xf32>
        %get3A_229 = arith.index_cast %scan3A_196 : i32 to index
        %get3A_230 = arith.constant 48 : index
        %get3A_231 = tpu.vector_load %arg12[%get3A_229, %get3A_230] {strides = array<i32>} : memref<16x128xf32, #tpu.memory_space<vmem>>, vector<1x16xf32>,
        %get3A_232 = vector.shape_cast %get3A_231 : vector<1x16xf32> to vector<16xf32>
        %mul3A_233 = arith.mulf %get3A_211, %get3A_232 : vector<16xf32>
        %add3A_234 = arith.addf %add3A_228, %mul3A_233 : vector<16xf32>
        %mul3A_235 = arith.constant 20 : i32
        %mul3A_236 = arith.muli %scan3A_196, %mul3A_235 : i32
        %add3A_237 = arith.constant 0 : i32
        %add3A_238 = arith.addi %mul3A_236, %add3A_237 : i32
        %get3A_239 = arith.index_cast %add3A_238 : i32 to index
        %get3A_240 = arith.constant 0 : index
        %get3A_241 = tpu.vector_load %arg13[%get3A_239, %get3A_240] {strides = array<i32>} : memref<320x128xf32, #tpu.memory_space<vmem>>, vector<1x16xf32>,
        %get3A_242 = vector.shape_cast %get3A_241 : vector<1x16xf32> to vector<16xf32>
        %mul3A_243 = arith.mulf %get3A_199, %get3A_242 : vector<16xf32>
        %get3A_244 = arith.index_cast %add3A_238 : i32 to index
        %get3A_245 = arith.constant 16 : index
        %get3A_246 = tpu.vector_load %arg13[%get3A_244, %get3A_245] {strides = array<i32>} : memref<320x128xf32, #tpu.memory_space<vmem>>, vector<1x16xf32>,
        %get3A_247 = vector.shape_cast %get3A_246 : vector<1x16xf32> to vector<16xf32>
        %mul3A_248 = arith.mulf %get3A_203, %get3A_247 : vector<16xf32>
        %add3A_249 = arith.addf %mul3A_243, %mul3A_248 : vector<16xf32>
        %get3A_250 = arith.index_cast %add3A_238 : i32 to index
        %get3A_251 = arith.constant 32 : index
        %get3A_252 = tpu.vector_load %arg13[%get3A_250, %get3A_251] {strides = array<i32>} : memref<320x128xf32, #tpu.memory_space<vmem>>, vector<1x16xf32>,
        %get3A_253 = vector.shape_cast %get3A_252 : vector<1x16xf32> to vector<16xf32>
        %mul3A_254 = arith.mulf %get3A_207, %get3A_253 : vector<16xf32>
        %add3A_255 = arith.addf %add3A_249, %mul3A_254 : vector<16xf32>
        %get3A_256 = arith.index_cast %add3A_238 : i32 to index
        %get3A_257 = arith.constant 48 : index
        %get3A_258 = tpu.vector_load %arg13[%get3A_256, %get3A_257] {strides = array<i32>} : memref<320x128xf32, #tpu.memory_space<vmem>>, vector<1x16xf32>,
        %get3A_259 = vector.shape_cast %get3A_258 : vector<1x16xf32> to vector<16xf32>
        %mul3A_260 = arith.mulf %get3A_211, %get3A_259 : vector<16xf32>
        %add3A_261 = arith.addf %add3A_255, %mul3A_260 : vector<16xf32>
        %mul3A_262 = arith.constant 20 : i32
        %mul3A_263 = arith.muli %scan3A_196, %mul3A_262 : i32
        %add3A_264 = arith.constant 1 : i32
        %add3A_265 = arith.addi %mul3A_263, %add3A_264 : i32
        %get3A_266 = arith.index_cast %add3A_265 : i32 to index
        %get3A_267 = arith.constant 0 : index
        %get3A_268 = tpu.vector_load %arg13[%get3A_266, %get3A_267] {strides = array<i32>} : memref<320x128xf32, #tpu.memory_space<vmem>>, vector<1x16xf32>,
        %get3A_269 = vector.shape_cast %get3A_268 : vector<1x16xf32> to vector<16xf32>
        %mul3A_270 = arith.mulf %get3A_199, %get3A_269 : vector<16xf32>
        %get3A_271 = arith.index_cast %add3A_265 : i32 to index
        %get3A_272 = arith.constant 16 : index
        %get3A_273 = tpu.vector_load %arg13[%get3A_271, %get3A_272] {strides = array<i32>} : memref<320x128xf32, #tpu.memory_space<vmem>>, vector<1x16xf32>,
        %get3A_274 = vector.shape_cast %get3A_273 : vector<1x16xf32> to vector<16xf32>
        %mul3A_275 = arith.mulf %get3A_203, %get3A_274 : vector<16xf32>
        %add3A_276 = arith.addf %mul3A_270, %mul3A_275 : vector<16xf32>
        %get3A_277 = arith.index_cast %add3A_265 : i32 to index
        %get3A_278 = arith.constant 32 : index
        %get3A_279 = tpu.vector_load %arg13[%get3A_277, %get3A_278] {strides = array<i32>} : memref<320x128xf32, #tpu.memory_space<vmem>>, vector<1x16xf32>,
        %get3A_280 = vector.shape_cast %get3A_279 : vector<1x16xf32> to vector<16xf32>
        %mul3A_281 = arith.mulf %get3A_207, %get3A_280 : vector<16xf32>
        %add3A_282 = arith.addf %add3A_276, %mul3A_281 : vector<16xf32>
        %get3A_283 = arith.index_cast %add3A_265 : i32 to index
        %get3A_284 = arith.constant 48 : index
        %get3A_285 = tpu.vector_load %arg13[%get3A_283, %get3A_284] {strides = array<i32>} : memref<320x128xf32, #tpu.memory_space<vmem>>, vector<1x16xf32>,
        %get3A_286 = vector.shape_cast %get3A_285 : vector<1x16xf32> to vector<16xf32>
        %mul3A_287 = arith.mulf %get3A_211, %get3A_286 : vector<16xf32>
        %add3A_288 = arith.addf %add3A_282, %mul3A_287 : vector<16xf32>
        %mul3A_289 = arith.constant 20 : i32
        %mul3A_290 = arith.muli %scan3A_196, %mul3A_289 : i32
        %add3A_291 = arith.constant 2 : i32
        %add3A_292 = arith.addi %mul3A_290, %add3A_291 : i32
        %get3A_293 = arith.index_cast %add3A_292 : i32 to index
        %get3A_294 = arith.constant 0 : index
        %get3A_295 = tpu.vector_load %arg13[%get3A_293, %get3A_294] {strides = array<i32>} : memref<320x128xf32, #tpu.memory_space<vmem>>, vector<1x16xf32>,
        %get3A_296 = vector.shape_cast %get3A_295 : vector<1x16xf32> to vector<16xf32>
        %mul3A_297 = arith.mulf %get3A_199, %get3A_296 : vector<16xf32>
        %get3A_298 = arith.index_cast %add3A_292 : i32 to index
        %get3A_299 = arith.constant 16 : index
        %get3A_300 = tpu.vector_load %arg13[%get3A_298, %get3A_299] {strides = array<i32>} : memref<320x128xf32, #tpu.memory_space<vmem>>, vector<1x16xf32>,
        %get3A_301 = vector.shape_cast %get3A_300 : vector<1x16xf32> to vector<16xf32>
        %mul3A_302 = arith.mulf %get3A_203, %get3A_301 : vector<16xf32>
        %add3A_303 = arith.addf %mul3A_297, %mul3A_302 : vector<16xf32>
        %get3A_304 = arith.index_cast %add3A_292 : i32 to index
        %get3A_305 = arith.constant 32 : index
        %get3A_306 = tpu.vector_load %arg13[%get3A_304, %get3A_305] {strides = array<i32>} : memref<320x128xf32, #tpu.memory_space<vmem>>, vector<1x16xf32>,
        %get3A_307 = vector.shape_cast %get3A_306 : vector<1x16xf32> to vector<16xf32>
        %mul3A_308 = arith.mulf %get3A_207, %get3A_307 : vector<16xf32>
        %add3A_309 = arith.addf %add3A_303, %mul3A_308 : vector<16xf32>
        %get3A_310 = arith.index_cast %add3A_292 : i32 to index
        %get3A_311 = arith.constant 48 : index
        %get3A_312 = tpu.vector_load %arg13[%get3A_310, %get3A_311] {strides = array<i32>} : memref<320x128xf32, #tpu.memory_space<vmem>>, vector<1x16xf32>,
        %get3A_313 = vector.shape_cast %get3A_312 : vector<1x16xf32> to vector<16xf32>
        %mul3A_314 = arith.mulf %get3A_211, %get3A_313 : vector<16xf32>
        %add3A_315 = arith.addf %add3A_309, %mul3A_314 : vector<16xf32>
        %mul3A_316 = arith.constant 20 : i32
        %mul3A_317 = arith.muli %scan3A_196, %mul3A_316 : i32
        %add3A_318 = arith.constant 3 : i32
        %add3A_319 = arith.addi %mul3A_317, %add3A_318 : i32
        %get3A_320 = arith.index_cast %add3A_319 : i32 to index
        %get3A_321 = arith.constant 0 : index
        %get3A_322 = tpu.vector_load %arg13[%get3A_320, %get3A_321] {strides = array<i32>} : memref<320x128xf32, #tpu.memory_space<vmem>>, vector<1x16xf32>,
        %get3A_323 = vector.shape_cast %get3A_322 : vector<1x16xf32> to vector<16xf32>
        %mul3A_324 = arith.mulf %get3A_199, %get3A_323 : vector<16xf32>
        %get3A_325 = arith.index_cast %add3A_319 : i32 to index
        %get3A_326 = arith.constant 16 : index
        %get3A_327 = tpu.vector_load %arg13[%get3A_325, %get3A_326] {strides = array<i32>} : memref<320x128xf32, #tpu.memory_space<vmem>>, vector<1x16xf32>,
        %get3A_328 = vector.shape_cast %get3A_327 : vector<1x16xf32> to vector<16xf32>
        %mul3A_329 = arith.mulf %get3A_203, %get3A_328 : vector<16xf32>
        %add3A_330 = arith.addf %mul3A_324, %mul3A_329 : vector<16xf32>
        %get3A_331 = arith.index_cast %add3A_319 : i32 to index
        %get3A_332 = arith.constant 32 : index
        %get3A_333 = tpu.vector_load %arg13[%get3A_331, %get3A_332] {strides = array<i32>} : memref<320x128xf32, #tpu.memory_space<vmem>>, vector<1x16xf32>,
        %get3A_334 = vector.shape_cast %get3A_333 : vector<1x16xf32> to vector<16xf32>
        %mul3A_335 = arith.mulf %get3A_207, %get3A_334 : vector<16xf32>
        %add3A_336 = arith.addf %add3A_330, %mul3A_335 : vector<16xf32>
        %get3A_337 = arith.index_cast %add3A_319 : i32 to index
        %get3A_338 = arith.constant 48 : index
        %get3A_339 = tpu.vector_load %arg13[%get3A_337, %get3A_338] {strides = array<i32>} : memref<320x128xf32, #tpu.memory_space<vmem>>, vector<1x16xf32>,
        %get3A_340 = vector.shape_cast %get3A_339 : vector<1x16xf32> to vector<16xf32>
        %mul3A_341 = arith.mulf %get3A_211, %get3A_340 : vector<16xf32>
        %add3A_342 = arith.addf %add3A_336, %mul3A_341 : vector<16xf32>
        %mul3A_343 = arith.constant 20 : i32
        %mul3A_344 = arith.muli %scan3A_196, %mul3A_343 : i32
        %add3A_345 = arith.constant 4 : i32
        %add3A_346 = arith.addi %mul3A_344, %add3A_345 : i32
        %get3A_347 = arith.index_cast %add3A_346 : i32 to index
        %get3A_348 = arith.constant 0 : index
        %get3A_349 = tpu.vector_load %arg13[%get3A_347, %get3A_348] {strides = array<i32>} : memref<320x128xf32, #tpu.memory_space<vmem>>, vector<1x16xf32>,
        %get3A_350 = vector.shape_cast %get3A_349 : vector<1x16xf32> to vector<16xf32>
        %mul3A_351 = arith.mulf %get3A_199, %get3A_350 : vector<16xf32>
        %get3A_352 = arith.index_cast %add3A_346 : i32 to index
        %get3A_353 = arith.constant 16 : index
        %get3A_354 = tpu.vector_load %arg13[%get3A_352, %get3A_353] {strides = array<i32>} : memref<320x128xf32, #tpu.memory_space<vmem>>, vector<1x16xf32>,
        %get3A_355 = vector.shape_cast %get3A_354 : vector<1x16xf32> to vector<16xf32>
        %mul3A_356 = arith.mulf %get3A_203, %get3A_355 : vector<16xf32>
        %add3A_357 = arith.addf %mul3A_351, %mul3A_356 : vector<16xf32>
        %get3A_358 = arith.index_cast %add3A_346 : i32 to index
        %get3A_359 = arith.constant 32 : index
        %get3A_360 = tpu.vector_load %arg13[%get3A_358, %get3A_359] {strides = array<i32>} : memref<320x128xf32, #tpu.memory_space<vmem>>, vector<1x16xf32>,
        %get3A_361 = vector.shape_cast %get3A_360 : vector<1x16xf32> to vector<16xf32>
        %mul3A_362 = arith.mulf %get3A_207, %get3A_361 : vector<16xf32>
        %add3A_363 = arith.addf %add3A_357, %mul3A_362 : vector<16xf32>
        %get3A_364 = arith.index_cast %add3A_346 : i32 to index
        %get3A_365 = arith.constant 48 : index
        %get3A_366 = tpu.vector_load %arg13[%get3A_364, %get3A_365] {strides = array<i32>} : memref<320x128xf32, #tpu.memory_space<vmem>>, vector<1x16xf32>,
        %get3A_367 = vector.shape_cast %get3A_366 : vector<1x16xf32> to vector<16xf32>
        %mul3A_368 = arith.mulf %get3A_211, %get3A_367 : vector<16xf32>
        %add3A_369 = arith.addf %add3A_363, %mul3A_368 : vector<16xf32>
        %mul3A_370 = arith.constant 20 : i32
        %mul3A_371 = arith.muli %scan3A_196, %mul3A_370 : i32
        %add3A_372 = arith.constant 5 : i32
        %add3A_373 = arith.addi %mul3A_371, %add3A_372 : i32
        %get3A_374 = arith.index_cast %add3A_373 : i32 to index
        %get3A_375 = arith.constant 0 : index
        %get3A_376 = tpu.vector_load %arg13[%get3A_374, %get3A_375] {strides = array<i32>} : memref<320x128xf32, #tpu.memory_space<vmem>>, vector<1x16xf32>,
        %get3A_377 = vector.shape_cast %get3A_376 : vector<1x16xf32> to vector<16xf32>
        %mul3A_378 = arith.mulf %get3A_199, %get3A_377 : vector<16xf32>
        %get3A_379 = arith.index_cast %add3A_373 : i32 to index
        %get3A_380 = arith.constant 16 : index
        %get3A_381 = tpu.vector_load %arg13[%get3A_379, %get3A_380] {strides = array<i32>} : memref<320x128xf32, #tpu.memory_space<vmem>>, vector<1x16xf32>,
        %get3A_382 = vector.shape_cast %get3A_381 : vector<1x16xf32> to vector<16xf32>
        %mul3A_383 = arith.mulf %get3A_203, %get3A_382 : vector<16xf32>
        %add3A_384 = arith.addf %mul3A_378, %mul3A_383 : vector<16xf32>
        %get3A_385 = arith.index_cast %add3A_373 : i32 to index
        %get3A_386 = arith.constant 32 : index
        %get3A_387 = tpu.vector_load %arg13[%get3A_385, %get3A_386] {strides = array<i32>} : memref<320x128xf32, #tpu.memory_space<vmem>>, vector<1x16xf32>,
        %get3A_388 = vector.shape_cast %get3A_387 : vector<1x16xf32> to vector<16xf32>
        %mul3A_389 = arith.mulf %get3A_207, %get3A_388 : vector<16xf32>
        %add3A_390 = arith.addf %add3A_384, %mul3A_389 : vector<16xf32>
        %get3A_391 = arith.index_cast %add3A_373 : i32 to index
        %get3A_392 = arith.constant 48 : index
        %get3A_393 = tpu.vector_load %arg13[%get3A_391, %get3A_392] {strides = array<i32>} : memref<320x128xf32, #tpu.memory_space<vmem>>, vector<1x16xf32>,
        %get3A_394 = vector.shape_cast %get3A_393 : vector<1x16xf32> to vector<16xf32>
        %mul3A_395 = arith.mulf %get3A_211, %get3A_394 : vector<16xf32>
        %add3A_396 = arith.addf %add3A_390, %mul3A_395 : vector<16xf32>
        %mul3A_397 = arith.constant 20 : i32
        %mul3A_398 = arith.muli %scan3A_196, %mul3A_397 : i32
        %add3A_399 = arith.constant 6 : i32
        %add3A_400 = arith.addi %mul3A_398, %add3A_399 : i32
        %get3A_401 = arith.index_cast %add3A_400 : i32 to index
        %get3A_402 = arith.constant 0 : index
        %get3A_403 = tpu.vector_load %arg13[%get3A_401, %get3A_402] {strides = array<i32>} : memref<320x128xf32, #tpu.memory_space<vmem>>, vector<1x16xf32>,
        %get3A_404 = vector.shape_cast %get3A_403 : vector<1x16xf32> to vector<16xf32>
        %mul3A_405 = arith.mulf %get3A_199, %get3A_404 : vector<16xf32>
        %get3A_406 = arith.index_cast %add3A_400 : i32 to index
        %get3A_407 = arith.constant 16 : index
        %get3A_408 = tpu.vector_load %arg13[%get3A_406, %get3A_407] {strides = array<i32>} : memref<320x128xf32, #tpu.memory_space<vmem>>, vector<1x16xf32>,
        %get3A_409 = vector.shape_cast %get3A_408 : vector<1x16xf32> to vector<16xf32>
        %mul3A_410 = arith.mulf %get3A_203, %get3A_409 : vector<16xf32>
        %add3A_411 = arith.addf %mul3A_405, %mul3A_410 : vector<16xf32>
        %get3A_412 = arith.index_cast %add3A_400 : i32 to index
        %get3A_413 = arith.constant 32 : index
        %get3A_414 = tpu.vector_load %arg13[%get3A_412, %get3A_413] {strides = array<i32>} : memref<320x128xf32, #tpu.memory_space<vmem>>, vector<1x16xf32>,
        %get3A_415 = vector.shape_cast %get3A_414 : vector<1x16xf32> to vector<16xf32>
        %mul3A_416 = arith.mulf %get3A_207, %get3A_415 : vector<16xf32>
        %add3A_417 = arith.addf %add3A_411, %mul3A_416 : vector<16xf32>
        %get3A_418 = arith.index_cast %add3A_400 : i32 to index
        %get3A_419 = arith.constant 48 : index
        %get3A_420 = tpu.vector_load %arg13[%get3A_418, %get3A_419] {strides = array<i32>} : memref<320x128xf32, #tpu.memory_space<vmem>>, vector<1x16xf32>,
        %get3A_421 = vector.shape_cast %get3A_420 : vector<1x16xf32> to vector<16xf32>
        %mul3A_422 = arith.mulf %get3A_211, %get3A_421 : vector<16xf32>
        %add3A_423 = arith.addf %add3A_417, %mul3A_422 : vector<16xf32>
        %mul3A_424 = arith.constant 20 : i32
        %mul3A_425 = arith.muli %scan3A_196, %mul3A_424 : i32
        %add3A_426 = arith.constant 7 : i32
        %add3A_427 = arith.addi %mul3A_425, %add3A_426 : i32
        %get3A_428 = arith.index_cast %add3A_427 : i32 to index
        %get3A_429 = arith.constant 0 : index
        %get3A_430 = tpu.vector_load %arg13[%get3A_428, %get3A_429] {strides = array<i32>} : memref<320x128xf32, #tpu.memory_space<vmem>>, vector<1x16xf32>,
        %get3A_431 = vector.shape_cast %get3A_430 : vector<1x16xf32> to vector<16xf32>
        %mul3A_432 = arith.mulf %get3A_199, %get3A_431 : vector<16xf32>
        %get3A_433 = arith.index_cast %add3A_427 : i32 to index
        %get3A_434 = arith.constant 16 : index
        %get3A_435 = tpu.vector_load %arg13[%get3A_433, %get3A_434] {strides = array<i32>} : memref<320x128xf32, #tpu.memory_space<vmem>>, vector<1x16xf32>,
        %get3A_436 = vector.shape_cast %get3A_435 : vector<1x16xf32> to vector<16xf32>
        %mul3A_437 = arith.mulf %get3A_203, %get3A_436 : vector<16xf32>
        %add3A_438 = arith.addf %mul3A_432, %mul3A_437 : vector<16xf32>
        %get3A_439 = arith.index_cast %add3A_427 : i32 to index
        %get3A_440 = arith.constant 32 : index
        %get3A_441 = tpu.vector_load %arg13[%get3A_439, %get3A_440] {strides = array<i32>} : memref<320x128xf32, #tpu.memory_space<vmem>>, vector<1x16xf32>,
        %get3A_442 = vector.shape_cast %get3A_441 : vector<1x16xf32> to vector<16xf32>
        %mul3A_443 = arith.mulf %get3A_207, %get3A_442 : vector<16xf32>
        %add3A_444 = arith.addf %add3A_438, %mul3A_443 : vector<16xf32>
        %get3A_445 = arith.index_cast %add3A_427 : i32 to index
        %get3A_446 = arith.constant 48 : index
        %get3A_447 = tpu.vector_load %arg13[%get3A_445, %get3A_446] {strides = array<i32>} : memref<320x128xf32, #tpu.memory_space<vmem>>, vector<1x16xf32>,
        %get3A_448 = vector.shape_cast %get3A_447 : vector<1x16xf32> to vector<16xf32>
        %mul3A_449 = arith.mulf %get3A_211, %get3A_448 : vector<16xf32>
        %add3A_450 = arith.addf %add3A_444, %mul3A_449 : vector<16xf32>
        %mul3A_451 = arith.constant 20 : i32
        %mul3A_452 = arith.muli %scan3A_196, %mul3A_451 : i32
        %add3A_453 = arith.constant 8 : i32
        %add3A_454 = arith.addi %mul3A_452, %add3A_453 : i32
        %get3A_455 = arith.index_cast %add3A_454 : i32 to index
        %get3A_456 = arith.constant 0 : index
        %get3A_457 = tpu.vector_load %arg13[%get3A_455, %get3A_456] {strides = array<i32>} : memref<320x128xf32, #tpu.memory_space<vmem>>, vector<1x16xf32>,
        %get3A_458 = vector.shape_cast %get3A_457 : vector<1x16xf32> to vector<16xf32>
        %mul3A_459 = arith.mulf %get3A_199, %get3A_458 : vector<16xf32>
        %get3A_460 = arith.index_cast %add3A_454 : i32 to index
        %get3A_461 = arith.constant 16 : index
        %get3A_462 = tpu.vector_load %arg13[%get3A_460, %get3A_461] {strides = array<i32>} : memref<320x128xf32, #tpu.memory_space<vmem>>, vector<1x16xf32>,
        %get3A_463 = vector.shape_cast %get3A_462 : vector<1x16xf32> to vector<16xf32>
        %mul3A_464 = arith.mulf %get3A_203, %get3A_463 : vector<16xf32>
        %add3A_465 = arith.addf %mul3A_459, %mul3A_464 : vector<16xf32>
        %get3A_466 = arith.index_cast %add3A_454 : i32 to index
        %get3A_467 = arith.constant 32 : index
        %get3A_468 = tpu.vector_load %arg13[%get3A_466, %get3A_467] {strides = array<i32>} : memref<320x128xf32, #tpu.memory_space<vmem>>, vector<1x16xf32>,
        %get3A_469 = vector.shape_cast %get3A_468 : vector<1x16xf32> to vector<16xf32>
        %mul3A_470 = arith.mulf %get3A_207, %get3A_469 : vector<16xf32>
        %add3A_471 = arith.addf %add3A_465, %mul3A_470 : vector<16xf32>
        %get3A_472 = arith.index_cast %add3A_454 : i32 to index
        %get3A_473 = arith.constant 48 : index
        %get3A_474 = tpu.vector_load %arg13[%get3A_472, %get3A_473] {strides = array<i32>} : memref<320x128xf32, #tpu.memory_space<vmem>>, vector<1x16xf32>,
        %get3A_475 = vector.shape_cast %get3A_474 : vector<1x16xf32> to vector<16xf32>
        %mul3A_476 = arith.mulf %get3A_211, %get3A_475 : vector<16xf32>
        %add3A_477 = arith.addf %add3A_471, %mul3A_476 : vector<16xf32>
        %mul3A_478 = arith.constant 20 : i32
        %mul3A_479 = arith.muli %scan3A_196, %mul3A_478 : i32
        %add3A_480 = arith.constant 9 : i32
        %add3A_481 = arith.addi %mul3A_479, %add3A_480 : i32
        %get3A_482 = arith.index_cast %add3A_481 : i32 to index
        %get3A_483 = arith.constant 0 : index
        %get3A_484 = tpu.vector_load %arg13[%get3A_482, %get3A_483] {strides = array<i32>} : memref<320x128xf32, #tpu.memory_space<vmem>>, vector<1x16xf32>,
        %get3A_485 = vector.shape_cast %get3A_484 : vector<1x16xf32> to vector<16xf32>
        %mul3A_486 = arith.mulf %get3A_199, %get3A_485 : vector<16xf32>
        %get3A_487 = arith.index_cast %add3A_481 : i32 to index
        %get3A_488 = arith.constant 16 : index
        %get3A_489 = tpu.vector_load %arg13[%get3A_487, %get3A_488] {strides = array<i32>} : memref<320x128xf32, #tpu.memory_space<vmem>>, vector<1x16xf32>,
        %get3A_490 = vector.shape_cast %get3A_489 : vector<1x16xf32> to vector<16xf32>
        %mul3A_491 = arith.mulf %get3A_203, %get3A_490 : vector<16xf32>
        %add3A_492 = arith.addf %mul3A_486, %mul3A_491 : vector<16xf32>
        %get3A_493 = arith.index_cast %add3A_481 : i32 to index
        %get3A_494 = arith.constant 32 : index
        %get3A_495 = tpu.vector_load %arg13[%get3A_493, %get3A_494] {strides = array<i32>} : memref<320x128xf32, #tpu.memory_space<vmem>>, vector<1x16xf32>,
        %get3A_496 = vector.shape_cast %get3A_495 : vector<1x16xf32> to vector<16xf32>
        %mul3A_497 = arith.mulf %get3A_207, %get3A_496 : vector<16xf32>
        %add3A_498 = arith.addf %add3A_492, %mul3A_497 : vector<16xf32>
        %get3A_499 = arith.index_cast %add3A_481 : i32 to index
        %get3A_500 = arith.constant 48 : index
        %get3A_501 = tpu.vector_load %arg13[%get3A_499, %get3A_500] {strides = array<i32>} : memref<320x128xf32, #tpu.memory_space<vmem>>, vector<1x16xf32>,
        %get3A_502 = vector.shape_cast %get3A_501 : vector<1x16xf32> to vector<16xf32>
        %mul3A_503 = arith.mulf %get3A_211, %get3A_502 : vector<16xf32>
        %add3A_504 = arith.addf %add3A_498, %mul3A_503 : vector<16xf32>
        %mul3A_505 = arith.constant 20 : i32
        %mul3A_506 = arith.muli %scan3A_196, %mul3A_505 : i32
        %add3A_507 = arith.constant 10 : i32
        %add3A_508 = arith.addi %mul3A_506, %add3A_507 : i32
        %get3A_509 = arith.index_cast %add3A_508 : i32 to index
        %get3A_510 = arith.constant 0 : index
        %get3A_511 = tpu.vector_load %arg13[%get3A_509, %get3A_510] {strides = array<i32>} : memref<320x128xf32, #tpu.memory_space<vmem>>, vector<1x16xf32>,
        %get3A_512 = vector.shape_cast %get3A_511 : vector<1x16xf32> to vector<16xf32>
        %mul3A_513 = arith.mulf %get3A_199, %get3A_512 : vector<16xf32>
        %get3A_514 = arith.index_cast %add3A_508 : i32 to index
        %get3A_515 = arith.constant 16 : index
        %get3A_516 = tpu.vector_load %arg13[%get3A_514, %get3A_515] {strides = array<i32>} : memref<320x128xf32, #tpu.memory_space<vmem>>, vector<1x16xf32>,
        %get3A_517 = vector.shape_cast %get3A_516 : vector<1x16xf32> to vector<16xf32>
        %mul3A_518 = arith.mulf %get3A_203, %get3A_517 : vector<16xf32>
        %add3A_519 = arith.addf %mul3A_513, %mul3A_518 : vector<16xf32>
        %get3A_520 = arith.index_cast %add3A_508 : i32 to index
        %get3A_521 = arith.constant 32 : index
        %get3A_522 = tpu.vector_load %arg13[%get3A_520, %get3A_521] {strides = array<i32>} : memref<320x128xf32, #tpu.memory_space<vmem>>, vector<1x16xf32>,
        %get3A_523 = vector.shape_cast %get3A_522 : vector<1x16xf32> to vector<16xf32>
        %mul3A_524 = arith.mulf %get3A_207, %get3A_523 : vector<16xf32>
        %add3A_525 = arith.addf %add3A_519, %mul3A_524 : vector<16xf32>
        %get3A_526 = arith.index_cast %add3A_508 : i32 to index
        %get3A_527 = arith.constant 48 : index
        %get3A_528 = tpu.vector_load %arg13[%get3A_526, %get3A_527] {strides = array<i32>} : memref<320x128xf32, #tpu.memory_space<vmem>>, vector<1x16xf32>,
        %get3A_529 = vector.shape_cast %get3A_528 : vector<1x16xf32> to vector<16xf32>
        %mul3A_530 = arith.mulf %get3A_211, %get3A_529 : vector<16xf32>
        %add3A_531 = arith.addf %add3A_525, %mul3A_530 : vector<16xf32>
        %mul3A_532 = arith.constant 20 : i32
        %mul3A_533 = arith.muli %scan3A_196, %mul3A_532 : i32
        %add3A_534 = arith.constant 11 : i32
        %add3A_535 = arith.addi %mul3A_533, %add3A_534 : i32
        %get3A_536 = arith.index_cast %add3A_535 : i32 to index
        %get3A_537 = arith.constant 0 : index
        %get3A_538 = tpu.vector_load %arg13[%get3A_536, %get3A_537] {strides = array<i32>} : memref<320x128xf32, #tpu.memory_space<vmem>>, vector<1x16xf32>,
        %get3A_539 = vector.shape_cast %get3A_538 : vector<1x16xf32> to vector<16xf32>
        %mul3A_540 = arith.mulf %get3A_199, %get3A_539 : vector<16xf32>
        %get3A_541 = arith.index_cast %add3A_535 : i32 to index
        %get3A_542 = arith.constant 16 : index
        %get3A_543 = tpu.vector_load %arg13[%get3A_541, %get3A_542] {strides = array<i32>} : memref<320x128xf32, #tpu.memory_space<vmem>>, vector<1x16xf32>,
        %get3A_544 = vector.shape_cast %get3A_543 : vector<1x16xf32> to vector<16xf32>
        %mul3A_545 = arith.mulf %get3A_203, %get3A_544 : vector<16xf32>
        %add3A_546 = arith.addf %mul3A_540, %mul3A_545 : vector<16xf32>
        %get3A_547 = arith.index_cast %add3A_535 : i32 to index
        %get3A_548 = arith.constant 32 : index
        %get3A_549 = tpu.vector_load %arg13[%get3A_547, %get3A_548] {strides = array<i32>} : memref<320x128xf32, #tpu.memory_space<vmem>>, vector<1x16xf32>,
        %get3A_550 = vector.shape_cast %get3A_549 : vector<1x16xf32> to vector<16xf32>
        %mul3A_551 = arith.mulf %get3A_207, %get3A_550 : vector<16xf32>
        %add3A_552 = arith.addf %add3A_546, %mul3A_551 : vector<16xf32>
        %get3A_553 = arith.index_cast %add3A_535 : i32 to index
        %get3A_554 = arith.constant 48 : index
        %get3A_555 = tpu.vector_load %arg13[%get3A_553, %get3A_554] {strides = array<i32>} : memref<320x128xf32, #tpu.memory_space<vmem>>, vector<1x16xf32>,
        %get3A_556 = vector.shape_cast %get3A_555 : vector<1x16xf32> to vector<16xf32>
        %mul3A_557 = arith.mulf %get3A_211, %get3A_556 : vector<16xf32>
        %add3A_558 = arith.addf %add3A_552, %mul3A_557 : vector<16xf32>
        %mul3A_559 = arith.constant 20 : i32
        %mul3A_560 = arith.muli %scan3A_196, %mul3A_559 : i32
        %add3A_561 = arith.constant 12 : i32
        %add3A_562 = arith.addi %mul3A_560, %add3A_561 : i32
        %get3A_563 = arith.index_cast %add3A_562 : i32 to index
        %get3A_564 = arith.constant 0 : index
        %get3A_565 = tpu.vector_load %arg13[%get3A_563, %get3A_564] {strides = array<i32>} : memref<320x128xf32, #tpu.memory_space<vmem>>, vector<1x16xf32>,
        %get3A_566 = vector.shape_cast %get3A_565 : vector<1x16xf32> to vector<16xf32>
        %mul3A_567 = arith.mulf %get3A_199, %get3A_566 : vector<16xf32>
        %get3A_568 = arith.index_cast %add3A_562 : i32 to index
        %get3A_569 = arith.constant 16 : index
        %get3A_570 = tpu.vector_load %arg13[%get3A_568, %get3A_569] {strides = array<i32>} : memref<320x128xf32, #tpu.memory_space<vmem>>, vector<1x16xf32>,
        %get3A_571 = vector.shape_cast %get3A_570 : vector<1x16xf32> to vector<16xf32>
        %mul3A_572 = arith.mulf %get3A_203, %get3A_571 : vector<16xf32>
        %add3A_573 = arith.addf %mul3A_567, %mul3A_572 : vector<16xf32>
        %get3A_574 = arith.index_cast %add3A_562 : i32 to index
        %get3A_575 = arith.constant 32 : index
        %get3A_576 = tpu.vector_load %arg13[%get3A_574, %get3A_575] {strides = array<i32>} : memref<320x128xf32, #tpu.memory_space<vmem>>, vector<1x16xf32>,
        %get3A_577 = vector.shape_cast %get3A_576 : vector<1x16xf32> to vector<16xf32>
        %mul3A_578 = arith.mulf %get3A_207, %get3A_577 : vector<16xf32>
        %add3A_579 = arith.addf %add3A_573, %mul3A_578 : vector<16xf32>
        %get3A_580 = arith.index_cast %add3A_562 : i32 to index
        %get3A_581 = arith.constant 48 : index
        %get3A_582 = tpu.vector_load %arg13[%get3A_580, %get3A_581] {strides = array<i32>} : memref<320x128xf32, #tpu.memory_space<vmem>>, vector<1x16xf32>,
        %get3A_583 = vector.shape_cast %get3A_582 : vector<1x16xf32> to vector<16xf32>
        %mul3A_584 = arith.mulf %get3A_211, %get3A_583 : vector<16xf32>
        %add3A_585 = arith.addf %add3A_579, %mul3A_584 : vector<16xf32>
        %mul3A_586 = arith.constant 20 : i32
        %mul3A_587 = arith.muli %scan3A_196, %mul3A_586 : i32
        %add3A_588 = arith.constant 13 : i32
        %add3A_589 = arith.addi %mul3A_587, %add3A_588 : i32
        %get3A_590 = arith.index_cast %add3A_589 : i32 to index
        %get3A_591 = arith.constant 0 : index
        %get3A_592 = tpu.vector_load %arg13[%get3A_590, %get3A_591] {strides = array<i32>} : memref<320x128xf32, #tpu.memory_space<vmem>>, vector<1x16xf32>,
        %get3A_593 = vector.shape_cast %get3A_592 : vector<1x16xf32> to vector<16xf32>
        %mul3A_594 = arith.mulf %get3A_199, %get3A_593 : vector<16xf32>
        %get3A_595 = arith.index_cast %add3A_589 : i32 to index
        %get3A_596 = arith.constant 16 : index
        %get3A_597 = tpu.vector_load %arg13[%get3A_595, %get3A_596] {strides = array<i32>} : memref<320x128xf32, #tpu.memory_space<vmem>>, vector<1x16xf32>,
        %get3A_598 = vector.shape_cast %get3A_597 : vector<1x16xf32> to vector<16xf32>
        %mul3A_599 = arith.mulf %get3A_203, %get3A_598 : vector<16xf32>
        %add3A_600 = arith.addf %mul3A_594, %mul3A_599 : vector<16xf32>
        %get3A_601 = arith.index_cast %add3A_589 : i32 to index
        %get3A_602 = arith.constant 32 : index
        %get3A_603 = tpu.vector_load %arg13[%get3A_601, %get3A_602] {strides = array<i32>} : memref<320x128xf32, #tpu.memory_space<vmem>>, vector<1x16xf32>,
        %get3A_604 = vector.shape_cast %get3A_603 : vector<1x16xf32> to vector<16xf32>
        %mul3A_605 = arith.mulf %get3A_207, %get3A_604 : vector<16xf32>
        %add3A_606 = arith.addf %add3A_600, %mul3A_605 : vector<16xf32>
        %get3A_607 = arith.index_cast %add3A_589 : i32 to index
        %get3A_608 = arith.constant 48 : index
        %get3A_609 = tpu.vector_load %arg13[%get3A_607, %get3A_608] {strides = array<i32>} : memref<320x128xf32, #tpu.memory_space<vmem>>, vector<1x16xf32>,
        %get3A_610 = vector.shape_cast %get3A_609 : vector<1x16xf32> to vector<16xf32>
        %mul3A_611 = arith.mulf %get3A_211, %get3A_610 : vector<16xf32>
        %add3A_612 = arith.addf %add3A_606, %mul3A_611 : vector<16xf32>
        %mul3A_613 = arith.constant 20 : i32
        %mul3A_614 = arith.muli %scan3A_196, %mul3A_613 : i32
        %add3A_615 = arith.constant 14 : i32
        %add3A_616 = arith.addi %mul3A_614, %add3A_615 : i32
        %get3A_617 = arith.index_cast %add3A_616 : i32 to index
        %get3A_618 = arith.constant 0 : index
        %get3A_619 = tpu.vector_load %arg13[%get3A_617, %get3A_618] {strides = array<i32>} : memref<320x128xf32, #tpu.memory_space<vmem>>, vector<1x16xf32>,
        %get3A_620 = vector.shape_cast %get3A_619 : vector<1x16xf32> to vector<16xf32>
        %mul3A_621 = arith.mulf %get3A_199, %get3A_620 : vector<16xf32>
        %get3A_622 = arith.index_cast %add3A_616 : i32 to index
        %get3A_623 = arith.constant 16 : index
        %get3A_624 = tpu.vector_load %arg13[%get3A_622, %get3A_623] {strides = array<i32>} : memref<320x128xf32, #tpu.memory_space<vmem>>, vector<1x16xf32>,
        %get3A_625 = vector.shape_cast %get3A_624 : vector<1x16xf32> to vector<16xf32>
        %mul3A_626 = arith.mulf %get3A_203, %get3A_625 : vector<16xf32>
        %add3A_627 = arith.addf %mul3A_621, %mul3A_626 : vector<16xf32>
        %get3A_628 = arith.index_cast %add3A_616 : i32 to index
        %get3A_629 = arith.constant 32 : index
        %get3A_630 = tpu.vector_load %arg13[%get3A_628, %get3A_629] {strides = array<i32>} : memref<320x128xf32, #tpu.memory_space<vmem>>, vector<1x16xf32>,
        %get3A_631 = vector.shape_cast %get3A_630 : vector<1x16xf32> to vector<16xf32>
        %mul3A_632 = arith.mulf %get3A_207, %get3A_631 : vector<16xf32>
        %add3A_633 = arith.addf %add3A_627, %mul3A_632 : vector<16xf32>
        %get3A_634 = arith.index_cast %add3A_616 : i32 to index
        %get3A_635 = arith.constant 48 : index
        %get3A_636 = tpu.vector_load %arg13[%get3A_634, %get3A_635] {strides = array<i32>} : memref<320x128xf32, #tpu.memory_space<vmem>>, vector<1x16xf32>,
        %get3A_637 = vector.shape_cast %get3A_636 : vector<1x16xf32> to vector<16xf32>
        %mul3A_638 = arith.mulf %get3A_211, %get3A_637 : vector<16xf32>
        %add3A_639 = arith.addf %add3A_633, %mul3A_638 : vector<16xf32>
        %iota3A = tpu.iota {dimensions = array<i32: 0>} : vector<16xi32>
        %xor3A = arith.constant 1 : i32
        %xor3A_640 = vector.broadcast %xor3A : i32 to vector<16xi32>
        %xor3A_641 = arith.xori %iota3A, %xor3A_640 : vector<16xi32>
        %iota3A_642 = tpu.iota {dimensions = array<i32: 0>} : vector<16xi32>
        %and3A = arith.constant 1 : i32
        %and3A_643 = vector.broadcast %and3A : i32 to vector<16xi32>
        %and3A_644 = arith.andi %iota3A_642, %and3A_643 : vector<16xi32>
        %eq3A = arith.constant 0 : i32
        %eq3A_645 = vector.broadcast %eq3A : i32 to vector<16xi32>
        %eq3A_646 = arith.cmpi eq, %and3A_644, %eq3A_645 : vector<16xi32>
        %lt3A_647 = arith.constant 0 : i32
        %lt3A_648 = vector.broadcast %lt3A_647 : i32 to vector<16xi32>
        %lt3A_649 = arith.cmpi slt, %xor3A_641, %lt3A_648 : vector<16xi32>
        %add3A_650 = arith.constant 16 : i32
        %add3A_651 = vector.broadcast %add3A_650 : i32 to vector<16xi32>
        %add3A_652 = arith.addi %xor3A_641, %add3A_651 : vector<16xi32>
        %select_n3A = arith.select %lt3A_649, %add3A_652, %xor3A_641 : vector<16xi1>, vector<16xi32>
        %broadcast_in_dim3A = vector.shape_cast %select_n3A : vector<16xi32> to vector<16x1xi32>
        %gather3A = vector.shape_cast %broadcast_in_dim3A : vector<16x1xi32> to vector<16xi32>
        %gather3A_653 = tpu.dynamic_gather %add3A_261[%gather3A] in [0] : vector<16xf32>, vector<16xi32> -> vector<16xf32>
        %select_n3A_654 = arith.select %eq3A_646, %add3A_234, %gather3A_653 : vector<16xi1>, vector<16xf32>
        %lt3A_655 = arith.constant 0 : i32
        %lt3A_656 = vector.broadcast %lt3A_655 : i32 to vector<16xi32>
        %lt3A_657 = arith.cmpi slt, %xor3A_641, %lt3A_656 : vector<16xi32>
        %add3A_658 = arith.constant 16 : i32
        %add3A_659 = vector.broadcast %add3A_658 : i32 to vector<16xi32>
        %add3A_660 = arith.addi %xor3A_641, %add3A_659 : vector<16xi32>
        %select_n3A_661 = arith.select %lt3A_657, %add3A_660, %xor3A_641 : vector<16xi1>, vector<16xi32>
        %broadcast_in_dim3A_662 = vector.shape_cast %select_n3A_661 : vector<16xi32> to vector<16x1xi32>
        %gather3A_663 = vector.shape_cast %broadcast_in_dim3A_662 : vector<16x1xi32> to vector<16xi32>
        %gather3A_664 = tpu.dynamic_gather %add3A_234[%gather3A_663] in [0] : vector<16xf32>, vector<16xi32> -> vector<16xf32>
        %select_n3A_665 = arith.select %eq3A_646, %gather3A_664, %add3A_261 : vector<16xi1>, vector<16xf32>
        %add3A_666 = arith.addf %select_n3A_654, %select_n3A_665 : vector<16xf32>
        %iota3A_667 = tpu.iota {dimensions = array<i32: 0>} : vector<16xi32>
        %xor3A_668 = arith.constant 1 : i32
        %xor3A_669 = vector.broadcast %xor3A_668 : i32 to vector<16xi32>
        %xor3A_670 = arith.xori %iota3A_667, %xor3A_669 : vector<16xi32>
        %iota3A_671 = tpu.iota {dimensions = array<i32: 0>} : vector<16xi32>
        %and3A_672 = arith.constant 1 : i32
        %and3A_673 = vector.broadcast %and3A_672 : i32 to vector<16xi32>
        %and3A_674 = arith.andi %iota3A_671, %and3A_673 : vector<16xi32>
        %eq3A_675 = arith.constant 0 : i32
        %eq3A_676 = vector.broadcast %eq3A_675 : i32 to vector<16xi32>
        %eq3A_677 = arith.cmpi eq, %and3A_674, %eq3A_676 : vector<16xi32>
        %lt3A_678 = arith.constant 0 : i32
        %lt3A_679 = vector.broadcast %lt3A_678 : i32 to vector<16xi32>
        %lt3A_680 = arith.cmpi slt, %xor3A_670, %lt3A_679 : vector<16xi32>
        %add3A_681 = arith.constant 16 : i32
        %add3A_682 = vector.broadcast %add3A_681 : i32 to vector<16xi32>
        %add3A_683 = arith.addi %xor3A_670, %add3A_682 : vector<16xi32>
        %select_n3A_684 = arith.select %lt3A_680, %add3A_683, %xor3A_670 : vector<16xi1>, vector<16xi32>
        %broadcast_in_dim3A_685 = vector.shape_cast %select_n3A_684 : vector<16xi32> to vector<16x1xi32>
        %gather3A_686 = vector.shape_cast %broadcast_in_dim3A_685 : vector<16x1xi32> to vector<16xi32>
        %gather3A_687 = tpu.dynamic_gather %add3A_315[%gather3A_686] in [0] : vector<16xf32>, vector<16xi32> -> vector<16xf32>
        %select_n3A_688 = arith.select %eq3A_677, %add3A_288, %gather3A_687 : vector<16xi1>, vector<16xf32>
        %lt3A_689 = arith.constant 0 : i32
        %lt3A_690 = vector.broadcast %lt3A_689 : i32 to vector<16xi32>
        %lt3A_691 = arith.cmpi slt, %xor3A_670, %lt3A_690 : vector<16xi32>
        %add3A_692 = arith.constant 16 : i32
        %add3A_693 = vector.broadcast %add3A_692 : i32 to vector<16xi32>
        %add3A_694 = arith.addi %xor3A_670, %add3A_693 : vector<16xi32>
        %select_n3A_695 = arith.select %lt3A_691, %add3A_694, %xor3A_670 : vector<16xi1>, vector<16xi32>
        %broadcast_in_dim3A_696 = vector.shape_cast %select_n3A_695 : vector<16xi32> to vector<16x1xi32>
        %gather3A_697 = vector.shape_cast %broadcast_in_dim3A_696 : vector<16x1xi32> to vector<16xi32>
        %gather3A_698 = tpu.dynamic_gather %add3A_288[%gather3A_697] in [0] : vector<16xf32>, vector<16xi32> -> vector<16xf32>
        %select_n3A_699 = arith.select %eq3A_677, %gather3A_698, %add3A_315 : vector<16xi1>, vector<16xf32>
        %add3A_700 = arith.addf %select_n3A_688, %select_n3A_699 : vector<16xf32>
        %iota3A_701 = tpu.iota {dimensions = array<i32: 0>} : vector<16xi32>
        %xor3A_702 = arith.constant 1 : i32
        %xor3A_703 = vector.broadcast %xor3A_702 : i32 to vector<16xi32>
        %xor3A_704 = arith.xori %iota3A_701, %xor3A_703 : vector<16xi32>
        %iota3A_705 = tpu.iota {dimensions = array<i32: 0>} : vector<16xi32>
        %and3A_706 = arith.constant 1 : i32
        %and3A_707 = vector.broadcast %and3A_706 : i32 to vector<16xi32>
        %and3A_708 = arith.andi %iota3A_705, %and3A_707 : vector<16xi32>
        %eq3A_709 = arith.constant 0 : i32
        %eq3A_710 = vector.broadcast %eq3A_709 : i32 to vector<16xi32>
        %eq3A_711 = arith.cmpi eq, %and3A_708, %eq3A_710 : vector<16xi32>
        %lt3A_712 = arith.constant 0 : i32
        %lt3A_713 = vector.broadcast %lt3A_712 : i32 to vector<16xi32>
        %lt3A_714 = arith.cmpi slt, %xor3A_704, %lt3A_713 : vector<16xi32>
        %add3A_715 = arith.constant 16 : i32
        %add3A_716 = vector.broadcast %add3A_715 : i32 to vector<16xi32>
        %add3A_717 = arith.addi %xor3A_704, %add3A_716 : vector<16xi32>
        %select_n3A_718 = arith.select %lt3A_714, %add3A_717, %xor3A_704 : vector<16xi1>, vector<16xi32>
        %broadcast_in_dim3A_719 = vector.shape_cast %select_n3A_718 : vector<16xi32> to vector<16x1xi32>
        %gather3A_720 = vector.shape_cast %broadcast_in_dim3A_719 : vector<16x1xi32> to vector<16xi32>
        %gather3A_721 = tpu.dynamic_gather %add3A_369[%gather3A_720] in [0] : vector<16xf32>, vector<16xi32> -> vector<16xf32>
        %select_n3A_722 = arith.select %eq3A_711, %add3A_342, %gather3A_721 : vector<16xi1>, vector<16xf32>
        %lt3A_723 = arith.constant 0 : i32
        %lt3A_724 = vector.broadcast %lt3A_723 : i32 to vector<16xi32>
        %lt3A_725 = arith.cmpi slt, %xor3A_704, %lt3A_724 : vector<16xi32>
        %add3A_726 = arith.constant 16 : i32
        %add3A_727 = vector.broadcast %add3A_726 : i32 to vector<16xi32>
        %add3A_728 = arith.addi %xor3A_704, %add3A_727 : vector<16xi32>
        %select_n3A_729 = arith.select %lt3A_725, %add3A_728, %xor3A_704 : vector<16xi1>, vector<16xi32>
        %broadcast_in_dim3A_730 = vector.shape_cast %select_n3A_729 : vector<16xi32> to vector<16x1xi32>
        %gather3A_731 = vector.shape_cast %broadcast_in_dim3A_730 : vector<16x1xi32> to vector<16xi32>
        %gather3A_732 = tpu.dynamic_gather %add3A_342[%gather3A_731] in [0] : vector<16xf32>, vector<16xi32> -> vector<16xf32>
        %select_n3A_733 = arith.select %eq3A_711, %gather3A_732, %add3A_369 : vector<16xi1>, vector<16xf32>
        %add3A_734 = arith.addf %select_n3A_722, %select_n3A_733 : vector<16xf32>
        %iota3A_735 = tpu.iota {dimensions = array<i32: 0>} : vector<16xi32>
        %xor3A_736 = arith.constant 1 : i32
        %xor3A_737 = vector.broadcast %xor3A_736 : i32 to vector<16xi32>
        %xor3A_738 = arith.xori %iota3A_735, %xor3A_737 : vector<16xi32>
        %iota3A_739 = tpu.iota {dimensions = array<i32: 0>} : vector<16xi32>
        %and3A_740 = arith.constant 1 : i32
        %and3A_741 = vector.broadcast %and3A_740 : i32 to vector<16xi32>
        %and3A_742 = arith.andi %iota3A_739, %and3A_741 : vector<16xi32>
        %eq3A_743 = arith.constant 0 : i32
        %eq3A_744 = vector.broadcast %eq3A_743 : i32 to vector<16xi32>
        %eq3A_745 = arith.cmpi eq, %and3A_742, %eq3A_744 : vector<16xi32>
        %lt3A_746 = arith.constant 0 : i32
        %lt3A_747 = vector.broadcast %lt3A_746 : i32 to vector<16xi32>
        %lt3A_748 = arith.cmpi slt, %xor3A_738, %lt3A_747 : vector<16xi32>
        %add3A_749 = arith.constant 16 : i32
        %add3A_750 = vector.broadcast %add3A_749 : i32 to vector<16xi32>
        %add3A_751 = arith.addi %xor3A_738, %add3A_750 : vector<16xi32>
        %select_n3A_752 = arith.select %lt3A_748, %add3A_751, %xor3A_738 : vector<16xi1>, vector<16xi32>
        %broadcast_in_dim3A_753 = vector.shape_cast %select_n3A_752 : vector<16xi32> to vector<16x1xi32>
        %gather3A_754 = vector.shape_cast %broadcast_in_dim3A_753 : vector<16x1xi32> to vector<16xi32>
        %gather3A_755 = tpu.dynamic_gather %add3A_423[%gather3A_754] in [0] : vector<16xf32>, vector<16xi32> -> vector<16xf32>
        %select_n3A_756 = arith.select %eq3A_745, %add3A_396, %gather3A_755 : vector<16xi1>, vector<16xf32>
        %lt3A_757 = arith.constant 0 : i32
        %lt3A_758 = vector.broadcast %lt3A_757 : i32 to vector<16xi32>
        %lt3A_759 = arith.cmpi slt, %xor3A_738, %lt3A_758 : vector<16xi32>
        %add3A_760 = arith.constant 16 : i32
        %add3A_761 = vector.broadcast %add3A_760 : i32 to vector<16xi32>
        %add3A_762 = arith.addi %xor3A_738, %add3A_761 : vector<16xi32>
        %select_n3A_763 = arith.select %lt3A_759, %add3A_762, %xor3A_738 : vector<16xi1>, vector<16xi32>
        %broadcast_in_dim3A_764 = vector.shape_cast %select_n3A_763 : vector<16xi32> to vector<16x1xi32>
        %gather3A_765 = vector.shape_cast %broadcast_in_dim3A_764 : vector<16x1xi32> to vector<16xi32>
        %gather3A_766 = tpu.dynamic_gather %add3A_396[%gather3A_765] in [0] : vector<16xf32>, vector<16xi32> -> vector<16xf32>
        %select_n3A_767 = arith.select %eq3A_745, %gather3A_766, %add3A_423 : vector<16xi1>, vector<16xf32>
        %add3A_768 = arith.addf %select_n3A_756, %select_n3A_767 : vector<16xf32>
        %iota3A_769 = tpu.iota {dimensions = array<i32: 0>} : vector<16xi32>
        %xor3A_770 = arith.constant 1 : i32
        %xor3A_771 = vector.broadcast %xor3A_770 : i32 to vector<16xi32>
        %xor3A_772 = arith.xori %iota3A_769, %xor3A_771 : vector<16xi32>
        %iota3A_773 = tpu.iota {dimensions = array<i32: 0>} : vector<16xi32>
        %and3A_774 = arith.constant 1 : i32
        %and3A_775 = vector.broadcast %and3A_774 : i32 to vector<16xi32>
        %and3A_776 = arith.andi %iota3A_773, %and3A_775 : vector<16xi32>
        %eq3A_777 = arith.constant 0 : i32
        %eq3A_778 = vector.broadcast %eq3A_777 : i32 to vector<16xi32>
        %eq3A_779 = arith.cmpi eq, %and3A_776, %eq3A_778 : vector<16xi32>
        %lt3A_780 = arith.constant 0 : i32
        %lt3A_781 = vector.broadcast %lt3A_780 : i32 to vector<16xi32>
        %lt3A_782 = arith.cmpi slt, %xor3A_772, %lt3A_781 : vector<16xi32>
        %add3A_783 = arith.constant 16 : i32
        %add3A_784 = vector.broadcast %add3A_783 : i32 to vector<16xi32>
        %add3A_785 = arith.addi %xor3A_772, %add3A_784 : vector<16xi32>
        %select_n3A_786 = arith.select %lt3A_782, %add3A_785, %xor3A_772 : vector<16xi1>, vector<16xi32>
        %broadcast_in_dim3A_787 = vector.shape_cast %select_n3A_786 : vector<16xi32> to vector<16x1xi32>
        %gather3A_788 = vector.shape_cast %broadcast_in_dim3A_787 : vector<16x1xi32> to vector<16xi32>
        %gather3A_789 = tpu.dynamic_gather %add3A_477[%gather3A_788] in [0] : vector<16xf32>, vector<16xi32> -> vector<16xf32>
        %select_n3A_790 = arith.select %eq3A_779, %add3A_450, %gather3A_789 : vector<16xi1>, vector<16xf32>
        %lt3A_791 = arith.constant 0 : i32
        %lt3A_792 = vector.broadcast %lt3A_791 : i32 to vector<16xi32>
        %lt3A_793 = arith.cmpi slt, %xor3A_772, %lt3A_792 : vector<16xi32>
        %add3A_794 = arith.constant 16 : i32
        %add3A_795 = vector.broadcast %add3A_794 : i32 to vector<16xi32>
        %add3A_796 = arith.addi %xor3A_772, %add3A_795 : vector<16xi32>
        %select_n3A_797 = arith.select %lt3A_793, %add3A_796, %xor3A_772 : vector<16xi1>, vector<16xi32>
        %broadcast_in_dim3A_798 = vector.shape_cast %select_n3A_797 : vector<16xi32> to vector<16x1xi32>
        %gather3A_799 = vector.shape_cast %broadcast_in_dim3A_798 : vector<16x1xi32> to vector<16xi32>
        %gather3A_800 = tpu.dynamic_gather %add3A_450[%gather3A_799] in [0] : vector<16xf32>, vector<16xi32> -> vector<16xf32>
        %select_n3A_801 = arith.select %eq3A_779, %gather3A_800, %add3A_477 : vector<16xi1>, vector<16xf32>
        %add3A_802 = arith.addf %select_n3A_790, %select_n3A_801 : vector<16xf32>
        %iota3A_803 = tpu.iota {dimensions = array<i32: 0>} : vector<16xi32>
        %xor3A_804 = arith.constant 1 : i32
        %xor3A_805 = vector.broadcast %xor3A_804 : i32 to vector<16xi32>
        %xor3A_806 = arith.xori %iota3A_803, %xor3A_805 : vector<16xi32>
        %iota3A_807 = tpu.iota {dimensions = array<i32: 0>} : vector<16xi32>
        %and3A_808 = arith.constant 1 : i32
        %and3A_809 = vector.broadcast %and3A_808 : i32 to vector<16xi32>
        %and3A_810 = arith.andi %iota3A_807, %and3A_809 : vector<16xi32>
        %eq3A_811 = arith.constant 0 : i32
        %eq3A_812 = vector.broadcast %eq3A_811 : i32 to vector<16xi32>
        %eq3A_813 = arith.cmpi eq, %and3A_810, %eq3A_812 : vector<16xi32>
        %lt3A_814 = arith.constant 0 : i32
        %lt3A_815 = vector.broadcast %lt3A_814 : i32 to vector<16xi32>
        %lt3A_816 = arith.cmpi slt, %xor3A_806, %lt3A_815 : vector<16xi32>
        %add3A_817 = arith.constant 16 : i32
        %add3A_818 = vector.broadcast %add3A_817 : i32 to vector<16xi32>
        %add3A_819 = arith.addi %xor3A_806, %add3A_818 : vector<16xi32>
        %select_n3A_820 = arith.select %lt3A_816, %add3A_819, %xor3A_806 : vector<16xi1>, vector<16xi32>
        %broadcast_in_dim3A_821 = vector.shape_cast %select_n3A_820 : vector<16xi32> to vector<16x1xi32>
        %gather3A_822 = vector.shape_cast %broadcast_in_dim3A_821 : vector<16x1xi32> to vector<16xi32>
        %gather3A_823 = tpu.dynamic_gather %add3A_531[%gather3A_822] in [0] : vector<16xf32>, vector<16xi32> -> vector<16xf32>
        %select_n3A_824 = arith.select %eq3A_813, %add3A_504, %gather3A_823 : vector<16xi1>, vector<16xf32>
        %lt3A_825 = arith.constant 0 : i32
        %lt3A_826 = vector.broadcast %lt3A_825 : i32 to vector<16xi32>
        %lt3A_827 = arith.cmpi slt, %xor3A_806, %lt3A_826 : vector<16xi32>
        %add3A_828 = arith.constant 16 : i32
        %add3A_829 = vector.broadcast %add3A_828 : i32 to vector<16xi32>
        %add3A_830 = arith.addi %xor3A_806, %add3A_829 : vector<16xi32>
        %select_n3A_831 = arith.select %lt3A_827, %add3A_830, %xor3A_806 : vector<16xi1>, vector<16xi32>
        %broadcast_in_dim3A_832 = vector.shape_cast %select_n3A_831 : vector<16xi32> to vector<16x1xi32>
        %gather3A_833 = vector.shape_cast %broadcast_in_dim3A_832 : vector<16x1xi32> to vector<16xi32>
        %gather3A_834 = tpu.dynamic_gather %add3A_504[%gather3A_833] in [0] : vector<16xf32>, vector<16xi32> -> vector<16xf32>
        %select_n3A_835 = arith.select %eq3A_813, %gather3A_834, %add3A_531 : vector<16xi1>, vector<16xf32>
        %add3A_836 = arith.addf %select_n3A_824, %select_n3A_835 : vector<16xf32>
        %iota3A_837 = tpu.iota {dimensions = array<i32: 0>} : vector<16xi32>
        %xor3A_838 = arith.constant 1 : i32
        %xor3A_839 = vector.broadcast %xor3A_838 : i32 to vector<16xi32>
        %xor3A_840 = arith.xori %iota3A_837, %xor3A_839 : vector<16xi32>
        %iota3A_841 = tpu.iota {dimensions = array<i32: 0>} : vector<16xi32>
        %and3A_842 = arith.constant 1 : i32
        %and3A_843 = vector.broadcast %and3A_842 : i32 to vector<16xi32>
        %and3A_844 = arith.andi %iota3A_841, %and3A_843 : vector<16xi32>
        %eq3A_845 = arith.constant 0 : i32
        %eq3A_846 = vector.broadcast %eq3A_845 : i32 to vector<16xi32>
        %eq3A_847 = arith.cmpi eq, %and3A_844, %eq3A_846 : vector<16xi32>
        %lt3A_848 = arith.constant 0 : i32
        %lt3A_849 = vector.broadcast %lt3A_848 : i32 to vector<16xi32>
        %lt3A_850 = arith.cmpi slt, %xor3A_840, %lt3A_849 : vector<16xi32>
        %add3A_851 = arith.constant 16 : i32
        %add3A_852 = vector.broadcast %add3A_851 : i32 to vector<16xi32>
        %add3A_853 = arith.addi %xor3A_840, %add3A_852 : vector<16xi32>
        %select_n3A_854 = arith.select %lt3A_850, %add3A_853, %xor3A_840 : vector<16xi1>, vector<16xi32>
        %broadcast_in_dim3A_855 = vector.shape_cast %select_n3A_854 : vector<16xi32> to vector<16x1xi32>
        %gather3A_856 = vector.shape_cast %broadcast_in_dim3A_855 : vector<16x1xi32> to vector<16xi32>
        %gather3A_857 = tpu.dynamic_gather %add3A_585[%gather3A_856] in [0] : vector<16xf32>, vector<16xi32> -> vector<16xf32>
        %select_n3A_858 = arith.select %eq3A_847, %add3A_558, %gather3A_857 : vector<16xi1>, vector<16xf32>
        %lt3A_859 = arith.constant 0 : i32
        %lt3A_860 = vector.broadcast %lt3A_859 : i32 to vector<16xi32>
        %lt3A_861 = arith.cmpi slt, %xor3A_840, %lt3A_860 : vector<16xi32>
        %add3A_862 = arith.constant 16 : i32
        %add3A_863 = vector.broadcast %add3A_862 : i32 to vector<16xi32>
        %add3A_864 = arith.addi %xor3A_840, %add3A_863 : vector<16xi32>
        %select_n3A_865 = arith.select %lt3A_861, %add3A_864, %xor3A_840 : vector<16xi1>, vector<16xi32>
        %broadcast_in_dim3A_866 = vector.shape_cast %select_n3A_865 : vector<16xi32> to vector<16x1xi32>
        %gather3A_867 = vector.shape_cast %broadcast_in_dim3A_866 : vector<16x1xi32> to vector<16xi32>
        %gather3A_868 = tpu.dynamic_gather %add3A_558[%gather3A_867] in [0] : vector<16xf32>, vector<16xi32> -> vector<16xf32>
        %select_n3A_869 = arith.select %eq3A_847, %gather3A_868, %add3A_585 : vector<16xi1>, vector<16xf32>
        %add3A_870 = arith.addf %select_n3A_858, %select_n3A_869 : vector<16xf32>
        %iota3A_871 = tpu.iota {dimensions = array<i32: 0>} : vector<16xi32>
        %xor3A_872 = arith.constant 1 : i32
        %xor3A_873 = vector.broadcast %xor3A_872 : i32 to vector<16xi32>
        %xor3A_874 = arith.xori %iota3A_871, %xor3A_873 : vector<16xi32>
        %iota3A_875 = tpu.iota {dimensions = array<i32: 0>} : vector<16xi32>
        %and3A_876 = arith.constant 1 : i32
        %and3A_877 = vector.broadcast %and3A_876 : i32 to vector<16xi32>
        %and3A_878 = arith.andi %iota3A_875, %and3A_877 : vector<16xi32>
        %eq3A_879 = arith.constant 0 : i32
        %eq3A_880 = vector.broadcast %eq3A_879 : i32 to vector<16xi32>
        %eq3A_881 = arith.cmpi eq, %and3A_878, %eq3A_880 : vector<16xi32>
        %lt3A_882 = arith.constant 0 : i32
        %lt3A_883 = vector.broadcast %lt3A_882 : i32 to vector<16xi32>
        %lt3A_884 = arith.cmpi slt, %xor3A_874, %lt3A_883 : vector<16xi32>
        %add3A_885 = arith.constant 16 : i32
        %add3A_886 = vector.broadcast %add3A_885 : i32 to vector<16xi32>
        %add3A_887 = arith.addi %xor3A_874, %add3A_886 : vector<16xi32>
        %select_n3A_888 = arith.select %lt3A_884, %add3A_887, %xor3A_874 : vector<16xi1>, vector<16xi32>
        %broadcast_in_dim3A_889 = vector.shape_cast %select_n3A_888 : vector<16xi32> to vector<16x1xi32>
        %gather3A_890 = vector.shape_cast %broadcast_in_dim3A_889 : vector<16x1xi32> to vector<16xi32>
        %gather3A_891 = tpu.dynamic_gather %add3A_639[%gather3A_890] in [0] : vector<16xf32>, vector<16xi32> -> vector<16xf32>
        %select_n3A_892 = arith.select %eq3A_881, %add3A_612, %gather3A_891 : vector<16xi1>, vector<16xf32>
        %lt3A_893 = arith.constant 0 : i32
        %lt3A_894 = vector.broadcast %lt3A_893 : i32 to vector<16xi32>
        %lt3A_895 = arith.cmpi slt, %xor3A_874, %lt3A_894 : vector<16xi32>
        %add3A_896 = arith.constant 16 : i32
        %add3A_897 = vector.broadcast %add3A_896 : i32 to vector<16xi32>
        %add3A_898 = arith.addi %xor3A_874, %add3A_897 : vector<16xi32>
        %select_n3A_899 = arith.select %lt3A_895, %add3A_898, %xor3A_874 : vector<16xi1>, vector<16xi32>
        %broadcast_in_dim3A_900 = vector.shape_cast %select_n3A_899 : vector<16xi32> to vector<16x1xi32>
        %gather3A_901 = vector.shape_cast %broadcast_in_dim3A_900 : vector<16x1xi32> to vector<16xi32>
        %gather3A_902 = tpu.dynamic_gather %add3A_612[%gather3A_901] in [0] : vector<16xf32>, vector<16xi32> -> vector<16xf32>
        %select_n3A_903 = arith.select %eq3A_881, %gather3A_902, %add3A_639 : vector<16xi1>, vector<16xf32>
        %add3A_904 = arith.addf %select_n3A_892, %select_n3A_903 : vector<16xf32>
        %iota3A_905 = tpu.iota {dimensions = array<i32: 0>} : vector<16xi32>
        %xor3A_906 = arith.constant 2 : i32
        %xor3A_907 = vector.broadcast %xor3A_906 : i32 to vector<16xi32>
        %xor3A_908 = arith.xori %iota3A_905, %xor3A_907 : vector<16xi32>
        %iota3A_909 = tpu.iota {dimensions = array<i32: 0>} : vector<16xi32>
        %and3A_910 = arith.constant 2 : i32
        %and3A_911 = vector.broadcast %and3A_910 : i32 to vector<16xi32>
        %and3A_912 = arith.andi %iota3A_909, %and3A_911 : vector<16xi32>
        %eq3A_913 = arith.constant 0 : i32
        %eq3A_914 = vector.broadcast %eq3A_913 : i32 to vector<16xi32>
        %eq3A_915 = arith.cmpi eq, %and3A_912, %eq3A_914 : vector<16xi32>
        %lt3A_916 = arith.constant 0 : i32
        %lt3A_917 = vector.broadcast %lt3A_916 : i32 to vector<16xi32>
        %lt3A_918 = arith.cmpi slt, %xor3A_908, %lt3A_917 : vector<16xi32>
        %add3A_919 = arith.constant 16 : i32
        %add3A_920 = vector.broadcast %add3A_919 : i32 to vector<16xi32>
        %add3A_921 = arith.addi %xor3A_908, %add3A_920 : vector<16xi32>
        %select_n3A_922 = arith.select %lt3A_918, %add3A_921, %xor3A_908 : vector<16xi1>, vector<16xi32>
        %broadcast_in_dim3A_923 = vector.shape_cast %select_n3A_922 : vector<16xi32> to vector<16x1xi32>
        %gather3A_924 = vector.shape_cast %broadcast_in_dim3A_923 : vector<16x1xi32> to vector<16xi32>
        %gather3A_925 = tpu.dynamic_gather %add3A_700[%gather3A_924] in [0] : vector<16xf32>, vector<16xi32> -> vector<16xf32>
        %select_n3A_926 = arith.select %eq3A_915, %add3A_666, %gather3A_925 : vector<16xi1>, vector<16xf32>
        %lt3A_927 = arith.constant 0 : i32
        %lt3A_928 = vector.broadcast %lt3A_927 : i32 to vector<16xi32>
        %lt3A_929 = arith.cmpi slt, %xor3A_908, %lt3A_928 : vector<16xi32>
        %add3A_930 = arith.constant 16 : i32
        %add3A_931 = vector.broadcast %add3A_930 : i32 to vector<16xi32>
        %add3A_932 = arith.addi %xor3A_908, %add3A_931 : vector<16xi32>
        %select_n3A_933 = arith.select %lt3A_929, %add3A_932, %xor3A_908 : vector<16xi1>, vector<16xi32>
        %broadcast_in_dim3A_934 = vector.shape_cast %select_n3A_933 : vector<16xi32> to vector<16x1xi32>
        %gather3A_935 = vector.shape_cast %broadcast_in_dim3A_934 : vector<16x1xi32> to vector<16xi32>
        %gather3A_936 = tpu.dynamic_gather %add3A_666[%gather3A_935] in [0] : vector<16xf32>, vector<16xi32> -> vector<16xf32>
        %select_n3A_937 = arith.select %eq3A_915, %gather3A_936, %add3A_700 : vector<16xi1>, vector<16xf32>
        %add3A_938 = arith.addf %select_n3A_926, %select_n3A_937 : vector<16xf32>
        %iota3A_939 = tpu.iota {dimensions = array<i32: 0>} : vector<16xi32>
        %xor3A_940 = arith.constant 2 : i32
        %xor3A_941 = vector.broadcast %xor3A_940 : i32 to vector<16xi32>
        %xor3A_942 = arith.xori %iota3A_939, %xor3A_941 : vector<16xi32>
        %iota3A_943 = tpu.iota {dimensions = array<i32: 0>} : vector<16xi32>
        %and3A_944 = arith.constant 2 : i32
        %and3A_945 = vector.broadcast %and3A_944 : i32 to vector<16xi32>
        %and3A_946 = arith.andi %iota3A_943, %and3A_945 : vector<16xi32>
        %eq3A_947 = arith.constant 0 : i32
        %eq3A_948 = vector.broadcast %eq3A_947 : i32 to vector<16xi32>
        %eq3A_949 = arith.cmpi eq, %and3A_946, %eq3A_948 : vector<16xi32>
        %lt3A_950 = arith.constant 0 : i32
        %lt3A_951 = vector.broadcast %lt3A_950 : i32 to vector<16xi32>
        %lt3A_952 = arith.cmpi slt, %xor3A_942, %lt3A_951 : vector<16xi32>
        %add3A_953 = arith.constant 16 : i32
        %add3A_954 = vector.broadcast %add3A_953 : i32 to vector<16xi32>
        %add3A_955 = arith.addi %xor3A_942, %add3A_954 : vector<16xi32>
        %select_n3A_956 = arith.select %lt3A_952, %add3A_955, %xor3A_942 : vector<16xi1>, vector<16xi32>
        %broadcast_in_dim3A_957 = vector.shape_cast %select_n3A_956 : vector<16xi32> to vector<16x1xi32>
        %gather3A_958 = vector.shape_cast %broadcast_in_dim3A_957 : vector<16x1xi32> to vector<16xi32>
        %gather3A_959 = tpu.dynamic_gather %add3A_768[%gather3A_958] in [0] : vector<16xf32>, vector<16xi32> -> vector<16xf32>
        %select_n3A_960 = arith.select %eq3A_949, %add3A_734, %gather3A_959 : vector<16xi1>, vector<16xf32>
        %lt3A_961 = arith.constant 0 : i32
        %lt3A_962 = vector.broadcast %lt3A_961 : i32 to vector<16xi32>
        %lt3A_963 = arith.cmpi slt, %xor3A_942, %lt3A_962 : vector<16xi32>
        %add3A_964 = arith.constant 16 : i32
        %add3A_965 = vector.broadcast %add3A_964 : i32 to vector<16xi32>
        %add3A_966 = arith.addi %xor3A_942, %add3A_965 : vector<16xi32>
        %select_n3A_967 = arith.select %lt3A_963, %add3A_966, %xor3A_942 : vector<16xi1>, vector<16xi32>
        %broadcast_in_dim3A_968 = vector.shape_cast %select_n3A_967 : vector<16xi32> to vector<16x1xi32>
        %gather3A_969 = vector.shape_cast %broadcast_in_dim3A_968 : vector<16x1xi32> to vector<16xi32>
        %gather3A_970 = tpu.dynamic_gather %add3A_734[%gather3A_969] in [0] : vector<16xf32>, vector<16xi32> -> vector<16xf32>
        %select_n3A_971 = arith.select %eq3A_949, %gather3A_970, %add3A_768 : vector<16xi1>, vector<16xf32>
        %add3A_972 = arith.addf %select_n3A_960, %select_n3A_971 : vector<16xf32>
        %iota3A_973 = tpu.iota {dimensions = array<i32: 0>} : vector<16xi32>
        %xor3A_974 = arith.constant 2 : i32
        %xor3A_975 = vector.broadcast %xor3A_974 : i32 to vector<16xi32>
        %xor3A_976 = arith.xori %iota3A_973, %xor3A_975 : vector<16xi32>
        %iota3A_977 = tpu.iota {dimensions = array<i32: 0>} : vector<16xi32>
        %and3A_978 = arith.constant 2 : i32
        %and3A_979 = vector.broadcast %and3A_978 : i32 to vector<16xi32>
        %and3A_980 = arith.andi %iota3A_977, %and3A_979 : vector<16xi32>
        %eq3A_981 = arith.constant 0 : i32
        %eq3A_982 = vector.broadcast %eq3A_981 : i32 to vector<16xi32>
        %eq3A_983 = arith.cmpi eq, %and3A_980, %eq3A_982 : vector<16xi32>
        %lt3A_984 = arith.constant 0 : i32
        %lt3A_985 = vector.broadcast %lt3A_984 : i32 to vector<16xi32>
        %lt3A_986 = arith.cmpi slt, %xor3A_976, %lt3A_985 : vector<16xi32>
        %add3A_987 = arith.constant 16 : i32
        %add3A_988 = vector.broadcast %add3A_987 : i32 to vector<16xi32>
        %add3A_989 = arith.addi %xor3A_976, %add3A_988 : vector<16xi32>
        %select_n3A_990 = arith.select %lt3A_986, %add3A_989, %xor3A_976 : vector<16xi1>, vector<16xi32>
        %broadcast_in_dim3A_991 = vector.shape_cast %select_n3A_990 : vector<16xi32> to vector<16x1xi32>
        %gather3A_992 = vector.shape_cast %broadcast_in_dim3A_991 : vector<16x1xi32> to vector<16xi32>
        %gather3A_993 = tpu.dynamic_gather %add3A_836[%gather3A_992] in [0] : vector<16xf32>, vector<16xi32> -> vector<16xf32>
        %select_n3A_994 = arith.select %eq3A_983, %add3A_802, %gather3A_993 : vector<16xi1>, vector<16xf32>
        %lt3A_995 = arith.constant 0 : i32
        %lt3A_996 = vector.broadcast %lt3A_995 : i32 to vector<16xi32>
        %lt3A_997 = arith.cmpi slt, %xor3A_976, %lt3A_996 : vector<16xi32>
        %add3A_998 = arith.constant 16 : i32
        %add3A_999 = vector.broadcast %add3A_998 : i32 to vector<16xi32>
        %add3A_1000 = arith.addi %xor3A_976, %add3A_999 : vector<16xi32>
        %select_n3A_1001 = arith.select %lt3A_997, %add3A_1000, %xor3A_976 : vector<16xi1>, vector<16xi32>
        %broadcast_in_dim3A_1002 = vector.shape_cast %select_n3A_1001 : vector<16xi32> to vector<16x1xi32>
        %gather3A_1003 = vector.shape_cast %broadcast_in_dim3A_1002 : vector<16x1xi32> to vector<16xi32>
        %gather3A_1004 = tpu.dynamic_gather %add3A_802[%gather3A_1003] in [0] : vector<16xf32>, vector<16xi32> -> vector<16xf32>
        %select_n3A_1005 = arith.select %eq3A_983, %gather3A_1004, %add3A_836 : vector<16xi1>, vector<16xf32>
        %add3A_1006 = arith.addf %select_n3A_994, %select_n3A_1005 : vector<16xf32>
        %iota3A_1007 = tpu.iota {dimensions = array<i32: 0>} : vector<16xi32>
        %xor3A_1008 = arith.constant 2 : i32
        %xor3A_1009 = vector.broadcast %xor3A_1008 : i32 to vector<16xi32>
        %xor3A_1010 = arith.xori %iota3A_1007, %xor3A_1009 : vector<16xi32>
        %iota3A_1011 = tpu.iota {dimensions = array<i32: 0>} : vector<16xi32>
        %and3A_1012 = arith.constant 2 : i32
        %and3A_1013 = vector.broadcast %and3A_1012 : i32 to vector<16xi32>
        %and3A_1014 = arith.andi %iota3A_1011, %and3A_1013 : vector<16xi32>
        %eq3A_1015 = arith.constant 0 : i32
        %eq3A_1016 = vector.broadcast %eq3A_1015 : i32 to vector<16xi32>
        %eq3A_1017 = arith.cmpi eq, %and3A_1014, %eq3A_1016 : vector<16xi32>
        %lt3A_1018 = arith.constant 0 : i32
        %lt3A_1019 = vector.broadcast %lt3A_1018 : i32 to vector<16xi32>
        %lt3A_1020 = arith.cmpi slt, %xor3A_1010, %lt3A_1019 : vector<16xi32>
        %add3A_1021 = arith.constant 16 : i32
        %add3A_1022 = vector.broadcast %add3A_1021 : i32 to vector<16xi32>
        %add3A_1023 = arith.addi %xor3A_1010, %add3A_1022 : vector<16xi32>
        %select_n3A_1024 = arith.select %lt3A_1020, %add3A_1023, %xor3A_1010 : vector<16xi1>, vector<16xi32>
        %broadcast_in_dim3A_1025 = vector.shape_cast %select_n3A_1024 : vector<16xi32> to vector<16x1xi32>
        %gather3A_1026 = vector.shape_cast %broadcast_in_dim3A_1025 : vector<16x1xi32> to vector<16xi32>
        %gather3A_1027 = tpu.dynamic_gather %add3A_904[%gather3A_1026] in [0] : vector<16xf32>, vector<16xi32> -> vector<16xf32>
        %select_n3A_1028 = arith.select %eq3A_1017, %add3A_870, %gather3A_1027 : vector<16xi1>, vector<16xf32>
        %lt3A_1029 = arith.constant 0 : i32
        %lt3A_1030 = vector.broadcast %lt3A_1029 : i32 to vector<16xi32>
        %lt3A_1031 = arith.cmpi slt, %xor3A_1010, %lt3A_1030 : vector<16xi32>
        %add3A_1032 = arith.constant 16 : i32
        %add3A_1033 = vector.broadcast %add3A_1032 : i32 to vector<16xi32>
        %add3A_1034 = arith.addi %xor3A_1010, %add3A_1033 : vector<16xi32>
        %select_n3A_1035 = arith.select %lt3A_1031, %add3A_1034, %xor3A_1010 : vector<16xi1>, vector<16xi32>
        %broadcast_in_dim3A_1036 = vector.shape_cast %select_n3A_1035 : vector<16xi32> to vector<16x1xi32>
        %gather3A_1037 = vector.shape_cast %broadcast_in_dim3A_1036 : vector<16x1xi32> to vector<16xi32>
        %gather3A_1038 = tpu.dynamic_gather %add3A_870[%gather3A_1037] in [0] : vector<16xf32>, vector<16xi32> -> vector<16xf32>
        %select_n3A_1039 = arith.select %eq3A_1017, %gather3A_1038, %add3A_904 : vector<16xi1>, vector<16xf32>
        %add3A_1040 = arith.addf %select_n3A_1028, %select_n3A_1039 : vector<16xf32>
        %iota3A_1041 = tpu.iota {dimensions = array<i32: 0>} : vector<16xi32>
        %xor3A_1042 = arith.constant 4 : i32
        %xor3A_1043 = vector.broadcast %xor3A_1042 : i32 to vector<16xi32>
        %xor3A_1044 = arith.xori %iota3A_1041, %xor3A_1043 : vector<16xi32>
        %iota3A_1045 = tpu.iota {dimensions = array<i32: 0>} : vector<16xi32>
        %and3A_1046 = arith.constant 4 : i32
        %and3A_1047 = vector.broadcast %and3A_1046 : i32 to vector<16xi32>
        %and3A_1048 = arith.andi %iota3A_1045, %and3A_1047 : vector<16xi32>
        %eq3A_1049 = arith.constant 0 : i32
        %eq3A_1050 = vector.broadcast %eq3A_1049 : i32 to vector<16xi32>
        %eq3A_1051 = arith.cmpi eq, %and3A_1048, %eq3A_1050 : vector<16xi32>
        %lt3A_1052 = arith.constant 0 : i32
        %lt3A_1053 = vector.broadcast %lt3A_1052 : i32 to vector<16xi32>
        %lt3A_1054 = arith.cmpi slt, %xor3A_1044, %lt3A_1053 : vector<16xi32>
        %add3A_1055 = arith.constant 16 : i32
        %add3A_1056 = vector.broadcast %add3A_1055 : i32 to vector<16xi32>
        %add3A_1057 = arith.addi %xor3A_1044, %add3A_1056 : vector<16xi32>
        %select_n3A_1058 = arith.select %lt3A_1054, %add3A_1057, %xor3A_1044 : vector<16xi1>, vector<16xi32>
        %broadcast_in_dim3A_1059 = vector.shape_cast %select_n3A_1058 : vector<16xi32> to vector<16x1xi32>
        %gather3A_1060 = vector.shape_cast %broadcast_in_dim3A_1059 : vector<16x1xi32> to vector<16xi32>
        %gather3A_1061 = tpu.dynamic_gather %add3A_972[%gather3A_1060] in [0] : vector<16xf32>, vector<16xi32> -> vector<16xf32>
        %select_n3A_1062 = arith.select %eq3A_1051, %add3A_938, %gather3A_1061 : vector<16xi1>, vector<16xf32>
        %lt3A_1063 = arith.constant 0 : i32
        %lt3A_1064 = vector.broadcast %lt3A_1063 : i32 to vector<16xi32>
        %lt3A_1065 = arith.cmpi slt, %xor3A_1044, %lt3A_1064 : vector<16xi32>
        %add3A_1066 = arith.constant 16 : i32
        %add3A_1067 = vector.broadcast %add3A_1066 : i32 to vector<16xi32>
        %add3A_1068 = arith.addi %xor3A_1044, %add3A_1067 : vector<16xi32>
        %select_n3A_1069 = arith.select %lt3A_1065, %add3A_1068, %xor3A_1044 : vector<16xi1>, vector<16xi32>
        %broadcast_in_dim3A_1070 = vector.shape_cast %select_n3A_1069 : vector<16xi32> to vector<16x1xi32>
        %gather3A_1071 = vector.shape_cast %broadcast_in_dim3A_1070 : vector<16x1xi32> to vector<16xi32>
        %gather3A_1072 = tpu.dynamic_gather %add3A_938[%gather3A_1071] in [0] : vector<16xf32>, vector<16xi32> -> vector<16xf32>
        %select_n3A_1073 = arith.select %eq3A_1051, %gather3A_1072, %add3A_972 : vector<16xi1>, vector<16xf32>
        %add3A_1074 = arith.addf %select_n3A_1062, %select_n3A_1073 : vector<16xf32>
        %iota3A_1075 = tpu.iota {dimensions = array<i32: 0>} : vector<16xi32>
        %xor3A_1076 = arith.constant 4 : i32
        %xor3A_1077 = vector.broadcast %xor3A_1076 : i32 to vector<16xi32>
        %xor3A_1078 = arith.xori %iota3A_1075, %xor3A_1077 : vector<16xi32>
        %iota3A_1079 = tpu.iota {dimensions = array<i32: 0>} : vector<16xi32>
        %and3A_1080 = arith.constant 4 : i32
        %and3A_1081 = vector.broadcast %and3A_1080 : i32 to vector<16xi32>
        %and3A_1082 = arith.andi %iota3A_1079, %and3A_1081 : vector<16xi32>
        %eq3A_1083 = arith.constant 0 : i32
        %eq3A_1084 = vector.broadcast %eq3A_1083 : i32 to vector<16xi32>
        %eq3A_1085 = arith.cmpi eq, %and3A_1082, %eq3A_1084 : vector<16xi32>
        %lt3A_1086 = arith.constant 0 : i32
        %lt3A_1087 = vector.broadcast %lt3A_1086 : i32 to vector<16xi32>
        %lt3A_1088 = arith.cmpi slt, %xor3A_1078, %lt3A_1087 : vector<16xi32>
        %add3A_1089 = arith.constant 16 : i32
        %add3A_1090 = vector.broadcast %add3A_1089 : i32 to vector<16xi32>
        %add3A_1091 = arith.addi %xor3A_1078, %add3A_1090 : vector<16xi32>
        %select_n3A_1092 = arith.select %lt3A_1088, %add3A_1091, %xor3A_1078 : vector<16xi1>, vector<16xi32>
        %broadcast_in_dim3A_1093 = vector.shape_cast %select_n3A_1092 : vector<16xi32> to vector<16x1xi32>
        %gather3A_1094 = vector.shape_cast %broadcast_in_dim3A_1093 : vector<16x1xi32> to vector<16xi32>
        %gather3A_1095 = tpu.dynamic_gather %add3A_1040[%gather3A_1094] in [0] : vector<16xf32>, vector<16xi32> -> vector<16xf32>
        %select_n3A_1096 = arith.select %eq3A_1085, %add3A_1006, %gather3A_1095 : vector<16xi1>, vector<16xf32>
        %lt3A_1097 = arith.constant 0 : i32
        %lt3A_1098 = vector.broadcast %lt3A_1097 : i32 to vector<16xi32>
        %lt3A_1099 = arith.cmpi slt, %xor3A_1078, %lt3A_1098 : vector<16xi32>
        %add3A_1100 = arith.constant 16 : i32
        %add3A_1101 = vector.broadcast %add3A_1100 : i32 to vector<16xi32>
        %add3A_1102 = arith.addi %xor3A_1078, %add3A_1101 : vector<16xi32>
        %select_n3A_1103 = arith.select %lt3A_1099, %add3A_1102, %xor3A_1078 : vector<16xi1>, vector<16xi32>
        %broadcast_in_dim3A_1104 = vector.shape_cast %select_n3A_1103 : vector<16xi32> to vector<16x1xi32>
        %gather3A_1105 = vector.shape_cast %broadcast_in_dim3A_1104 : vector<16x1xi32> to vector<16xi32>
        %gather3A_1106 = tpu.dynamic_gather %add3A_1006[%gather3A_1105] in [0] : vector<16xf32>, vector<16xi32> -> vector<16xf32>
        %select_n3A_1107 = arith.select %eq3A_1085, %gather3A_1106, %add3A_1040 : vector<16xi1>, vector<16xf32>
        %add3A_1108 = arith.addf %select_n3A_1096, %select_n3A_1107 : vector<16xf32>
        %iota3A_1109 = tpu.iota {dimensions = array<i32: 0>} : vector<16xi32>
        %xor3A_1110 = arith.constant 8 : i32
        %xor3A_1111 = vector.broadcast %xor3A_1110 : i32 to vector<16xi32>
        %xor3A_1112 = arith.xori %iota3A_1109, %xor3A_1111 : vector<16xi32>
        %iota3A_1113 = tpu.iota {dimensions = array<i32: 0>} : vector<16xi32>
        %and3A_1114 = arith.constant 8 : i32
        %and3A_1115 = vector.broadcast %and3A_1114 : i32 to vector<16xi32>
        %and3A_1116 = arith.andi %iota3A_1113, %and3A_1115 : vector<16xi32>
        %eq3A_1117 = arith.constant 0 : i32
        %eq3A_1118 = vector.broadcast %eq3A_1117 : i32 to vector<16xi32>
        %eq3A_1119 = arith.cmpi eq, %and3A_1116, %eq3A_1118 : vector<16xi32>
        %lt3A_1120 = arith.constant 0 : i32
        %lt3A_1121 = vector.broadcast %lt3A_1120 : i32 to vector<16xi32>
        %lt3A_1122 = arith.cmpi slt, %xor3A_1112, %lt3A_1121 : vector<16xi32>
        %add3A_1123 = arith.constant 16 : i32
        %add3A_1124 = vector.broadcast %add3A_1123 : i32 to vector<16xi32>
        %add3A_1125 = arith.addi %xor3A_1112, %add3A_1124 : vector<16xi32>
        %select_n3A_1126 = arith.select %lt3A_1122, %add3A_1125, %xor3A_1112 : vector<16xi1>, vector<16xi32>
        %broadcast_in_dim3A_1127 = vector.shape_cast %select_n3A_1126 : vector<16xi32> to vector<16x1xi32>
        %gather3A_1128 = vector.shape_cast %broadcast_in_dim3A_1127 : vector<16x1xi32> to vector<16xi32>
        %gather3A_1129 = tpu.dynamic_gather %add3A_1108[%gather3A_1128] in [0] : vector<16xf32>, vector<16xi32> -> vector<16xf32>
        %select_n3A_1130 = arith.select %eq3A_1119, %add3A_1074, %gather3A_1129 : vector<16xi1>, vector<16xf32>
        %lt3A_1131 = arith.constant 0 : i32
        %lt3A_1132 = vector.broadcast %lt3A_1131 : i32 to vector<16xi32>
        %lt3A_1133 = arith.cmpi slt, %xor3A_1112, %lt3A_1132 : vector<16xi32>
        %add3A_1134 = arith.constant 16 : i32
        %add3A_1135 = vector.broadcast %add3A_1134 : i32 to vector<16xi32>
        %add3A_1136 = arith.addi %xor3A_1112, %add3A_1135 : vector<16xi32>
        %select_n3A_1137 = arith.select %lt3A_1133, %add3A_1136, %xor3A_1112 : vector<16xi1>, vector<16xi32>
        %broadcast_in_dim3A_1138 = vector.shape_cast %select_n3A_1137 : vector<16xi32> to vector<16x1xi32>
        %gather3A_1139 = vector.shape_cast %broadcast_in_dim3A_1138 : vector<16x1xi32> to vector<16xi32>
        %gather3A_1140 = tpu.dynamic_gather %add3A_1074[%gather3A_1139] in [0] : vector<16xf32>, vector<16xi32> -> vector<16xf32>
        %select_n3A_1141 = arith.select %eq3A_1119, %gather3A_1140, %add3A_1108 : vector<16xi1>, vector<16xf32>
        %add3A_1142 = arith.addf %select_n3A_1130, %select_n3A_1141 : vector<16xf32>
        %mul3A_1143 = arith.constant 32 : i32
        %mul3A_1144 = arith.muli %scan3A_196, %mul3A_1143 : i32
        %swap3A = arith.index_cast %mul3A_1144 : i32 to index
        %swap3A_1145 = tpu.vector_load %arg14[%swap3A] {strides = array<i32>} : memref<512xf32, #tpu.memory_space<vmem>>, vector<16xf32>,
        %swap3A_1146 = vector.shape_cast %swap3A_1145 : vector<16xf32> to vector<16xf32>
        %swap3A_1147 = vector.shape_cast %add3A_1142 : vector<16xf32> to vector<16xf32>
        tpu.vector_store %arg14[%swap3A], %swap3A_1147 {strides = array<i32>} : memref<512xf32, #tpu.memory_space<vmem>>, vector<16xf32>,
        %mul3A_1148 = arith.constant 20 : i32
        %mul3A_1149 = arith.muli %scan3A_196, %mul3A_1148 : i32
        %add3A_1150 = arith.constant 15 : i32
        %add3A_1151 = arith.addi %mul3A_1149, %add3A_1150 : i32
        %get3A_1152 = arith.index_cast %add3A_1151 : i32 to index
        %get3A_1153 = arith.constant 0 : index
        %get3A_1154 = tpu.vector_load %arg13[%get3A_1152, %get3A_1153] {strides = array<i32>} : memref<320x128xf32, #tpu.memory_space<vmem>>, vector<1x16xf32>,
        %get3A_1155 = vector.shape_cast %get3A_1154 : vector<1x16xf32> to vector<16xf32>
        %mul3A_1156 = arith.mulf %get3A_199, %get3A_1155 : vector<16xf32>
        %get3A_1157 = arith.index_cast %add3A_1151 : i32 to index
        %get3A_1158 = arith.constant 16 : index
        %get3A_1159 = tpu.vector_load %arg13[%get3A_1157, %get3A_1158] {strides = array<i32>} : memref<320x128xf32, #tpu.memory_space<vmem>>, vector<1x16xf32>,
        %get3A_1160 = vector.shape_cast %get3A_1159 : vector<1x16xf32> to vector<16xf32>
        %mul3A_1161 = arith.mulf %get3A_203, %get3A_1160 : vector<16xf32>
        %add3A_1162 = arith.addf %mul3A_1156, %mul3A_1161 : vector<16xf32>
        %get3A_1163 = arith.index_cast %add3A_1151 : i32 to index
        %get3A_1164 = arith.constant 32 : index
        %get3A_1165 = tpu.vector_load %arg13[%get3A_1163, %get3A_1164] {strides = array<i32>} : memref<320x128xf32, #tpu.memory_space<vmem>>, vector<1x16xf32>,
        %get3A_1166 = vector.shape_cast %get3A_1165 : vector<1x16xf32> to vector<16xf32>
        %mul3A_1167 = arith.mulf %get3A_207, %get3A_1166 : vector<16xf32>
        %add3A_1168 = arith.addf %add3A_1162, %mul3A_1167 : vector<16xf32>
        %get3A_1169 = arith.index_cast %add3A_1151 : i32 to index
        %get3A_1170 = arith.constant 48 : index
        %get3A_1171 = tpu.vector_load %arg13[%get3A_1169, %get3A_1170] {strides = array<i32>} : memref<320x128xf32, #tpu.memory_space<vmem>>, vector<1x16xf32>,
        %get3A_1172 = vector.shape_cast %get3A_1171 : vector<1x16xf32> to vector<16xf32>
        %mul3A_1173 = arith.mulf %get3A_211, %get3A_1172 : vector<16xf32>
        %add3A_1174 = arith.addf %add3A_1168, %mul3A_1173 : vector<16xf32>
        %mul3A_1175 = arith.constant 20 : i32
        %mul3A_1176 = arith.muli %scan3A_196, %mul3A_1175 : i32
        %add3A_1177 = arith.constant 16 : i32
        %add3A_1178 = arith.addi %mul3A_1176, %add3A_1177 : i32
        %get3A_1179 = arith.index_cast %add3A_1178 : i32 to index
        %get3A_1180 = arith.constant 0 : index
        %get3A_1181 = tpu.vector_load %arg13[%get3A_1179, %get3A_1180] {strides = array<i32>} : memref<320x128xf32, #tpu.memory_space<vmem>>, vector<1x16xf32>,
        %get3A_1182 = vector.shape_cast %get3A_1181 : vector<1x16xf32> to vector<16xf32>
        %mul3A_1183 = arith.mulf %get3A_199, %get3A_1182 : vector<16xf32>
        %get3A_1184 = arith.index_cast %add3A_1178 : i32 to index
        %get3A_1185 = arith.constant 16 : index
        %get3A_1186 = tpu.vector_load %arg13[%get3A_1184, %get3A_1185] {strides = array<i32>} : memref<320x128xf32, #tpu.memory_space<vmem>>, vector<1x16xf32>,
        %get3A_1187 = vector.shape_cast %get3A_1186 : vector<1x16xf32> to vector<16xf32>
        %mul3A_1188 = arith.mulf %get3A_203, %get3A_1187 : vector<16xf32>
        %add3A_1189 = arith.addf %mul3A_1183, %mul3A_1188 : vector<16xf32>
        %get3A_1190 = arith.index_cast %add3A_1178 : i32 to index
        %get3A_1191 = arith.constant 32 : index
        %get3A_1192 = tpu.vector_load %arg13[%get3A_1190, %get3A_1191] {strides = array<i32>} : memref<320x128xf32, #tpu.memory_space<vmem>>, vector<1x16xf32>,
        %get3A_1193 = vector.shape_cast %get3A_1192 : vector<1x16xf32> to vector<16xf32>
        %mul3A_1194 = arith.mulf %get3A_207, %get3A_1193 : vector<16xf32>
        %add3A_1195 = arith.addf %add3A_1189, %mul3A_1194 : vector<16xf32>
        %get3A_1196 = arith.index_cast %add3A_1178 : i32 to index
        %get3A_1197 = arith.constant 48 : index
        %get3A_1198 = tpu.vector_load %arg13[%get3A_1196, %get3A_1197] {strides = array<i32>} : memref<320x128xf32, #tpu.memory_space<vmem>>, vector<1x16xf32>,
        %get3A_1199 = vector.shape_cast %get3A_1198 : vector<1x16xf32> to vector<16xf32>
        %mul3A_1200 = arith.mulf %get3A_211, %get3A_1199 : vector<16xf32>
        %add3A_1201 = arith.addf %add3A_1195, %mul3A_1200 : vector<16xf32>
        %mul3A_1202 = arith.constant 20 : i32
        %mul3A_1203 = arith.muli %scan3A_196, %mul3A_1202 : i32
        %add3A_1204 = arith.constant 17 : i32
        %add3A_1205 = arith.addi %mul3A_1203, %add3A_1204 : i32
        %get3A_1206 = arith.index_cast %add3A_1205 : i32 to index
        %get3A_1207 = arith.constant 0 : index
        %get3A_1208 = tpu.vector_load %arg13[%get3A_1206, %get3A_1207] {strides = array<i32>} : memref<320x128xf32, #tpu.memory_space<vmem>>, vector<1x16xf32>,
        %get3A_1209 = vector.shape_cast %get3A_1208 : vector<1x16xf32> to vector<16xf32>
        %mul3A_1210 = arith.mulf %get3A_199, %get3A_1209 : vector<16xf32>
        %get3A_1211 = arith.index_cast %add3A_1205 : i32 to index
        %get3A_1212 = arith.constant 16 : index
        %get3A_1213 = tpu.vector_load %arg13[%get3A_1211, %get3A_1212] {strides = array<i32>} : memref<320x128xf32, #tpu.memory_space<vmem>>, vector<1x16xf32>,
        %get3A_1214 = vector.shape_cast %get3A_1213 : vector<1x16xf32> to vector<16xf32>
        %mul3A_1215 = arith.mulf %get3A_203, %get3A_1214 : vector<16xf32>
        %add3A_1216 = arith.addf %mul3A_1210, %mul3A_1215 : vector<16xf32>
        %get3A_1217 = arith.index_cast %add3A_1205 : i32 to index
        %get3A_1218 = arith.constant 32 : index
        %get3A_1219 = tpu.vector_load %arg13[%get3A_1217, %get3A_1218] {strides = array<i32>} : memref<320x128xf32, #tpu.memory_space<vmem>>, vector<1x16xf32>,
        %get3A_1220 = vector.shape_cast %get3A_1219 : vector<1x16xf32> to vector<16xf32>
        %mul3A_1221 = arith.mulf %get3A_207, %get3A_1220 : vector<16xf32>
        %add3A_1222 = arith.addf %add3A_1216, %mul3A_1221 : vector<16xf32>
        %get3A_1223 = arith.index_cast %add3A_1205 : i32 to index
        %get3A_1224 = arith.constant 48 : index
        %get3A_1225 = tpu.vector_load %arg13[%get3A_1223, %get3A_1224] {strides = array<i32>} : memref<320x128xf32, #tpu.memory_space<vmem>>, vector<1x16xf32>,
        %get3A_1226 = vector.shape_cast %get3A_1225 : vector<1x16xf32> to vector<16xf32>
        %mul3A_1227 = arith.mulf %get3A_211, %get3A_1226 : vector<16xf32>
        %add3A_1228 = arith.addf %add3A_1222, %mul3A_1227 : vector<16xf32>
        %mul3A_1229 = arith.constant 20 : i32
        %mul3A_1230 = arith.muli %scan3A_196, %mul3A_1229 : i32
        %add3A_1231 = arith.constant 18 : i32
        %add3A_1232 = arith.addi %mul3A_1230, %add3A_1231 : i32
        %get3A_1233 = arith.index_cast %add3A_1232 : i32 to index
        %get3A_1234 = arith.constant 0 : index
        %get3A_1235 = tpu.vector_load %arg13[%get3A_1233, %get3A_1234] {strides = array<i32>} : memref<320x128xf32, #tpu.memory_space<vmem>>, vector<1x16xf32>,
        %get3A_1236 = vector.shape_cast %get3A_1235 : vector<1x16xf32> to vector<16xf32>
        %mul3A_1237 = arith.mulf %get3A_199, %get3A_1236 : vector<16xf32>
        %get3A_1238 = arith.index_cast %add3A_1232 : i32 to index
        %get3A_1239 = arith.constant 16 : index
        %get3A_1240 = tpu.vector_load %arg13[%get3A_1238, %get3A_1239] {strides = array<i32>} : memref<320x128xf32, #tpu.memory_space<vmem>>, vector<1x16xf32>,
        %get3A_1241 = vector.shape_cast %get3A_1240 : vector<1x16xf32> to vector<16xf32>
        %mul3A_1242 = arith.mulf %get3A_203, %get3A_1241 : vector<16xf32>
        %add3A_1243 = arith.addf %mul3A_1237, %mul3A_1242 : vector<16xf32>
        %get3A_1244 = arith.index_cast %add3A_1232 : i32 to index
        %get3A_1245 = arith.constant 32 : index
        %get3A_1246 = tpu.vector_load %arg13[%get3A_1244, %get3A_1245] {strides = array<i32>} : memref<320x128xf32, #tpu.memory_space<vmem>>, vector<1x16xf32>,
        %get3A_1247 = vector.shape_cast %get3A_1246 : vector<1x16xf32> to vector<16xf32>
        %mul3A_1248 = arith.mulf %get3A_207, %get3A_1247 : vector<16xf32>
        %add3A_1249 = arith.addf %add3A_1243, %mul3A_1248 : vector<16xf32>
        %get3A_1250 = arith.index_cast %add3A_1232 : i32 to index
        %get3A_1251 = arith.constant 48 : index
        %get3A_1252 = tpu.vector_load %arg13[%get3A_1250, %get3A_1251] {strides = array<i32>} : memref<320x128xf32, #tpu.memory_space<vmem>>, vector<1x16xf32>,
        %get3A_1253 = vector.shape_cast %get3A_1252 : vector<1x16xf32> to vector<16xf32>
        %mul3A_1254 = arith.mulf %get3A_211, %get3A_1253 : vector<16xf32>
        %add3A_1255 = arith.addf %add3A_1249, %mul3A_1254 : vector<16xf32>
        %mul3A_1256 = arith.constant 20 : i32
        %mul3A_1257 = arith.muli %scan3A_196, %mul3A_1256 : i32
        %add3A_1258 = arith.constant 19 : i32
        %add3A_1259 = arith.addi %mul3A_1257, %add3A_1258 : i32
        %get3A_1260 = arith.index_cast %add3A_1259 : i32 to index
        %get3A_1261 = arith.constant 0 : index
        %get3A_1262 = tpu.vector_load %arg13[%get3A_1260, %get3A_1261] {strides = array<i32>} : memref<320x128xf32, #tpu.memory_space<vmem>>, vector<1x16xf32>,
        %get3A_1263 = vector.shape_cast %get3A_1262 : vector<1x16xf32> to vector<16xf32>
        %mul3A_1264 = arith.mulf %get3A_199, %get3A_1263 : vector<16xf32>
        %get3A_1265 = arith.index_cast %add3A_1259 : i32 to index
        %get3A_1266 = arith.constant 16 : index
        %get3A_1267 = tpu.vector_load %arg13[%get3A_1265, %get3A_1266] {strides = array<i32>} : memref<320x128xf32, #tpu.memory_space<vmem>>, vector<1x16xf32>,
        %get3A_1268 = vector.shape_cast %get3A_1267 : vector<1x16xf32> to vector<16xf32>
        %mul3A_1269 = arith.mulf %get3A_203, %get3A_1268 : vector<16xf32>
        %add3A_1270 = arith.addf %mul3A_1264, %mul3A_1269 : vector<16xf32>
        %get3A_1271 = arith.index_cast %add3A_1259 : i32 to index
        %get3A_1272 = arith.constant 32 : index
        %get3A_1273 = tpu.vector_load %arg13[%get3A_1271, %get3A_1272] {strides = array<i32>} : memref<320x128xf32, #tpu.memory_space<vmem>>, vector<1x16xf32>,
        %get3A_1274 = vector.shape_cast %get3A_1273 : vector<1x16xf32> to vector<16xf32>
        %mul3A_1275 = arith.mulf %get3A_207, %get3A_1274 : vector<16xf32>
        %add3A_1276 = arith.addf %add3A_1270, %mul3A_1275 : vector<16xf32>
        %get3A_1277 = arith.index_cast %add3A_1259 : i32 to index
        %get3A_1278 = arith.constant 48 : index
        %get3A_1279 = tpu.vector_load %arg13[%get3A_1277, %get3A_1278] {strides = array<i32>} : memref<320x128xf32, #tpu.memory_space<vmem>>, vector<1x16xf32>,
        %get3A_1280 = vector.shape_cast %get3A_1279 : vector<1x16xf32> to vector<16xf32>
        %mul3A_1281 = arith.mulf %get3A_211, %get3A_1280 : vector<16xf32>
        %add3A_1282 = arith.addf %add3A_1276, %mul3A_1281 : vector<16xf32>
        %iota3A_1283 = tpu.iota {dimensions = array<i32: 0>} : vector<16xi32>
        %xor3A_1284 = arith.constant 1 : i32
        %xor3A_1285 = vector.broadcast %xor3A_1284 : i32 to vector<16xi32>
        %xor3A_1286 = arith.xori %iota3A_1283, %xor3A_1285 : vector<16xi32>
        %iota3A_1287 = tpu.iota {dimensions = array<i32: 0>} : vector<16xi32>
        %and3A_1288 = arith.constant 1 : i32
        %and3A_1289 = vector.broadcast %and3A_1288 : i32 to vector<16xi32>
        %and3A_1290 = arith.andi %iota3A_1287, %and3A_1289 : vector<16xi32>
        %eq3A_1291 = arith.constant 0 : i32
        %eq3A_1292 = vector.broadcast %eq3A_1291 : i32 to vector<16xi32>
        %eq3A_1293 = arith.cmpi eq, %and3A_1290, %eq3A_1292 : vector<16xi32>
        %lt3A_1294 = arith.constant 0 : i32
        %lt3A_1295 = vector.broadcast %lt3A_1294 : i32 to vector<16xi32>
        %lt3A_1296 = arith.cmpi slt, %xor3A_1286, %lt3A_1295 : vector<16xi32>
        %add3A_1297 = arith.constant 16 : i32
        %add3A_1298 = vector.broadcast %add3A_1297 : i32 to vector<16xi32>
        %add3A_1299 = arith.addi %xor3A_1286, %add3A_1298 : vector<16xi32>
        %select_n3A_1300 = arith.select %lt3A_1296, %add3A_1299, %xor3A_1286 : vector<16xi1>, vector<16xi32>
        %broadcast_in_dim3A_1301 = vector.shape_cast %select_n3A_1300 : vector<16xi32> to vector<16x1xi32>
        %gather3A_1302 = vector.shape_cast %broadcast_in_dim3A_1301 : vector<16x1xi32> to vector<16xi32>
        %gather3A_1303 = tpu.dynamic_gather %add3A_1201[%gather3A_1302] in [0] : vector<16xf32>, vector<16xi32> -> vector<16xf32>
        %select_n3A_1304 = arith.select %eq3A_1293, %add3A_1174, %gather3A_1303 : vector<16xi1>, vector<16xf32>
        %lt3A_1305 = arith.constant 0 : i32
        %lt3A_1306 = vector.broadcast %lt3A_1305 : i32 to vector<16xi32>
        %lt3A_1307 = arith.cmpi slt, %xor3A_1286, %lt3A_1306 : vector<16xi32>
        %add3A_1308 = arith.constant 16 : i32
        %add3A_1309 = vector.broadcast %add3A_1308 : i32 to vector<16xi32>
        %add3A_1310 = arith.addi %xor3A_1286, %add3A_1309 : vector<16xi32>
        %select_n3A_1311 = arith.select %lt3A_1307, %add3A_1310, %xor3A_1286 : vector<16xi1>, vector<16xi32>
        %broadcast_in_dim3A_1312 = vector.shape_cast %select_n3A_1311 : vector<16xi32> to vector<16x1xi32>
        %gather3A_1313 = vector.shape_cast %broadcast_in_dim3A_1312 : vector<16x1xi32> to vector<16xi32>
        %gather3A_1314 = tpu.dynamic_gather %add3A_1174[%gather3A_1313] in [0] : vector<16xf32>, vector<16xi32> -> vector<16xf32>
        %select_n3A_1315 = arith.select %eq3A_1293, %gather3A_1314, %add3A_1201 : vector<16xi1>, vector<16xf32>
        %add3A_1316 = arith.addf %select_n3A_1304, %select_n3A_1315 : vector<16xf32>
        %iota3A_1317 = tpu.iota {dimensions = array<i32: 0>} : vector<16xi32>
        %xor3A_1318 = arith.constant 1 : i32
        %xor3A_1319 = vector.broadcast %xor3A_1318 : i32 to vector<16xi32>
        %xor3A_1320 = arith.xori %iota3A_1317, %xor3A_1319 : vector<16xi32>
        %iota3A_1321 = tpu.iota {dimensions = array<i32: 0>} : vector<16xi32>
        %and3A_1322 = arith.constant 1 : i32
        %and3A_1323 = vector.broadcast %and3A_1322 : i32 to vector<16xi32>
        %and3A_1324 = arith.andi %iota3A_1321, %and3A_1323 : vector<16xi32>
        %eq3A_1325 = arith.constant 0 : i32
        %eq3A_1326 = vector.broadcast %eq3A_1325 : i32 to vector<16xi32>
        %eq3A_1327 = arith.cmpi eq, %and3A_1324, %eq3A_1326 : vector<16xi32>
        %lt3A_1328 = arith.constant 0 : i32
        %lt3A_1329 = vector.broadcast %lt3A_1328 : i32 to vector<16xi32>
        %lt3A_1330 = arith.cmpi slt, %xor3A_1320, %lt3A_1329 : vector<16xi32>
        %add3A_1331 = arith.constant 16 : i32
        %add3A_1332 = vector.broadcast %add3A_1331 : i32 to vector<16xi32>
        %add3A_1333 = arith.addi %xor3A_1320, %add3A_1332 : vector<16xi32>
        %select_n3A_1334 = arith.select %lt3A_1330, %add3A_1333, %xor3A_1320 : vector<16xi1>, vector<16xi32>
        %broadcast_in_dim3A_1335 = vector.shape_cast %select_n3A_1334 : vector<16xi32> to vector<16x1xi32>
        %gather3A_1336 = vector.shape_cast %broadcast_in_dim3A_1335 : vector<16x1xi32> to vector<16xi32>
        %gather3A_1337 = tpu.dynamic_gather %add3A_1255[%gather3A_1336] in [0] : vector<16xf32>, vector<16xi32> -> vector<16xf32>
        %select_n3A_1338 = arith.select %eq3A_1327, %add3A_1228, %gather3A_1337 : vector<16xi1>, vector<16xf32>
        %lt3A_1339 = arith.constant 0 : i32
        %lt3A_1340 = vector.broadcast %lt3A_1339 : i32 to vector<16xi32>
        %lt3A_1341 = arith.cmpi slt, %xor3A_1320, %lt3A_1340 : vector<16xi32>
        %add3A_1342 = arith.constant 16 : i32
        %add3A_1343 = vector.broadcast %add3A_1342 : i32 to vector<16xi32>
        %add3A_1344 = arith.addi %xor3A_1320, %add3A_1343 : vector<16xi32>
        %select_n3A_1345 = arith.select %lt3A_1341, %add3A_1344, %xor3A_1320 : vector<16xi1>, vector<16xi32>
        %broadcast_in_dim3A_1346 = vector.shape_cast %select_n3A_1345 : vector<16xi32> to vector<16x1xi32>
        %gather3A_1347 = vector.shape_cast %broadcast_in_dim3A_1346 : vector<16x1xi32> to vector<16xi32>
        %gather3A_1348 = tpu.dynamic_gather %add3A_1228[%gather3A_1347] in [0] : vector<16xf32>, vector<16xi32> -> vector<16xf32>
        %select_n3A_1349 = arith.select %eq3A_1327, %gather3A_1348, %add3A_1255 : vector<16xi1>, vector<16xf32>
        %add3A_1350 = arith.addf %select_n3A_1338, %select_n3A_1349 : vector<16xf32>
        %iota3A_1351 = tpu.iota {dimensions = array<i32: 0>} : vector<16xi32>
        %xor3A_1352 = arith.constant 1 : i32
        %xor3A_1353 = vector.broadcast %xor3A_1352 : i32 to vector<16xi32>
        %xor3A_1354 = arith.xori %iota3A_1351, %xor3A_1353 : vector<16xi32>
        %iota3A_1355 = tpu.iota {dimensions = array<i32: 0>} : vector<16xi32>
        %and3A_1356 = arith.constant 1 : i32
        %and3A_1357 = vector.broadcast %and3A_1356 : i32 to vector<16xi32>
        %and3A_1358 = arith.andi %iota3A_1355, %and3A_1357 : vector<16xi32>
        %eq3A_1359 = arith.constant 0 : i32
        %eq3A_1360 = vector.broadcast %eq3A_1359 : i32 to vector<16xi32>
        %eq3A_1361 = arith.cmpi eq, %and3A_1358, %eq3A_1360 : vector<16xi32>
        %lt3A_1362 = arith.constant 0 : i32
        %lt3A_1363 = vector.broadcast %lt3A_1362 : i32 to vector<16xi32>
        %lt3A_1364 = arith.cmpi slt, %xor3A_1354, %lt3A_1363 : vector<16xi32>
        %add3A_1365 = arith.constant 16 : i32
        %add3A_1366 = vector.broadcast %add3A_1365 : i32 to vector<16xi32>
        %add3A_1367 = arith.addi %xor3A_1354, %add3A_1366 : vector<16xi32>
        %select_n3A_1368 = arith.select %lt3A_1364, %add3A_1367, %xor3A_1354 : vector<16xi1>, vector<16xi32>
        %broadcast_in_dim3A_1369 = vector.shape_cast %select_n3A_1368 : vector<16xi32> to vector<16x1xi32>
        %gather3A_1370 = vector.shape_cast %broadcast_in_dim3A_1369 : vector<16x1xi32> to vector<16xi32>
        %gather3A_1371 = tpu.dynamic_gather %add3A_1282[%gather3A_1370] in [0] : vector<16xf32>, vector<16xi32> -> vector<16xf32>
        %add3A_1372 = arith.addf %add3A_1282, %gather3A_1371 : vector<16xf32>
        %broadcast_in_dim3A_1373 = arith.constant 0.000000e+00 : f32
        %broadcast_in_dim3A_1374 = vector.broadcast %broadcast_in_dim3A_1373 : f32 to vector<16xf32>
        %select_n3A_1375 = arith.select %eq3A_1361, %add3A_1372, %broadcast_in_dim3A_1374 : vector<16xi1>, vector<16xf32>
        %iota3A_1376 = tpu.iota {dimensions = array<i32: 0>} : vector<16xi32>
        %xor3A_1377 = arith.constant 2 : i32
        %xor3A_1378 = vector.broadcast %xor3A_1377 : i32 to vector<16xi32>
        %xor3A_1379 = arith.xori %iota3A_1376, %xor3A_1378 : vector<16xi32>
        %iota3A_1380 = tpu.iota {dimensions = array<i32: 0>} : vector<16xi32>
        %and3A_1381 = arith.constant 2 : i32
        %and3A_1382 = vector.broadcast %and3A_1381 : i32 to vector<16xi32>
        %and3A_1383 = arith.andi %iota3A_1380, %and3A_1382 : vector<16xi32>
        %eq3A_1384 = arith.constant 0 : i32
        %eq3A_1385 = vector.broadcast %eq3A_1384 : i32 to vector<16xi32>
        %eq3A_1386 = arith.cmpi eq, %and3A_1383, %eq3A_1385 : vector<16xi32>
        %lt3A_1387 = arith.constant 0 : i32
        %lt3A_1388 = vector.broadcast %lt3A_1387 : i32 to vector<16xi32>
        %lt3A_1389 = arith.cmpi slt, %xor3A_1379, %lt3A_1388 : vector<16xi32>
        %add3A_1390 = arith.constant 16 : i32
        %add3A_1391 = vector.broadcast %add3A_1390 : i32 to vector<16xi32>
        %add3A_1392 = arith.addi %xor3A_1379, %add3A_1391 : vector<16xi32>
        %select_n3A_1393 = arith.select %lt3A_1389, %add3A_1392, %xor3A_1379 : vector<16xi1>, vector<16xi32>
        %broadcast_in_dim3A_1394 = vector.shape_cast %select_n3A_1393 : vector<16xi32> to vector<16x1xi32>
        %gather3A_1395 = vector.shape_cast %broadcast_in_dim3A_1394 : vector<16x1xi32> to vector<16xi32>
        %gather3A_1396 = tpu.dynamic_gather %add3A_1350[%gather3A_1395] in [0] : vector<16xf32>, vector<16xi32> -> vector<16xf32>
        %select_n3A_1397 = arith.select %eq3A_1386, %add3A_1316, %gather3A_1396 : vector<16xi1>, vector<16xf32>
        %lt3A_1398 = arith.constant 0 : i32
        %lt3A_1399 = vector.broadcast %lt3A_1398 : i32 to vector<16xi32>
        %lt3A_1400 = arith.cmpi slt, %xor3A_1379, %lt3A_1399 : vector<16xi32>
        %add3A_1401 = arith.constant 16 : i32
        %add3A_1402 = vector.broadcast %add3A_1401 : i32 to vector<16xi32>
        %add3A_1403 = arith.addi %xor3A_1379, %add3A_1402 : vector<16xi32>
        %select_n3A_1404 = arith.select %lt3A_1400, %add3A_1403, %xor3A_1379 : vector<16xi1>, vector<16xi32>
        %broadcast_in_dim3A_1405 = vector.shape_cast %select_n3A_1404 : vector<16xi32> to vector<16x1xi32>
        %gather3A_1406 = vector.shape_cast %broadcast_in_dim3A_1405 : vector<16x1xi32> to vector<16xi32>
        %gather3A_1407 = tpu.dynamic_gather %add3A_1316[%gather3A_1406] in [0] : vector<16xf32>, vector<16xi32> -> vector<16xf32>
        %select_n3A_1408 = arith.select %eq3A_1386, %gather3A_1407, %add3A_1350 : vector<16xi1>, vector<16xf32>
        %add3A_1409 = arith.addf %select_n3A_1397, %select_n3A_1408 : vector<16xf32>
        %iota3A_1410 = tpu.iota {dimensions = array<i32: 0>} : vector<16xi32>
        %xor3A_1411 = arith.constant 2 : i32
        %xor3A_1412 = vector.broadcast %xor3A_1411 : i32 to vector<16xi32>
        %xor3A_1413 = arith.xori %iota3A_1410, %xor3A_1412 : vector<16xi32>
        %iota3A_1414 = tpu.iota {dimensions = array<i32: 0>} : vector<16xi32>
        %and3A_1415 = arith.constant 2 : i32
        %and3A_1416 = vector.broadcast %and3A_1415 : i32 to vector<16xi32>
        %and3A_1417 = arith.andi %iota3A_1414, %and3A_1416 : vector<16xi32>
        %eq3A_1418 = arith.constant 0 : i32
        %eq3A_1419 = vector.broadcast %eq3A_1418 : i32 to vector<16xi32>
        %eq3A_1420 = arith.cmpi eq, %and3A_1417, %eq3A_1419 : vector<16xi32>
        %lt3A_1421 = arith.constant 0 : i32
        %lt3A_1422 = vector.broadcast %lt3A_1421 : i32 to vector<16xi32>
        %lt3A_1423 = arith.cmpi slt, %xor3A_1413, %lt3A_1422 : vector<16xi32>
        %add3A_1424 = arith.constant 16 : i32
        %add3A_1425 = vector.broadcast %add3A_1424 : i32 to vector<16xi32>
        %add3A_1426 = arith.addi %xor3A_1413, %add3A_1425 : vector<16xi32>
        %select_n3A_1427 = arith.select %lt3A_1423, %add3A_1426, %xor3A_1413 : vector<16xi1>, vector<16xi32>
        %broadcast_in_dim3A_1428 = vector.shape_cast %select_n3A_1427 : vector<16xi32> to vector<16x1xi32>
        %gather3A_1429 = vector.shape_cast %broadcast_in_dim3A_1428 : vector<16x1xi32> to vector<16xi32>
        %gather3A_1430 = tpu.dynamic_gather %select_n3A_1375[%gather3A_1429] in [0] : vector<16xf32>, vector<16xi32> -> vector<16xf32>
        %add3A_1431 = arith.addf %select_n3A_1375, %gather3A_1430 : vector<16xf32>
        %broadcast_in_dim3A_1432 = arith.constant 0.000000e+00 : f32
        %broadcast_in_dim3A_1433 = vector.broadcast %broadcast_in_dim3A_1432 : f32 to vector<16xf32>
        %select_n3A_1434 = arith.select %eq3A_1420, %add3A_1431, %broadcast_in_dim3A_1433 : vector<16xi1>, vector<16xf32>
        %iota3A_1435 = tpu.iota {dimensions = array<i32: 0>} : vector<16xi32>
        %xor3A_1436 = arith.constant 4 : i32
        %xor3A_1437 = vector.broadcast %xor3A_1436 : i32 to vector<16xi32>
        %xor3A_1438 = arith.xori %iota3A_1435, %xor3A_1437 : vector<16xi32>
        %iota3A_1439 = tpu.iota {dimensions = array<i32: 0>} : vector<16xi32>
        %and3A_1440 = arith.constant 4 : i32
        %and3A_1441 = vector.broadcast %and3A_1440 : i32 to vector<16xi32>
        %and3A_1442 = arith.andi %iota3A_1439, %and3A_1441 : vector<16xi32>
        %eq3A_1443 = arith.constant 0 : i32
        %eq3A_1444 = vector.broadcast %eq3A_1443 : i32 to vector<16xi32>
        %eq3A_1445 = arith.cmpi eq, %and3A_1442, %eq3A_1444 : vector<16xi32>
        %lt3A_1446 = arith.constant 0 : i32
        %lt3A_1447 = vector.broadcast %lt3A_1446 : i32 to vector<16xi32>
        %lt3A_1448 = arith.cmpi slt, %xor3A_1438, %lt3A_1447 : vector<16xi32>
        %add3A_1449 = arith.constant 16 : i32
        %add3A_1450 = vector.broadcast %add3A_1449 : i32 to vector<16xi32>
        %add3A_1451 = arith.addi %xor3A_1438, %add3A_1450 : vector<16xi32>
        %select_n3A_1452 = arith.select %lt3A_1448, %add3A_1451, %xor3A_1438 : vector<16xi1>, vector<16xi32>
        %broadcast_in_dim3A_1453 = vector.shape_cast %select_n3A_1452 : vector<16xi32> to vector<16x1xi32>
        %gather3A_1454 = vector.shape_cast %broadcast_in_dim3A_1453 : vector<16x1xi32> to vector<16xi32>
        %gather3A_1455 = tpu.dynamic_gather %select_n3A_1434[%gather3A_1454] in [0] : vector<16xf32>, vector<16xi32> -> vector<16xf32>
        %select_n3A_1456 = arith.select %eq3A_1445, %add3A_1409, %gather3A_1455 : vector<16xi1>, vector<16xf32>
        %lt3A_1457 = arith.constant 0 : i32
        %lt3A_1458 = vector.broadcast %lt3A_1457 : i32 to vector<16xi32>
        %lt3A_1459 = arith.cmpi slt, %xor3A_1438, %lt3A_1458 : vector<16xi32>
        %add3A_1460 = arith.constant 16 : i32
        %add3A_1461 = vector.broadcast %add3A_1460 : i32 to vector<16xi32>
        %add3A_1462 = arith.addi %xor3A_1438, %add3A_1461 : vector<16xi32>
        %select_n3A_1463 = arith.select %lt3A_1459, %add3A_1462, %xor3A_1438 : vector<16xi1>, vector<16xi32>
        %broadcast_in_dim3A_1464 = vector.shape_cast %select_n3A_1463 : vector<16xi32> to vector<16x1xi32>
        %gather3A_1465 = vector.shape_cast %broadcast_in_dim3A_1464 : vector<16x1xi32> to vector<16xi32>
        %gather3A_1466 = tpu.dynamic_gather %add3A_1409[%gather3A_1465] in [0] : vector<16xf32>, vector<16xi32> -> vector<16xf32>
        %select_n3A_1467 = arith.select %eq3A_1445, %gather3A_1466, %select_n3A_1434 : vector<16xi1>, vector<16xf32>
        %add3A_1468 = arith.addf %select_n3A_1456, %select_n3A_1467 : vector<16xf32>
        %iota3A_1469 = tpu.iota {dimensions = array<i32: 0>} : vector<16xi32>
        %xor3A_1470 = arith.constant 8 : i32
        %xor3A_1471 = vector.broadcast %xor3A_1470 : i32 to vector<16xi32>
        %xor3A_1472 = arith.xori %iota3A_1469, %xor3A_1471 : vector<16xi32>
        %iota3A_1473 = tpu.iota {dimensions = array<i32: 0>} : vector<16xi32>
        %and3A_1474 = arith.constant 8 : i32
        %and3A_1475 = vector.broadcast %and3A_1474 : i32 to vector<16xi32>
        %and3A_1476 = arith.andi %iota3A_1473, %and3A_1475 : vector<16xi32>
        %eq3A_1477 = arith.constant 0 : i32
        %eq3A_1478 = vector.broadcast %eq3A_1477 : i32 to vector<16xi32>
        %eq3A_1479 = arith.cmpi eq, %and3A_1476, %eq3A_1478 : vector<16xi32>
        %lt3A_1480 = arith.constant 0 : i32
        %lt3A_1481 = vector.broadcast %lt3A_1480 : i32 to vector<16xi32>
        %lt3A_1482 = arith.cmpi slt, %xor3A_1472, %lt3A_1481 : vector<16xi32>
        %add3A_1483 = arith.constant 16 : i32
        %add3A_1484 = vector.broadcast %add3A_1483 : i32 to vector<16xi32>
        %add3A_1485 = arith.addi %xor3A_1472, %add3A_1484 : vector<16xi32>
        %select_n3A_1486 = arith.select %lt3A_1482, %add3A_1485, %xor3A_1472 : vector<16xi1>, vector<16xi32>
        %broadcast_in_dim3A_1487 = vector.shape_cast %select_n3A_1486 : vector<16xi32> to vector<16x1xi32>
        %gather3A_1488 = vector.shape_cast %broadcast_in_dim3A_1487 : vector<16x1xi32> to vector<16xi32>
        %gather3A_1489 = tpu.dynamic_gather %add3A_1468[%gather3A_1488] in [0] : vector<16xf32>, vector<16xi32> -> vector<16xf32>
        %add3A_1490 = arith.addf %add3A_1468, %gather3A_1489 : vector<16xf32>
        %broadcast_in_dim3A_1491 = arith.constant 0.000000e+00 : f32
        %broadcast_in_dim3A_1492 = vector.broadcast %broadcast_in_dim3A_1491 : f32 to vector<16xf32>
        %select_n3A_1493 = arith.select %eq3A_1479, %add3A_1490, %broadcast_in_dim3A_1492 : vector<16xi1>, vector<16xf32>
        %mul3A_1494 = arith.constant 32 : i32
        %mul3A_1495 = arith.muli %scan3A_196, %mul3A_1494 : i32
        %add3A_1496 = arith.constant 16 : i32
        %add3A_1497 = arith.addi %mul3A_1495, %add3A_1496 : i32
        %swap3A_1498 = arith.index_cast %add3A_1497 : i32 to index
        %swap3A_1499 = tpu.vector_load %arg14[%swap3A_1498] {strides = array<i32>} : memref<512xf32, #tpu.memory_space<vmem>>, vector<16xf32>,
        %swap3A_1500 = vector.shape_cast %swap3A_1499 : vector<16xf32> to vector<16xf32>
        %swap3A_1501 = vector.shape_cast %select_n3A_1493 : vector<16xf32> to vector<16xf32>
        tpu.vector_store %arg14[%swap3A_1498], %swap3A_1501 {strides = array<i32>} : memref<512xf32, #tpu.memory_space<vmem>>, vector<16xf32>,
      }
      %scan3A_144 = arith.constant 16 : i32
      %mul3A_145 = arith.constant 16 : i32
      %mul3A_146 = arith.muli %mul3A_60, %mul3A_145 : i32
      %add3A_147 = arith.addi %mul3A_2, %mul3A_146 : i32
      %mul3A_148 = arith.constant 32 : i32
      %mul3A_149 = arith.muli %add3A_147, %mul3A_148 : i32
      %dma_start3A_150 = tpu.memref_slice %arg7[%mul3A_149] : memref<524288xf32, #tpu.memory_space<hbm>> -> memref<512xf32, #tpu.memory_space<hbm>>
      %dma_start3A_151 = tpu.memref_slice %arg7[%mul3A_149] : memref<524288xf32, #tpu.memory_space<hbm>> -> memref<512xf32, #tpu.memory_space<hbm>>
      tpu.enqueue_dma source(%arg14 : memref<512xf32, #tpu.memory_space<vmem>>) target(%dma_start3A_151 : memref<512xf32, #tpu.memory_space<hbm>>) target_semaphore(%arg21 : memref<!tpu.dma_semaphore, #tpu.memory_space<semaphore_mem>>)
      %add3A_152 = arith.constant 2 : i32
      %add3A_153 = arith.addi %mul3A_60, %add3A_152 : i32
      %lt3A = arith.constant 32 : i32
      %lt3A_154 = arith.cmpi slt, %add3A_153, %lt3A : i32
      %convert_element_type3A_155 = arith.extui %lt3A_154 : i1 to i32
      %cond3A_156 = arith.constant 0 : i32
      %cond3A_157 = arith.cmpi ne, %convert_element_type3A_155, %cond3A_156 : i32
      scf.if %cond3A_157 {
        %add3A_196 = arith.constant 2 : i32
        %add3A_197 = arith.addi %mul3A_60, %add3A_196 : i32
        %mul3A_198 = arith.constant 16 : i32
        %mul3A_199 = arith.muli %add3A_197, %mul3A_198 : i32
        %dma_start3A_200 = tpu.memref_slice %arg8[%mul3A_199] : memref<512xi32, #tpu.memory_space<vmem>> -> memref<16xi32, #tpu.memory_space<vmem>>
        %dma_start3A_201 = arith.constant 0 : i32
        %dma_start3A_202 = arith.constant 0 : i32
        %dma_start3A_203 = tpu.memref_slice %arg5[%dma_start3A_201, %dma_start3A_202] : memref<1000000x128xf32, #tpu.memory_space<hbm>> -> memref<1000000x128xf32, #tpu.memory_space<hbm>>
        tpu.enqueue_indirect_dma source(%dma_start3A_203 : memref<1000000x128xf32, #tpu.memory_space<hbm>>) target(%arg11 : memref<16x128xf32, #tpu.memory_space<vmem>>) offsets(%dma_start3A_200 : memref<16xi32, #tpu.memory_space<vmem>>) semaphore(%arg19 : memref<!tpu.dma_semaphore, #tpu.memory_space<semaphore_mem>>)
        %mul3A_204 = arith.constant 16 : i32
        %mul3A_205 = arith.muli %add3A_197, %mul3A_204 : i32
        %dma_start3A_206 = tpu.memref_slice %arg9[%mul3A_205] : memref<512xi32, #tpu.memory_space<vmem>> -> memref<16xi32, #tpu.memory_space<vmem>>
        %dma_start3A_207 = arith.constant 0 : i32
        %dma_start3A_208 = arith.constant 0 : i32
        %dma_start3A_209 = tpu.memref_slice %arg6[%dma_start3A_207, %dma_start3A_208] : memref<1000000x128xf32, #tpu.memory_space<hbm>> -> memref<1000000x128xf32, #tpu.memory_space<hbm>>
        tpu.enqueue_indirect_dma source(%dma_start3A_209 : memref<1000000x128xf32, #tpu.memory_space<hbm>>) target(%arg12 : memref<16x128xf32, #tpu.memory_space<vmem>>) offsets(%dma_start3A_206 : memref<16xi32, #tpu.memory_space<vmem>>) semaphore(%arg19 : memref<!tpu.dma_semaphore, #tpu.memory_space<semaphore_mem>>)
        %mul3A_210 = arith.constant 320 : i32
        %mul3A_211 = arith.muli %add3A_197, %mul3A_210 : i32
        %add3A_212 = arith.constant 0 : i32
        %add3A_213 = arith.addi %mul3A_211, %add3A_212 : i32
        %dma_start3A_214 = arith.constant 0 : i32
        %dma_start3A_215 = arith.constant 0 : i32
        %dma_start3A_216 = tpu.memref_slice %arg13[%dma_start3A_214, %dma_start3A_215] : memref<320x128xf32, #tpu.memory_space<vmem>> -> memref<80x128xf32, #tpu.memory_space<vmem>>
        %dma_start3A_217 = tpu.memref_slice %arg10[%add3A_213] : memref<10240xi32, #tpu.memory_space<vmem>> -> memref<80xi32, #tpu.memory_space<vmem>>
        %dma_start3A_218 = arith.constant 0 : i32
        %dma_start3A_219 = arith.constant 0 : i32
        %dma_start3A_220 = tpu.memref_slice %arg6[%dma_start3A_218, %dma_start3A_219] : memref<1000000x128xf32, #tpu.memory_space<hbm>> -> memref<1000000x128xf32, #tpu.memory_space<hbm>>
        tpu.enqueue_indirect_dma source(%dma_start3A_220 : memref<1000000x128xf32, #tpu.memory_space<hbm>>) target(%dma_start3A_216 : memref<80x128xf32, #tpu.memory_space<vmem>>) offsets(%dma_start3A_217 : memref<80xi32, #tpu.memory_space<vmem>>) semaphore(%arg19 : memref<!tpu.dma_semaphore, #tpu.memory_space<semaphore_mem>>)
        %mul3A_221 = arith.constant 320 : i32
        %mul3A_222 = arith.muli %add3A_197, %mul3A_221 : i32
        %add3A_223 = arith.constant 80 : i32
        %add3A_224 = arith.addi %mul3A_222, %add3A_223 : i32
        %dma_start3A_225 = arith.constant 80 : i32
        %dma_start3A_226 = arith.constant 0 : i32
        %dma_start3A_227 = tpu.memref_slice %arg13[%dma_start3A_225, %dma_start3A_226] : memref<320x128xf32, #tpu.memory_space<vmem>> -> memref<80x128xf32, #tpu.memory_space<vmem>>
        %dma_start3A_228 = tpu.memref_slice %arg10[%add3A_224] : memref<10240xi32, #tpu.memory_space<vmem>> -> memref<80xi32, #tpu.memory_space<vmem>>
        %dma_start3A_229 = arith.constant 0 : i32
        %dma_start3A_230 = arith.constant 0 : i32
        %dma_start3A_231 = tpu.memref_slice %arg6[%dma_start3A_229, %dma_start3A_230] : memref<1000000x128xf32, #tpu.memory_space<hbm>> -> memref<1000000x128xf32, #tpu.memory_space<hbm>>
        tpu.enqueue_indirect_dma source(%dma_start3A_231 : memref<1000000x128xf32, #tpu.memory_space<hbm>>) target(%dma_start3A_227 : memref<80x128xf32, #tpu.memory_space<vmem>>) offsets(%dma_start3A_228 : memref<80xi32, #tpu.memory_space<vmem>>) semaphore(%arg19 : memref<!tpu.dma_semaphore, #tpu.memory_space<semaphore_mem>>)
        %mul3A_232 = arith.constant 320 : i32
        %mul3A_233 = arith.muli %add3A_197, %mul3A_232 : i32
        %add3A_234 = arith.constant 160 : i32
        %add3A_235 = arith.addi %mul3A_233, %add3A_234 : i32
        %dma_start3A_236 = arith.constant 160 : i32
        %dma_start3A_237 = arith.constant 0 : i32
        %dma_start3A_238 = tpu.memref_slice %arg13[%dma_start3A_236, %dma_start3A_237] : memref<320x128xf32, #tpu.memory_space<vmem>> -> memref<80x128xf32, #tpu.memory_space<vmem>>
        %dma_start3A_239 = tpu.memref_slice %arg10[%add3A_235] : memref<10240xi32, #tpu.memory_space<vmem>> -> memref<80xi32, #tpu.memory_space<vmem>>
        %dma_start3A_240 = arith.constant 0 : i32
        %dma_start3A_241 = arith.constant 0 : i32
        %dma_start3A_242 = tpu.memref_slice %arg6[%dma_start3A_240, %dma_start3A_241] : memref<1000000x128xf32, #tpu.memory_space<hbm>> -> memref<1000000x128xf32, #tpu.memory_space<hbm>>
        tpu.enqueue_indirect_dma source(%dma_start3A_242 : memref<1000000x128xf32, #tpu.memory_space<hbm>>) target(%dma_start3A_238 : memref<80x128xf32, #tpu.memory_space<vmem>>) offsets(%dma_start3A_239 : memref<80xi32, #tpu.memory_space<vmem>>) semaphore(%arg19 : memref<!tpu.dma_semaphore, #tpu.memory_space<semaphore_mem>>)
        %mul3A_243 = arith.constant 320 : i32
        %mul3A_244 = arith.muli %add3A_197, %mul3A_243 : i32
        %add3A_245 = arith.constant 240 : i32
        %add3A_246 = arith.addi %mul3A_244, %add3A_245 : i32
        %dma_start3A_247 = arith.constant 240 : i32
        %dma_start3A_248 = arith.constant 0 : i32
        %dma_start3A_249 = tpu.memref_slice %arg13[%dma_start3A_247, %dma_start3A_248] : memref<320x128xf32, #tpu.memory_space<vmem>> -> memref<80x128xf32, #tpu.memory_space<vmem>>
        %dma_start3A_250 = tpu.memref_slice %arg10[%add3A_246] : memref<10240xi32, #tpu.memory_space<vmem>> -> memref<80xi32, #tpu.memory_space<vmem>>
        %dma_start3A_251 = arith.constant 0 : i32
        %dma_start3A_252 = arith.constant 0 : i32
        %dma_start3A_253 = tpu.memref_slice %arg6[%dma_start3A_251, %dma_start3A_252] : memref<1000000x128xf32, #tpu.memory_space<hbm>> -> memref<1000000x128xf32, #tpu.memory_space<hbm>>
        tpu.enqueue_indirect_dma source(%dma_start3A_253 : memref<1000000x128xf32, #tpu.memory_space<hbm>>) target(%dma_start3A_249 : memref<80x128xf32, #tpu.memory_space<vmem>>) offsets(%dma_start3A_250 : memref<80xi32, #tpu.memory_space<vmem>>) semaphore(%arg19 : memref<!tpu.dma_semaphore, #tpu.memory_space<semaphore_mem>>)
      } else {
      }
      %dma_wait3A_158 = arith.constant 0 : i32
      %dma_wait3A_159 = arith.constant 0 : i32
      %dma_wait3A_160 = tpu.memref_slice %arg5[%dma_wait3A_158, %dma_wait3A_159] : memref<1000000x128xf32, #tpu.memory_space<hbm>> -> memref<16x128xf32, #tpu.memory_space<hbm>>
      %dma_wait3A_161 = arith.constant 0 : i32
      %dma_wait3A_162 = arith.constant 0 : i32
      %dma_wait3A_163 = tpu.memref_slice %arg5[%dma_wait3A_161, %dma_wait3A_162] : memref<1000000x128xf32, #tpu.memory_space<hbm>> -> memref<16x128xf32, #tpu.memory_space<hbm>>
      tpu.wait_dma2 semaphore(%arg20 : memref<!tpu.dma_semaphore, #tpu.memory_space<semaphore_mem>>) src(%dma_wait3A_163 : memref<16x128xf32, #tpu.memory_space<hbm>>) dst(%arg15 : memref<16x128xf32, #tpu.memory_space<vmem>>)
      %dma_wait3A_164 = arith.constant 0 : i32
      %dma_wait3A_165 = arith.constant 0 : i32
      %dma_wait3A_166 = tpu.memref_slice %arg5[%dma_wait3A_164, %dma_wait3A_165] : memref<1000000x128xf32, #tpu.memory_space<hbm>> -> memref<16x128xf32, #tpu.memory_space<hbm>>
      %dma_wait3A_167 = arith.constant 0 : i32
      %dma_wait3A_168 = arith.constant 0 : i32
      %dma_wait3A_169 = tpu.memref_slice %arg5[%dma_wait3A_167, %dma_wait3A_168] : memref<1000000x128xf32, #tpu.memory_space<hbm>> -> memref<16x128xf32, #tpu.memory_space<hbm>>
      tpu.wait_dma2 semaphore(%arg20 : memref<!tpu.dma_semaphore, #tpu.memory_space<semaphore_mem>>) src(%dma_wait3A_169 : memref<16x128xf32, #tpu.memory_space<hbm>>) dst(%arg16 : memref<16x128xf32, #tpu.memory_space<vmem>>)
      %dma_wait3A_170 = arith.constant 0 : i32
      %dma_wait3A_171 = arith.constant 0 : i32
      %dma_wait3A_172 = tpu.memref_slice %arg5[%dma_wait3A_170, %dma_wait3A_171] : memref<1000000x128xf32, #tpu.memory_space<hbm>> -> memref<320x128xf32, #tpu.memory_space<hbm>>
      %dma_wait3A_173 = arith.constant 0 : i32
      %dma_wait3A_174 = arith.constant 0 : i32
      %dma_wait3A_175 = tpu.memref_slice %arg5[%dma_wait3A_173, %dma_wait3A_174] : memref<1000000x128xf32, #tpu.memory_space<hbm>> -> memref<320x128xf32, #tpu.memory_space<hbm>>
      tpu.wait_dma2 semaphore(%arg20 : memref<!tpu.dma_semaphore, #tpu.memory_space<semaphore_mem>>) src(%dma_wait3A_175 : memref<320x128xf32, #tpu.memory_space<hbm>>) dst(%arg17 : memref<320x128xf32, #tpu.memory_space<vmem>>)
      %add3A_176 = arith.constant 1 : i32
      %add3A_177 = arith.addi %mul3A_60, %add3A_176 : i32
      %ge3A_178 = arith.constant 2 : i32
      %ge3A_179 = arith.cmpi sge, %add3A_177, %ge3A_178 : i32
      %convert_element_type3A_180 = arith.extui %ge3A_179 : i1 to i32
      %cond3A_181 = arith.constant 0 : i32
      %cond3A_182 = arith.cmpi ne, %convert_element_type3A_180, %cond3A_181 : i32
      scf.if %cond3A_182 {
        %dma_wait3A_196 = arith.constant 0 : i32
        %dma_wait3A_197 = tpu.memref_slice %arg7[%dma_wait3A_196] : memref<524288xf32, #tpu.memory_space<hbm>> -> memref<512xf32, #tpu.memory_space<hbm>>
        %dma_wait3A_198 = arith.constant 0 : i32
        %dma_wait3A_199 = tpu.memref_slice %arg7[%dma_wait3A_198] : memref<524288xf32, #tpu.memory_space<hbm>> -> memref<512xf32, #tpu.memory_space<hbm>>
        tpu.wait_dma2 semaphore(%arg22 : memref<!tpu.dma_semaphore, #tpu.memory_space<semaphore_mem>>) src(%arg18 : memref<512xf32, #tpu.memory_space<vmem>>) dst(%dma_wait3A_199 : memref<512xf32, #tpu.memory_space<hbm>>)
      } else {
      }
      %scan3A_183 = arith.constant 0 : i32
      %scan3A_184 = arith.constant 0 : i32
      %scan3A_185 = arith.constant 16 : i32
      %scan3A_186 = arith.addi %scan3A_184, %scan3A_185 : i32
      %scan3A_187 = arith.constant 1 : i32
      scf.for %scan3A_196 = %scan3A_184 to %scan3A_186 step %scan3A_187  : i32 {
        %get3A = arith.index_cast %scan3A_196 : i32 to index
        %get3A_197 = arith.constant 0 : index
        %get3A_198 = tpu.vector_load %arg15[%get3A, %get3A_197] {strides = array<i32>} : memref<16x128xf32, #tpu.memory_space<vmem>>, vector<1x16xf32>,
        %get3A_199 = vector.shape_cast %get3A_198 : vector<1x16xf32> to vector<16xf32>
        %get3A_200 = arith.index_cast %scan3A_196 : i32 to index
        %get3A_201 = arith.constant 16 : index
        %get3A_202 = tpu.vector_load %arg15[%get3A_200, %get3A_201] {strides = array<i32>} : memref<16x128xf32, #tpu.memory_space<vmem>>, vector<1x16xf32>,
        %get3A_203 = vector.shape_cast %get3A_202 : vector<1x16xf32> to vector<16xf32>
        %get3A_204 = arith.index_cast %scan3A_196 : i32 to index
        %get3A_205 = arith.constant 32 : index
        %get3A_206 = tpu.vector_load %arg15[%get3A_204, %get3A_205] {strides = array<i32>} : memref<16x128xf32, #tpu.memory_space<vmem>>, vector<1x16xf32>,
        %get3A_207 = vector.shape_cast %get3A_206 : vector<1x16xf32> to vector<16xf32>
        %get3A_208 = arith.index_cast %scan3A_196 : i32 to index
        %get3A_209 = arith.constant 48 : index
        %get3A_210 = tpu.vector_load %arg15[%get3A_208, %get3A_209] {strides = array<i32>} : memref<16x128xf32, #tpu.memory_space<vmem>>, vector<1x16xf32>,
        %get3A_211 = vector.shape_cast %get3A_210 : vector<1x16xf32> to vector<16xf32>
        %get3A_212 = arith.index_cast %scan3A_196 : i32 to index
        %get3A_213 = arith.constant 0 : index
        %get3A_214 = tpu.vector_load %arg16[%get3A_212, %get3A_213] {strides = array<i32>} : memref<16x128xf32, #tpu.memory_space<vmem>>, vector<1x16xf32>,
        %get3A_215 = vector.shape_cast %get3A_214 : vector<1x16xf32> to vector<16xf32>
        %mul3A_216 = arith.mulf %get3A_199, %get3A_215 : vector<16xf32>
        %get3A_217 = arith.index_cast %scan3A_196 : i32 to index
        %get3A_218 = arith.constant 16 : index
        %get3A_219 = tpu.vector_load %arg16[%get3A_217, %get3A_218] {strides = array<i32>} : memref<16x128xf32, #tpu.memory_space<vmem>>, vector<1x16xf32>,
        %get3A_220 = vector.shape_cast %get3A_219 : vector<1x16xf32> to vector<16xf32>
        %mul3A_221 = arith.mulf %get3A_203, %get3A_220 : vector<16xf32>
        %add3A_222 = arith.addf %mul3A_216, %mul3A_221 : vector<16xf32>
        %get3A_223 = arith.index_cast %scan3A_196 : i32 to index
        %get3A_224 = arith.constant 32 : index
        %get3A_225 = tpu.vector_load %arg16[%get3A_223, %get3A_224] {strides = array<i32>} : memref<16x128xf32, #tpu.memory_space<vmem>>, vector<1x16xf32>,
        %get3A_226 = vector.shape_cast %get3A_225 : vector<1x16xf32> to vector<16xf32>
        %mul3A_227 = arith.mulf %get3A_207, %get3A_226 : vector<16xf32>
        %add3A_228 = arith.addf %add3A_222, %mul3A_227 : vector<16xf32>
        %get3A_229 = arith.index_cast %scan3A_196 : i32 to index
        %get3A_230 = arith.constant 48 : index
        %get3A_231 = tpu.vector_load %arg16[%get3A_229, %get3A_230] {strides = array<i32>} : memref<16x128xf32, #tpu.memory_space<vmem>>, vector<1x16xf32>,
        %get3A_232 = vector.shape_cast %get3A_231 : vector<1x16xf32> to vector<16xf32>
        %mul3A_233 = arith.mulf %get3A_211, %get3A_232 : vector<16xf32>
        %add3A_234 = arith.addf %add3A_228, %mul3A_233 : vector<16xf32>
        %mul3A_235 = arith.constant 20 : i32
        %mul3A_236 = arith.muli %scan3A_196, %mul3A_235 : i32
        %add3A_237 = arith.constant 0 : i32
        %add3A_238 = arith.addi %mul3A_236, %add3A_237 : i32
        %get3A_239 = arith.index_cast %add3A_238 : i32 to index
        %get3A_240 = arith.constant 0 : index
        %get3A_241 = tpu.vector_load %arg17[%get3A_239, %get3A_240] {strides = array<i32>} : memref<320x128xf32, #tpu.memory_space<vmem>>, vector<1x16xf32>,
        %get3A_242 = vector.shape_cast %get3A_241 : vector<1x16xf32> to vector<16xf32>
        %mul3A_243 = arith.mulf %get3A_199, %get3A_242 : vector<16xf32>
        %get3A_244 = arith.index_cast %add3A_238 : i32 to index
        %get3A_245 = arith.constant 16 : index
        %get3A_246 = tpu.vector_load %arg17[%get3A_244, %get3A_245] {strides = array<i32>} : memref<320x128xf32, #tpu.memory_space<vmem>>, vector<1x16xf32>,
        %get3A_247 = vector.shape_cast %get3A_246 : vector<1x16xf32> to vector<16xf32>
        %mul3A_248 = arith.mulf %get3A_203, %get3A_247 : vector<16xf32>
        %add3A_249 = arith.addf %mul3A_243, %mul3A_248 : vector<16xf32>
        %get3A_250 = arith.index_cast %add3A_238 : i32 to index
        %get3A_251 = arith.constant 32 : index
        %get3A_252 = tpu.vector_load %arg17[%get3A_250, %get3A_251] {strides = array<i32>} : memref<320x128xf32, #tpu.memory_space<vmem>>, vector<1x16xf32>,
        %get3A_253 = vector.shape_cast %get3A_252 : vector<1x16xf32> to vector<16xf32>
        %mul3A_254 = arith.mulf %get3A_207, %get3A_253 : vector<16xf32>
        %add3A_255 = arith.addf %add3A_249, %mul3A_254 : vector<16xf32>
        %get3A_256 = arith.index_cast %add3A_238 : i32 to index
        %get3A_257 = arith.constant 48 : index
        %get3A_258 = tpu.vector_load %arg17[%get3A_256, %get3A_257] {strides = array<i32>} : memref<320x128xf32, #tpu.memory_space<vmem>>, vector<1x16xf32>,
        %get3A_259 = vector.shape_cast %get3A_258 : vector<1x16xf32> to vector<16xf32>
        %mul3A_260 = arith.mulf %get3A_211, %get3A_259 : vector<16xf32>
        %add3A_261 = arith.addf %add3A_255, %mul3A_260 : vector<16xf32>
        %mul3A_262 = arith.constant 20 : i32
        %mul3A_263 = arith.muli %scan3A_196, %mul3A_262 : i32
        %add3A_264 = arith.constant 1 : i32
        %add3A_265 = arith.addi %mul3A_263, %add3A_264 : i32
        %get3A_266 = arith.index_cast %add3A_265 : i32 to index
        %get3A_267 = arith.constant 0 : index
        %get3A_268 = tpu.vector_load %arg17[%get3A_266, %get3A_267] {strides = array<i32>} : memref<320x128xf32, #tpu.memory_space<vmem>>, vector<1x16xf32>,
        %get3A_269 = vector.shape_cast %get3A_268 : vector<1x16xf32> to vector<16xf32>
        %mul3A_270 = arith.mulf %get3A_199, %get3A_269 : vector<16xf32>
        %get3A_271 = arith.index_cast %add3A_265 : i32 to index
        %get3A_272 = arith.constant 16 : index
        %get3A_273 = tpu.vector_load %arg17[%get3A_271, %get3A_272] {strides = array<i32>} : memref<320x128xf32, #tpu.memory_space<vmem>>, vector<1x16xf32>,
        %get3A_274 = vector.shape_cast %get3A_273 : vector<1x16xf32> to vector<16xf32>
        %mul3A_275 = arith.mulf %get3A_203, %get3A_274 : vector<16xf32>
        %add3A_276 = arith.addf %mul3A_270, %mul3A_275 : vector<16xf32>
        %get3A_277 = arith.index_cast %add3A_265 : i32 to index
        %get3A_278 = arith.constant 32 : index
        %get3A_279 = tpu.vector_load %arg17[%get3A_277, %get3A_278] {strides = array<i32>} : memref<320x128xf32, #tpu.memory_space<vmem>>, vector<1x16xf32>,
        %get3A_280 = vector.shape_cast %get3A_279 : vector<1x16xf32> to vector<16xf32>
        %mul3A_281 = arith.mulf %get3A_207, %get3A_280 : vector<16xf32>
        %add3A_282 = arith.addf %add3A_276, %mul3A_281 : vector<16xf32>
        %get3A_283 = arith.index_cast %add3A_265 : i32 to index
        %get3A_284 = arith.constant 48 : index
        %get3A_285 = tpu.vector_load %arg17[%get3A_283, %get3A_284] {strides = array<i32>} : memref<320x128xf32, #tpu.memory_space<vmem>>, vector<1x16xf32>,
        %get3A_286 = vector.shape_cast %get3A_285 : vector<1x16xf32> to vector<16xf32>
        %mul3A_287 = arith.mulf %get3A_211, %get3A_286 : vector<16xf32>
        %add3A_288 = arith.addf %add3A_282, %mul3A_287 : vector<16xf32>
        %mul3A_289 = arith.constant 20 : i32
        %mul3A_290 = arith.muli %scan3A_196, %mul3A_289 : i32
        %add3A_291 = arith.constant 2 : i32
        %add3A_292 = arith.addi %mul3A_290, %add3A_291 : i32
        %get3A_293 = arith.index_cast %add3A_292 : i32 to index
        %get3A_294 = arith.constant 0 : index
        %get3A_295 = tpu.vector_load %arg17[%get3A_293, %get3A_294] {strides = array<i32>} : memref<320x128xf32, #tpu.memory_space<vmem>>, vector<1x16xf32>,
        %get3A_296 = vector.shape_cast %get3A_295 : vector<1x16xf32> to vector<16xf32>
        %mul3A_297 = arith.mulf %get3A_199, %get3A_296 : vector<16xf32>
        %get3A_298 = arith.index_cast %add3A_292 : i32 to index
        %get3A_299 = arith.constant 16 : index
        %get3A_300 = tpu.vector_load %arg17[%get3A_298, %get3A_299] {strides = array<i32>} : memref<320x128xf32, #tpu.memory_space<vmem>>, vector<1x16xf32>,
        %get3A_301 = vector.shape_cast %get3A_300 : vector<1x16xf32> to vector<16xf32>
        %mul3A_302 = arith.mulf %get3A_203, %get3A_301 : vector<16xf32>
        %add3A_303 = arith.addf %mul3A_297, %mul3A_302 : vector<16xf32>
        %get3A_304 = arith.index_cast %add3A_292 : i32 to index
        %get3A_305 = arith.constant 32 : index
        %get3A_306 = tpu.vector_load %arg17[%get3A_304, %get3A_305] {strides = array<i32>} : memref<320x128xf32, #tpu.memory_space<vmem>>, vector<1x16xf32>,
        %get3A_307 = vector.shape_cast %get3A_306 : vector<1x16xf32> to vector<16xf32>
        %mul3A_308 = arith.mulf %get3A_207, %get3A_307 : vector<16xf32>
        %add3A_309 = arith.addf %add3A_303, %mul3A_308 : vector<16xf32>
        %get3A_310 = arith.index_cast %add3A_292 : i32 to index
        %get3A_311 = arith.constant 48 : index
        %get3A_312 = tpu.vector_load %arg17[%get3A_310, %get3A_311] {strides = array<i32>} : memref<320x128xf32, #tpu.memory_space<vmem>>, vector<1x16xf32>,
        %get3A_313 = vector.shape_cast %get3A_312 : vector<1x16xf32> to vector<16xf32>
        %mul3A_314 = arith.mulf %get3A_211, %get3A_313 : vector<16xf32>
        %add3A_315 = arith.addf %add3A_309, %mul3A_314 : vector<16xf32>
        %mul3A_316 = arith.constant 20 : i32
        %mul3A_317 = arith.muli %scan3A_196, %mul3A_316 : i32
        %add3A_318 = arith.constant 3 : i32
        %add3A_319 = arith.addi %mul3A_317, %add3A_318 : i32
        %get3A_320 = arith.index_cast %add3A_319 : i32 to index
        %get3A_321 = arith.constant 0 : index
        %get3A_322 = tpu.vector_load %arg17[%get3A_320, %get3A_321] {strides = array<i32>} : memref<320x128xf32, #tpu.memory_space<vmem>>, vector<1x16xf32>,
        %get3A_323 = vector.shape_cast %get3A_322 : vector<1x16xf32> to vector<16xf32>
        %mul3A_324 = arith.mulf %get3A_199, %get3A_323 : vector<16xf32>
        %get3A_325 = arith.index_cast %add3A_319 : i32 to index
        %get3A_326 = arith.constant 16 : index
        %get3A_327 = tpu.vector_load %arg17[%get3A_325, %get3A_326] {strides = array<i32>} : memref<320x128xf32, #tpu.memory_space<vmem>>, vector<1x16xf32>,
        %get3A_328 = vector.shape_cast %get3A_327 : vector<1x16xf32> to vector<16xf32>
        %mul3A_329 = arith.mulf %get3A_203, %get3A_328 : vector<16xf32>
        %add3A_330 = arith.addf %mul3A_324, %mul3A_329 : vector<16xf32>
        %get3A_331 = arith.index_cast %add3A_319 : i32 to index
        %get3A_332 = arith.constant 32 : index
        %get3A_333 = tpu.vector_load %arg17[%get3A_331, %get3A_332] {strides = array<i32>} : memref<320x128xf32, #tpu.memory_space<vmem>>, vector<1x16xf32>,
        %get3A_334 = vector.shape_cast %get3A_333 : vector<1x16xf32> to vector<16xf32>
        %mul3A_335 = arith.mulf %get3A_207, %get3A_334 : vector<16xf32>
        %add3A_336 = arith.addf %add3A_330, %mul3A_335 : vector<16xf32>
        %get3A_337 = arith.index_cast %add3A_319 : i32 to index
        %get3A_338 = arith.constant 48 : index
        %get3A_339 = tpu.vector_load %arg17[%get3A_337, %get3A_338] {strides = array<i32>} : memref<320x128xf32, #tpu.memory_space<vmem>>, vector<1x16xf32>,
        %get3A_340 = vector.shape_cast %get3A_339 : vector<1x16xf32> to vector<16xf32>
        %mul3A_341 = arith.mulf %get3A_211, %get3A_340 : vector<16xf32>
        %add3A_342 = arith.addf %add3A_336, %mul3A_341 : vector<16xf32>
        %mul3A_343 = arith.constant 20 : i32
        %mul3A_344 = arith.muli %scan3A_196, %mul3A_343 : i32
        %add3A_345 = arith.constant 4 : i32
        %add3A_346 = arith.addi %mul3A_344, %add3A_345 : i32
        %get3A_347 = arith.index_cast %add3A_346 : i32 to index
        %get3A_348 = arith.constant 0 : index
        %get3A_349 = tpu.vector_load %arg17[%get3A_347, %get3A_348] {strides = array<i32>} : memref<320x128xf32, #tpu.memory_space<vmem>>, vector<1x16xf32>,
        %get3A_350 = vector.shape_cast %get3A_349 : vector<1x16xf32> to vector<16xf32>
        %mul3A_351 = arith.mulf %get3A_199, %get3A_350 : vector<16xf32>
        %get3A_352 = arith.index_cast %add3A_346 : i32 to index
        %get3A_353 = arith.constant 16 : index
        %get3A_354 = tpu.vector_load %arg17[%get3A_352, %get3A_353] {strides = array<i32>} : memref<320x128xf32, #tpu.memory_space<vmem>>, vector<1x16xf32>,
        %get3A_355 = vector.shape_cast %get3A_354 : vector<1x16xf32> to vector<16xf32>
        %mul3A_356 = arith.mulf %get3A_203, %get3A_355 : vector<16xf32>
        %add3A_357 = arith.addf %mul3A_351, %mul3A_356 : vector<16xf32>
        %get3A_358 = arith.index_cast %add3A_346 : i32 to index
        %get3A_359 = arith.constant 32 : index
        %get3A_360 = tpu.vector_load %arg17[%get3A_358, %get3A_359] {strides = array<i32>} : memref<320x128xf32, #tpu.memory_space<vmem>>, vector<1x16xf32>,
        %get3A_361 = vector.shape_cast %get3A_360 : vector<1x16xf32> to vector<16xf32>
        %mul3A_362 = arith.mulf %get3A_207, %get3A_361 : vector<16xf32>
        %add3A_363 = arith.addf %add3A_357, %mul3A_362 : vector<16xf32>
        %get3A_364 = arith.index_cast %add3A_346 : i32 to index
        %get3A_365 = arith.constant 48 : index
        %get3A_366 = tpu.vector_load %arg17[%get3A_364, %get3A_365] {strides = array<i32>} : memref<320x128xf32, #tpu.memory_space<vmem>>, vector<1x16xf32>,
        %get3A_367 = vector.shape_cast %get3A_366 : vector<1x16xf32> to vector<16xf32>
        %mul3A_368 = arith.mulf %get3A_211, %get3A_367 : vector<16xf32>
        %add3A_369 = arith.addf %add3A_363, %mul3A_368 : vector<16xf32>
        %mul3A_370 = arith.constant 20 : i32
        %mul3A_371 = arith.muli %scan3A_196, %mul3A_370 : i32
        %add3A_372 = arith.constant 5 : i32
        %add3A_373 = arith.addi %mul3A_371, %add3A_372 : i32
        %get3A_374 = arith.index_cast %add3A_373 : i32 to index
        %get3A_375 = arith.constant 0 : index
        %get3A_376 = tpu.vector_load %arg17[%get3A_374, %get3A_375] {strides = array<i32>} : memref<320x128xf32, #tpu.memory_space<vmem>>, vector<1x16xf32>,
        %get3A_377 = vector.shape_cast %get3A_376 : vector<1x16xf32> to vector<16xf32>
        %mul3A_378 = arith.mulf %get3A_199, %get3A_377 : vector<16xf32>
        %get3A_379 = arith.index_cast %add3A_373 : i32 to index
        %get3A_380 = arith.constant 16 : index
        %get3A_381 = tpu.vector_load %arg17[%get3A_379, %get3A_380] {strides = array<i32>} : memref<320x128xf32, #tpu.memory_space<vmem>>, vector<1x16xf32>,
        %get3A_382 = vector.shape_cast %get3A_381 : vector<1x16xf32> to vector<16xf32>
        %mul3A_383 = arith.mulf %get3A_203, %get3A_382 : vector<16xf32>
        %add3A_384 = arith.addf %mul3A_378, %mul3A_383 : vector<16xf32>
        %get3A_385 = arith.index_cast %add3A_373 : i32 to index
        %get3A_386 = arith.constant 32 : index
        %get3A_387 = tpu.vector_load %arg17[%get3A_385, %get3A_386] {strides = array<i32>} : memref<320x128xf32, #tpu.memory_space<vmem>>, vector<1x16xf32>,
        %get3A_388 = vector.shape_cast %get3A_387 : vector<1x16xf32> to vector<16xf32>
        %mul3A_389 = arith.mulf %get3A_207, %get3A_388 : vector<16xf32>
        %add3A_390 = arith.addf %add3A_384, %mul3A_389 : vector<16xf32>
        %get3A_391 = arith.index_cast %add3A_373 : i32 to index
        %get3A_392 = arith.constant 48 : index
        %get3A_393 = tpu.vector_load %arg17[%get3A_391, %get3A_392] {strides = array<i32>} : memref<320x128xf32, #tpu.memory_space<vmem>>, vector<1x16xf32>,
        %get3A_394 = vector.shape_cast %get3A_393 : vector<1x16xf32> to vector<16xf32>
        %mul3A_395 = arith.mulf %get3A_211, %get3A_394 : vector<16xf32>
        %add3A_396 = arith.addf %add3A_390, %mul3A_395 : vector<16xf32>
        %mul3A_397 = arith.constant 20 : i32
        %mul3A_398 = arith.muli %scan3A_196, %mul3A_397 : i32
        %add3A_399 = arith.constant 6 : i32
        %add3A_400 = arith.addi %mul3A_398, %add3A_399 : i32
        %get3A_401 = arith.index_cast %add3A_400 : i32 to index
        %get3A_402 = arith.constant 0 : index
        %get3A_403 = tpu.vector_load %arg17[%get3A_401, %get3A_402] {strides = array<i32>} : memref<320x128xf32, #tpu.memory_space<vmem>>, vector<1x16xf32>,
        %get3A_404 = vector.shape_cast %get3A_403 : vector<1x16xf32> to vector<16xf32>
        %mul3A_405 = arith.mulf %get3A_199, %get3A_404 : vector<16xf32>
        %get3A_406 = arith.index_cast %add3A_400 : i32 to index
        %get3A_407 = arith.constant 16 : index
        %get3A_408 = tpu.vector_load %arg17[%get3A_406, %get3A_407] {strides = array<i32>} : memref<320x128xf32, #tpu.memory_space<vmem>>, vector<1x16xf32>,
        %get3A_409 = vector.shape_cast %get3A_408 : vector<1x16xf32> to vector<16xf32>
        %mul3A_410 = arith.mulf %get3A_203, %get3A_409 : vector<16xf32>
        %add3A_411 = arith.addf %mul3A_405, %mul3A_410 : vector<16xf32>
        %get3A_412 = arith.index_cast %add3A_400 : i32 to index
        %get3A_413 = arith.constant 32 : index
        %get3A_414 = tpu.vector_load %arg17[%get3A_412, %get3A_413] {strides = array<i32>} : memref<320x128xf32, #tpu.memory_space<vmem>>, vector<1x16xf32>,
        %get3A_415 = vector.shape_cast %get3A_414 : vector<1x16xf32> to vector<16xf32>
        %mul3A_416 = arith.mulf %get3A_207, %get3A_415 : vector<16xf32>
        %add3A_417 = arith.addf %add3A_411, %mul3A_416 : vector<16xf32>
        %get3A_418 = arith.index_cast %add3A_400 : i32 to index
        %get3A_419 = arith.constant 48 : index
        %get3A_420 = tpu.vector_load %arg17[%get3A_418, %get3A_419] {strides = array<i32>} : memref<320x128xf32, #tpu.memory_space<vmem>>, vector<1x16xf32>,
        %get3A_421 = vector.shape_cast %get3A_420 : vector<1x16xf32> to vector<16xf32>
        %mul3A_422 = arith.mulf %get3A_211, %get3A_421 : vector<16xf32>
        %add3A_423 = arith.addf %add3A_417, %mul3A_422 : vector<16xf32>
        %mul3A_424 = arith.constant 20 : i32
        %mul3A_425 = arith.muli %scan3A_196, %mul3A_424 : i32
        %add3A_426 = arith.constant 7 : i32
        %add3A_427 = arith.addi %mul3A_425, %add3A_426 : i32
        %get3A_428 = arith.index_cast %add3A_427 : i32 to index
        %get3A_429 = arith.constant 0 : index
        %get3A_430 = tpu.vector_load %arg17[%get3A_428, %get3A_429] {strides = array<i32>} : memref<320x128xf32, #tpu.memory_space<vmem>>, vector<1x16xf32>,
        %get3A_431 = vector.shape_cast %get3A_430 : vector<1x16xf32> to vector<16xf32>
        %mul3A_432 = arith.mulf %get3A_199, %get3A_431 : vector<16xf32>
        %get3A_433 = arith.index_cast %add3A_427 : i32 to index
        %get3A_434 = arith.constant 16 : index
        %get3A_435 = tpu.vector_load %arg17[%get3A_433, %get3A_434] {strides = array<i32>} : memref<320x128xf32, #tpu.memory_space<vmem>>, vector<1x16xf32>,
        %get3A_436 = vector.shape_cast %get3A_435 : vector<1x16xf32> to vector<16xf32>
        %mul3A_437 = arith.mulf %get3A_203, %get3A_436 : vector<16xf32>
        %add3A_438 = arith.addf %mul3A_432, %mul3A_437 : vector<16xf32>
        %get3A_439 = arith.index_cast %add3A_427 : i32 to index
        %get3A_440 = arith.constant 32 : index
        %get3A_441 = tpu.vector_load %arg17[%get3A_439, %get3A_440] {strides = array<i32>} : memref<320x128xf32, #tpu.memory_space<vmem>>, vector<1x16xf32>,
        %get3A_442 = vector.shape_cast %get3A_441 : vector<1x16xf32> to vector<16xf32>
        %mul3A_443 = arith.mulf %get3A_207, %get3A_442 : vector<16xf32>
        %add3A_444 = arith.addf %add3A_438, %mul3A_443 : vector<16xf32>
        %get3A_445 = arith.index_cast %add3A_427 : i32 to index
        %get3A_446 = arith.constant 48 : index
        %get3A_447 = tpu.vector_load %arg17[%get3A_445, %get3A_446] {strides = array<i32>} : memref<320x128xf32, #tpu.memory_space<vmem>>, vector<1x16xf32>,
        %get3A_448 = vector.shape_cast %get3A_447 : vector<1x16xf32> to vector<16xf32>
        %mul3A_449 = arith.mulf %get3A_211, %get3A_448 : vector<16xf32>
        %add3A_450 = arith.addf %add3A_444, %mul3A_449 : vector<16xf32>
        %mul3A_451 = arith.constant 20 : i32
        %mul3A_452 = arith.muli %scan3A_196, %mul3A_451 : i32
        %add3A_453 = arith.constant 8 : i32
        %add3A_454 = arith.addi %mul3A_452, %add3A_453 : i32
        %get3A_455 = arith.index_cast %add3A_454 : i32 to index
        %get3A_456 = arith.constant 0 : index
        %get3A_457 = tpu.vector_load %arg17[%get3A_455, %get3A_456] {strides = array<i32>} : memref<320x128xf32, #tpu.memory_space<vmem>>, vector<1x16xf32>,
        %get3A_458 = vector.shape_cast %get3A_457 : vector<1x16xf32> to vector<16xf32>
        %mul3A_459 = arith.mulf %get3A_199, %get3A_458 : vector<16xf32>
        %get3A_460 = arith.index_cast %add3A_454 : i32 to index
        %get3A_461 = arith.constant 16 : index
        %get3A_462 = tpu.vector_load %arg17[%get3A_460, %get3A_461] {strides = array<i32>} : memref<320x128xf32, #tpu.memory_space<vmem>>, vector<1x16xf32>,
        %get3A_463 = vector.shape_cast %get3A_462 : vector<1x16xf32> to vector<16xf32>
        %mul3A_464 = arith.mulf %get3A_203, %get3A_463 : vector<16xf32>
        %add3A_465 = arith.addf %mul3A_459, %mul3A_464 : vector<16xf32>
        %get3A_466 = arith.index_cast %add3A_454 : i32 to index
        %get3A_467 = arith.constant 32 : index
        %get3A_468 = tpu.vector_load %arg17[%get3A_466, %get3A_467] {strides = array<i32>} : memref<320x128xf32, #tpu.memory_space<vmem>>, vector<1x16xf32>,
        %get3A_469 = vector.shape_cast %get3A_468 : vector<1x16xf32> to vector<16xf32>
        %mul3A_470 = arith.mulf %get3A_207, %get3A_469 : vector<16xf32>
        %add3A_471 = arith.addf %add3A_465, %mul3A_470 : vector<16xf32>
        %get3A_472 = arith.index_cast %add3A_454 : i32 to index
        %get3A_473 = arith.constant 48 : index
        %get3A_474 = tpu.vector_load %arg17[%get3A_472, %get3A_473] {strides = array<i32>} : memref<320x128xf32, #tpu.memory_space<vmem>>, vector<1x16xf32>,
        %get3A_475 = vector.shape_cast %get3A_474 : vector<1x16xf32> to vector<16xf32>
        %mul3A_476 = arith.mulf %get3A_211, %get3A_475 : vector<16xf32>
        %add3A_477 = arith.addf %add3A_471, %mul3A_476 : vector<16xf32>
        %mul3A_478 = arith.constant 20 : i32
        %mul3A_479 = arith.muli %scan3A_196, %mul3A_478 : i32
        %add3A_480 = arith.constant 9 : i32
        %add3A_481 = arith.addi %mul3A_479, %add3A_480 : i32
        %get3A_482 = arith.index_cast %add3A_481 : i32 to index
        %get3A_483 = arith.constant 0 : index
        %get3A_484 = tpu.vector_load %arg17[%get3A_482, %get3A_483] {strides = array<i32>} : memref<320x128xf32, #tpu.memory_space<vmem>>, vector<1x16xf32>,
        %get3A_485 = vector.shape_cast %get3A_484 : vector<1x16xf32> to vector<16xf32>
        %mul3A_486 = arith.mulf %get3A_199, %get3A_485 : vector<16xf32>
        %get3A_487 = arith.index_cast %add3A_481 : i32 to index
        %get3A_488 = arith.constant 16 : index
        %get3A_489 = tpu.vector_load %arg17[%get3A_487, %get3A_488] {strides = array<i32>} : memref<320x128xf32, #tpu.memory_space<vmem>>, vector<1x16xf32>,
        %get3A_490 = vector.shape_cast %get3A_489 : vector<1x16xf32> to vector<16xf32>
        %mul3A_491 = arith.mulf %get3A_203, %get3A_490 : vector<16xf32>
        %add3A_492 = arith.addf %mul3A_486, %mul3A_491 : vector<16xf32>
        %get3A_493 = arith.index_cast %add3A_481 : i32 to index
        %get3A_494 = arith.constant 32 : index
        %get3A_495 = tpu.vector_load %arg17[%get3A_493, %get3A_494] {strides = array<i32>} : memref<320x128xf32, #tpu.memory_space<vmem>>, vector<1x16xf32>,
        %get3A_496 = vector.shape_cast %get3A_495 : vector<1x16xf32> to vector<16xf32>
        %mul3A_497 = arith.mulf %get3A_207, %get3A_496 : vector<16xf32>
        %add3A_498 = arith.addf %add3A_492, %mul3A_497 : vector<16xf32>
        %get3A_499 = arith.index_cast %add3A_481 : i32 to index
        %get3A_500 = arith.constant 48 : index
        %get3A_501 = tpu.vector_load %arg17[%get3A_499, %get3A_500] {strides = array<i32>} : memref<320x128xf32, #tpu.memory_space<vmem>>, vector<1x16xf32>,
        %get3A_502 = vector.shape_cast %get3A_501 : vector<1x16xf32> to vector<16xf32>
        %mul3A_503 = arith.mulf %get3A_211, %get3A_502 : vector<16xf32>
        %add3A_504 = arith.addf %add3A_498, %mul3A_503 : vector<16xf32>
        %mul3A_505 = arith.constant 20 : i32
        %mul3A_506 = arith.muli %scan3A_196, %mul3A_505 : i32
        %add3A_507 = arith.constant 10 : i32
        %add3A_508 = arith.addi %mul3A_506, %add3A_507 : i32
        %get3A_509 = arith.index_cast %add3A_508 : i32 to index
        %get3A_510 = arith.constant 0 : index
        %get3A_511 = tpu.vector_load %arg17[%get3A_509, %get3A_510] {strides = array<i32>} : memref<320x128xf32, #tpu.memory_space<vmem>>, vector<1x16xf32>,
        %get3A_512 = vector.shape_cast %get3A_511 : vector<1x16xf32> to vector<16xf32>
        %mul3A_513 = arith.mulf %get3A_199, %get3A_512 : vector<16xf32>
        %get3A_514 = arith.index_cast %add3A_508 : i32 to index
        %get3A_515 = arith.constant 16 : index
        %get3A_516 = tpu.vector_load %arg17[%get3A_514, %get3A_515] {strides = array<i32>} : memref<320x128xf32, #tpu.memory_space<vmem>>, vector<1x16xf32>,
        %get3A_517 = vector.shape_cast %get3A_516 : vector<1x16xf32> to vector<16xf32>
        %mul3A_518 = arith.mulf %get3A_203, %get3A_517 : vector<16xf32>
        %add3A_519 = arith.addf %mul3A_513, %mul3A_518 : vector<16xf32>
        %get3A_520 = arith.index_cast %add3A_508 : i32 to index
        %get3A_521 = arith.constant 32 : index
        %get3A_522 = tpu.vector_load %arg17[%get3A_520, %get3A_521] {strides = array<i32>} : memref<320x128xf32, #tpu.memory_space<vmem>>, vector<1x16xf32>,
        %get3A_523 = vector.shape_cast %get3A_522 : vector<1x16xf32> to vector<16xf32>
        %mul3A_524 = arith.mulf %get3A_207, %get3A_523 : vector<16xf32>
        %add3A_525 = arith.addf %add3A_519, %mul3A_524 : vector<16xf32>
        %get3A_526 = arith.index_cast %add3A_508 : i32 to index
        %get3A_527 = arith.constant 48 : index
        %get3A_528 = tpu.vector_load %arg17[%get3A_526, %get3A_527] {strides = array<i32>} : memref<320x128xf32, #tpu.memory_space<vmem>>, vector<1x16xf32>,
        %get3A_529 = vector.shape_cast %get3A_528 : vector<1x16xf32> to vector<16xf32>
        %mul3A_530 = arith.mulf %get3A_211, %get3A_529 : vector<16xf32>
        %add3A_531 = arith.addf %add3A_525, %mul3A_530 : vector<16xf32>
        %mul3A_532 = arith.constant 20 : i32
        %mul3A_533 = arith.muli %scan3A_196, %mul3A_532 : i32
        %add3A_534 = arith.constant 11 : i32
        %add3A_535 = arith.addi %mul3A_533, %add3A_534 : i32
        %get3A_536 = arith.index_cast %add3A_535 : i32 to index
        %get3A_537 = arith.constant 0 : index
        %get3A_538 = tpu.vector_load %arg17[%get3A_536, %get3A_537] {strides = array<i32>} : memref<320x128xf32, #tpu.memory_space<vmem>>, vector<1x16xf32>,
        %get3A_539 = vector.shape_cast %get3A_538 : vector<1x16xf32> to vector<16xf32>
        %mul3A_540 = arith.mulf %get3A_199, %get3A_539 : vector<16xf32>
        %get3A_541 = arith.index_cast %add3A_535 : i32 to index
        %get3A_542 = arith.constant 16 : index
        %get3A_543 = tpu.vector_load %arg17[%get3A_541, %get3A_542] {strides = array<i32>} : memref<320x128xf32, #tpu.memory_space<vmem>>, vector<1x16xf32>,
        %get3A_544 = vector.shape_cast %get3A_543 : vector<1x16xf32> to vector<16xf32>
        %mul3A_545 = arith.mulf %get3A_203, %get3A_544 : vector<16xf32>
        %add3A_546 = arith.addf %mul3A_540, %mul3A_545 : vector<16xf32>
        %get3A_547 = arith.index_cast %add3A_535 : i32 to index
        %get3A_548 = arith.constant 32 : index
        %get3A_549 = tpu.vector_load %arg17[%get3A_547, %get3A_548] {strides = array<i32>} : memref<320x128xf32, #tpu.memory_space<vmem>>, vector<1x16xf32>,
        %get3A_550 = vector.shape_cast %get3A_549 : vector<1x16xf32> to vector<16xf32>
        %mul3A_551 = arith.mulf %get3A_207, %get3A_550 : vector<16xf32>
        %add3A_552 = arith.addf %add3A_546, %mul3A_551 : vector<16xf32>
        %get3A_553 = arith.index_cast %add3A_535 : i32 to index
        %get3A_554 = arith.constant 48 : index
        %get3A_555 = tpu.vector_load %arg17[%get3A_553, %get3A_554] {strides = array<i32>} : memref<320x128xf32, #tpu.memory_space<vmem>>, vector<1x16xf32>,
        %get3A_556 = vector.shape_cast %get3A_555 : vector<1x16xf32> to vector<16xf32>
        %mul3A_557 = arith.mulf %get3A_211, %get3A_556 : vector<16xf32>
        %add3A_558 = arith.addf %add3A_552, %mul3A_557 : vector<16xf32>
        %mul3A_559 = arith.constant 20 : i32
        %mul3A_560 = arith.muli %scan3A_196, %mul3A_559 : i32
        %add3A_561 = arith.constant 12 : i32
        %add3A_562 = arith.addi %mul3A_560, %add3A_561 : i32
        %get3A_563 = arith.index_cast %add3A_562 : i32 to index
        %get3A_564 = arith.constant 0 : index
        %get3A_565 = tpu.vector_load %arg17[%get3A_563, %get3A_564] {strides = array<i32>} : memref<320x128xf32, #tpu.memory_space<vmem>>, vector<1x16xf32>,
        %get3A_566 = vector.shape_cast %get3A_565 : vector<1x16xf32> to vector<16xf32>
        %mul3A_567 = arith.mulf %get3A_199, %get3A_566 : vector<16xf32>
        %get3A_568 = arith.index_cast %add3A_562 : i32 to index
        %get3A_569 = arith.constant 16 : index
        %get3A_570 = tpu.vector_load %arg17[%get3A_568, %get3A_569] {strides = array<i32>} : memref<320x128xf32, #tpu.memory_space<vmem>>, vector<1x16xf32>,
        %get3A_571 = vector.shape_cast %get3A_570 : vector<1x16xf32> to vector<16xf32>
        %mul3A_572 = arith.mulf %get3A_203, %get3A_571 : vector<16xf32>
        %add3A_573 = arith.addf %mul3A_567, %mul3A_572 : vector<16xf32>
        %get3A_574 = arith.index_cast %add3A_562 : i32 to index
        %get3A_575 = arith.constant 32 : index
        %get3A_576 = tpu.vector_load %arg17[%get3A_574, %get3A_575] {strides = array<i32>} : memref<320x128xf32, #tpu.memory_space<vmem>>, vector<1x16xf32>,
        %get3A_577 = vector.shape_cast %get3A_576 : vector<1x16xf32> to vector<16xf32>
        %mul3A_578 = arith.mulf %get3A_207, %get3A_577 : vector<16xf32>
        %add3A_579 = arith.addf %add3A_573, %mul3A_578 : vector<16xf32>
        %get3A_580 = arith.index_cast %add3A_562 : i32 to index
        %get3A_581 = arith.constant 48 : index
        %get3A_582 = tpu.vector_load %arg17[%get3A_580, %get3A_581] {strides = array<i32>} : memref<320x128xf32, #tpu.memory_space<vmem>>, vector<1x16xf32>,
        %get3A_583 = vector.shape_cast %get3A_582 : vector<1x16xf32> to vector<16xf32>
        %mul3A_584 = arith.mulf %get3A_211, %get3A_583 : vector<16xf32>
        %add3A_585 = arith.addf %add3A_579, %mul3A_584 : vector<16xf32>
        %mul3A_586 = arith.constant 20 : i32
        %mul3A_587 = arith.muli %scan3A_196, %mul3A_586 : i32
        %add3A_588 = arith.constant 13 : i32
        %add3A_589 = arith.addi %mul3A_587, %add3A_588 : i32
        %get3A_590 = arith.index_cast %add3A_589 : i32 to index
        %get3A_591 = arith.constant 0 : index
        %get3A_592 = tpu.vector_load %arg17[%get3A_590, %get3A_591] {strides = array<i32>} : memref<320x128xf32, #tpu.memory_space<vmem>>, vector<1x16xf32>,
        %get3A_593 = vector.shape_cast %get3A_592 : vector<1x16xf32> to vector<16xf32>
        %mul3A_594 = arith.mulf %get3A_199, %get3A_593 : vector<16xf32>
        %get3A_595 = arith.index_cast %add3A_589 : i32 to index
        %get3A_596 = arith.constant 16 : index
        %get3A_597 = tpu.vector_load %arg17[%get3A_595, %get3A_596] {strides = array<i32>} : memref<320x128xf32, #tpu.memory_space<vmem>>, vector<1x16xf32>,
        %get3A_598 = vector.shape_cast %get3A_597 : vector<1x16xf32> to vector<16xf32>
        %mul3A_599 = arith.mulf %get3A_203, %get3A_598 : vector<16xf32>
        %add3A_600 = arith.addf %mul3A_594, %mul3A_599 : vector<16xf32>
        %get3A_601 = arith.index_cast %add3A_589 : i32 to index
        %get3A_602 = arith.constant 32 : index
        %get3A_603 = tpu.vector_load %arg17[%get3A_601, %get3A_602] {strides = array<i32>} : memref<320x128xf32, #tpu.memory_space<vmem>>, vector<1x16xf32>,
        %get3A_604 = vector.shape_cast %get3A_603 : vector<1x16xf32> to vector<16xf32>
        %mul3A_605 = arith.mulf %get3A_207, %get3A_604 : vector<16xf32>
        %add3A_606 = arith.addf %add3A_600, %mul3A_605 : vector<16xf32>
        %get3A_607 = arith.index_cast %add3A_589 : i32 to index
        %get3A_608 = arith.constant 48 : index
        %get3A_609 = tpu.vector_load %arg17[%get3A_607, %get3A_608] {strides = array<i32>} : memref<320x128xf32, #tpu.memory_space<vmem>>, vector<1x16xf32>,
        %get3A_610 = vector.shape_cast %get3A_609 : vector<1x16xf32> to vector<16xf32>
        %mul3A_611 = arith.mulf %get3A_211, %get3A_610 : vector<16xf32>
        %add3A_612 = arith.addf %add3A_606, %mul3A_611 : vector<16xf32>
        %mul3A_613 = arith.constant 20 : i32
        %mul3A_614 = arith.muli %scan3A_196, %mul3A_613 : i32
        %add3A_615 = arith.constant 14 : i32
        %add3A_616 = arith.addi %mul3A_614, %add3A_615 : i32
        %get3A_617 = arith.index_cast %add3A_616 : i32 to index
        %get3A_618 = arith.constant 0 : index
        %get3A_619 = tpu.vector_load %arg17[%get3A_617, %get3A_618] {strides = array<i32>} : memref<320x128xf32, #tpu.memory_space<vmem>>, vector<1x16xf32>,
        %get3A_620 = vector.shape_cast %get3A_619 : vector<1x16xf32> to vector<16xf32>
        %mul3A_621 = arith.mulf %get3A_199, %get3A_620 : vector<16xf32>
        %get3A_622 = arith.index_cast %add3A_616 : i32 to index
        %get3A_623 = arith.constant 16 : index
        %get3A_624 = tpu.vector_load %arg17[%get3A_622, %get3A_623] {strides = array<i32>} : memref<320x128xf32, #tpu.memory_space<vmem>>, vector<1x16xf32>,
        %get3A_625 = vector.shape_cast %get3A_624 : vector<1x16xf32> to vector<16xf32>
        %mul3A_626 = arith.mulf %get3A_203, %get3A_625 : vector<16xf32>
        %add3A_627 = arith.addf %mul3A_621, %mul3A_626 : vector<16xf32>
        %get3A_628 = arith.index_cast %add3A_616 : i32 to index
        %get3A_629 = arith.constant 32 : index
        %get3A_630 = tpu.vector_load %arg17[%get3A_628, %get3A_629] {strides = array<i32>} : memref<320x128xf32, #tpu.memory_space<vmem>>, vector<1x16xf32>,
        %get3A_631 = vector.shape_cast %get3A_630 : vector<1x16xf32> to vector<16xf32>
        %mul3A_632 = arith.mulf %get3A_207, %get3A_631 : vector<16xf32>
        %add3A_633 = arith.addf %add3A_627, %mul3A_632 : vector<16xf32>
        %get3A_634 = arith.index_cast %add3A_616 : i32 to index
        %get3A_635 = arith.constant 48 : index
        %get3A_636 = tpu.vector_load %arg17[%get3A_634, %get3A_635] {strides = array<i32>} : memref<320x128xf32, #tpu.memory_space<vmem>>, vector<1x16xf32>,
        %get3A_637 = vector.shape_cast %get3A_636 : vector<1x16xf32> to vector<16xf32>
        %mul3A_638 = arith.mulf %get3A_211, %get3A_637 : vector<16xf32>
        %add3A_639 = arith.addf %add3A_633, %mul3A_638 : vector<16xf32>
        %iota3A = tpu.iota {dimensions = array<i32: 0>} : vector<16xi32>
        %xor3A = arith.constant 1 : i32
        %xor3A_640 = vector.broadcast %xor3A : i32 to vector<16xi32>
        %xor3A_641 = arith.xori %iota3A, %xor3A_640 : vector<16xi32>
        %iota3A_642 = tpu.iota {dimensions = array<i32: 0>} : vector<16xi32>
        %and3A = arith.constant 1 : i32
        %and3A_643 = vector.broadcast %and3A : i32 to vector<16xi32>
        %and3A_644 = arith.andi %iota3A_642, %and3A_643 : vector<16xi32>
        %eq3A = arith.constant 0 : i32
        %eq3A_645 = vector.broadcast %eq3A : i32 to vector<16xi32>
        %eq3A_646 = arith.cmpi eq, %and3A_644, %eq3A_645 : vector<16xi32>
        %lt3A_647 = arith.constant 0 : i32
        %lt3A_648 = vector.broadcast %lt3A_647 : i32 to vector<16xi32>
        %lt3A_649 = arith.cmpi slt, %xor3A_641, %lt3A_648 : vector<16xi32>
        %add3A_650 = arith.constant 16 : i32
        %add3A_651 = vector.broadcast %add3A_650 : i32 to vector<16xi32>
        %add3A_652 = arith.addi %xor3A_641, %add3A_651 : vector<16xi32>
        %select_n3A = arith.select %lt3A_649, %add3A_652, %xor3A_641 : vector<16xi1>, vector<16xi32>
        %broadcast_in_dim3A = vector.shape_cast %select_n3A : vector<16xi32> to vector<16x1xi32>
        %gather3A = vector.shape_cast %broadcast_in_dim3A : vector<16x1xi32> to vector<16xi32>
        %gather3A_653 = tpu.dynamic_gather %add3A_261[%gather3A] in [0] : vector<16xf32>, vector<16xi32> -> vector<16xf32>
        %select_n3A_654 = arith.select %eq3A_646, %add3A_234, %gather3A_653 : vector<16xi1>, vector<16xf32>
        %lt3A_655 = arith.constant 0 : i32
        %lt3A_656 = vector.broadcast %lt3A_655 : i32 to vector<16xi32>
        %lt3A_657 = arith.cmpi slt, %xor3A_641, %lt3A_656 : vector<16xi32>
        %add3A_658 = arith.constant 16 : i32
        %add3A_659 = vector.broadcast %add3A_658 : i32 to vector<16xi32>
        %add3A_660 = arith.addi %xor3A_641, %add3A_659 : vector<16xi32>
        %select_n3A_661 = arith.select %lt3A_657, %add3A_660, %xor3A_641 : vector<16xi1>, vector<16xi32>
        %broadcast_in_dim3A_662 = vector.shape_cast %select_n3A_661 : vector<16xi32> to vector<16x1xi32>
        %gather3A_663 = vector.shape_cast %broadcast_in_dim3A_662 : vector<16x1xi32> to vector<16xi32>
        %gather3A_664 = tpu.dynamic_gather %add3A_234[%gather3A_663] in [0] : vector<16xf32>, vector<16xi32> -> vector<16xf32>
        %select_n3A_665 = arith.select %eq3A_646, %gather3A_664, %add3A_261 : vector<16xi1>, vector<16xf32>
        %add3A_666 = arith.addf %select_n3A_654, %select_n3A_665 : vector<16xf32>
        %iota3A_667 = tpu.iota {dimensions = array<i32: 0>} : vector<16xi32>
        %xor3A_668 = arith.constant 1 : i32
        %xor3A_669 = vector.broadcast %xor3A_668 : i32 to vector<16xi32>
        %xor3A_670 = arith.xori %iota3A_667, %xor3A_669 : vector<16xi32>
        %iota3A_671 = tpu.iota {dimensions = array<i32: 0>} : vector<16xi32>
        %and3A_672 = arith.constant 1 : i32
        %and3A_673 = vector.broadcast %and3A_672 : i32 to vector<16xi32>
        %and3A_674 = arith.andi %iota3A_671, %and3A_673 : vector<16xi32>
        %eq3A_675 = arith.constant 0 : i32
        %eq3A_676 = vector.broadcast %eq3A_675 : i32 to vector<16xi32>
        %eq3A_677 = arith.cmpi eq, %and3A_674, %eq3A_676 : vector<16xi32>
        %lt3A_678 = arith.constant 0 : i32
        %lt3A_679 = vector.broadcast %lt3A_678 : i32 to vector<16xi32>
        %lt3A_680 = arith.cmpi slt, %xor3A_670, %lt3A_679 : vector<16xi32>
        %add3A_681 = arith.constant 16 : i32
        %add3A_682 = vector.broadcast %add3A_681 : i32 to vector<16xi32>
        %add3A_683 = arith.addi %xor3A_670, %add3A_682 : vector<16xi32>
        %select_n3A_684 = arith.select %lt3A_680, %add3A_683, %xor3A_670 : vector<16xi1>, vector<16xi32>
        %broadcast_in_dim3A_685 = vector.shape_cast %select_n3A_684 : vector<16xi32> to vector<16x1xi32>
        %gather3A_686 = vector.shape_cast %broadcast_in_dim3A_685 : vector<16x1xi32> to vector<16xi32>
        %gather3A_687 = tpu.dynamic_gather %add3A_315[%gather3A_686] in [0] : vector<16xf32>, vector<16xi32> -> vector<16xf32>
        %select_n3A_688 = arith.select %eq3A_677, %add3A_288, %gather3A_687 : vector<16xi1>, vector<16xf32>
        %lt3A_689 = arith.constant 0 : i32
        %lt3A_690 = vector.broadcast %lt3A_689 : i32 to vector<16xi32>
        %lt3A_691 = arith.cmpi slt, %xor3A_670, %lt3A_690 : vector<16xi32>
        %add3A_692 = arith.constant 16 : i32
        %add3A_693 = vector.broadcast %add3A_692 : i32 to vector<16xi32>
        %add3A_694 = arith.addi %xor3A_670, %add3A_693 : vector<16xi32>
        %select_n3A_695 = arith.select %lt3A_691, %add3A_694, %xor3A_670 : vector<16xi1>, vector<16xi32>
        %broadcast_in_dim3A_696 = vector.shape_cast %select_n3A_695 : vector<16xi32> to vector<16x1xi32>
        %gather3A_697 = vector.shape_cast %broadcast_in_dim3A_696 : vector<16x1xi32> to vector<16xi32>
        %gather3A_698 = tpu.dynamic_gather %add3A_288[%gather3A_697] in [0] : vector<16xf32>, vector<16xi32> -> vector<16xf32>
        %select_n3A_699 = arith.select %eq3A_677, %gather3A_698, %add3A_315 : vector<16xi1>, vector<16xf32>
        %add3A_700 = arith.addf %select_n3A_688, %select_n3A_699 : vector<16xf32>
        %iota3A_701 = tpu.iota {dimensions = array<i32: 0>} : vector<16xi32>
        %xor3A_702 = arith.constant 1 : i32
        %xor3A_703 = vector.broadcast %xor3A_702 : i32 to vector<16xi32>
        %xor3A_704 = arith.xori %iota3A_701, %xor3A_703 : vector<16xi32>
        %iota3A_705 = tpu.iota {dimensions = array<i32: 0>} : vector<16xi32>
        %and3A_706 = arith.constant 1 : i32
        %and3A_707 = vector.broadcast %and3A_706 : i32 to vector<16xi32>
        %and3A_708 = arith.andi %iota3A_705, %and3A_707 : vector<16xi32>
        %eq3A_709 = arith.constant 0 : i32
        %eq3A_710 = vector.broadcast %eq3A_709 : i32 to vector<16xi32>
        %eq3A_711 = arith.cmpi eq, %and3A_708, %eq3A_710 : vector<16xi32>
        %lt3A_712 = arith.constant 0 : i32
        %lt3A_713 = vector.broadcast %lt3A_712 : i32 to vector<16xi32>
        %lt3A_714 = arith.cmpi slt, %xor3A_704, %lt3A_713 : vector<16xi32>
        %add3A_715 = arith.constant 16 : i32
        %add3A_716 = vector.broadcast %add3A_715 : i32 to vector<16xi32>
        %add3A_717 = arith.addi %xor3A_704, %add3A_716 : vector<16xi32>
        %select_n3A_718 = arith.select %lt3A_714, %add3A_717, %xor3A_704 : vector<16xi1>, vector<16xi32>
        %broadcast_in_dim3A_719 = vector.shape_cast %select_n3A_718 : vector<16xi32> to vector<16x1xi32>
        %gather3A_720 = vector.shape_cast %broadcast_in_dim3A_719 : vector<16x1xi32> to vector<16xi32>
        %gather3A_721 = tpu.dynamic_gather %add3A_369[%gather3A_720] in [0] : vector<16xf32>, vector<16xi32> -> vector<16xf32>
        %select_n3A_722 = arith.select %eq3A_711, %add3A_342, %gather3A_721 : vector<16xi1>, vector<16xf32>
        %lt3A_723 = arith.constant 0 : i32
        %lt3A_724 = vector.broadcast %lt3A_723 : i32 to vector<16xi32>
        %lt3A_725 = arith.cmpi slt, %xor3A_704, %lt3A_724 : vector<16xi32>
        %add3A_726 = arith.constant 16 : i32
        %add3A_727 = vector.broadcast %add3A_726 : i32 to vector<16xi32>
        %add3A_728 = arith.addi %xor3A_704, %add3A_727 : vector<16xi32>
        %select_n3A_729 = arith.select %lt3A_725, %add3A_728, %xor3A_704 : vector<16xi1>, vector<16xi32>
        %broadcast_in_dim3A_730 = vector.shape_cast %select_n3A_729 : vector<16xi32> to vector<16x1xi32>
        %gather3A_731 = vector.shape_cast %broadcast_in_dim3A_730 : vector<16x1xi32> to vector<16xi32>
        %gather3A_732 = tpu.dynamic_gather %add3A_342[%gather3A_731] in [0] : vector<16xf32>, vector<16xi32> -> vector<16xf32>
        %select_n3A_733 = arith.select %eq3A_711, %gather3A_732, %add3A_369 : vector<16xi1>, vector<16xf32>
        %add3A_734 = arith.addf %select_n3A_722, %select_n3A_733 : vector<16xf32>
        %iota3A_735 = tpu.iota {dimensions = array<i32: 0>} : vector<16xi32>
        %xor3A_736 = arith.constant 1 : i32
        %xor3A_737 = vector.broadcast %xor3A_736 : i32 to vector<16xi32>
        %xor3A_738 = arith.xori %iota3A_735, %xor3A_737 : vector<16xi32>
        %iota3A_739 = tpu.iota {dimensions = array<i32: 0>} : vector<16xi32>
        %and3A_740 = arith.constant 1 : i32
        %and3A_741 = vector.broadcast %and3A_740 : i32 to vector<16xi32>
        %and3A_742 = arith.andi %iota3A_739, %and3A_741 : vector<16xi32>
        %eq3A_743 = arith.constant 0 : i32
        %eq3A_744 = vector.broadcast %eq3A_743 : i32 to vector<16xi32>
        %eq3A_745 = arith.cmpi eq, %and3A_742, %eq3A_744 : vector<16xi32>
        %lt3A_746 = arith.constant 0 : i32
        %lt3A_747 = vector.broadcast %lt3A_746 : i32 to vector<16xi32>
        %lt3A_748 = arith.cmpi slt, %xor3A_738, %lt3A_747 : vector<16xi32>
        %add3A_749 = arith.constant 16 : i32
        %add3A_750 = vector.broadcast %add3A_749 : i32 to vector<16xi32>
        %add3A_751 = arith.addi %xor3A_738, %add3A_750 : vector<16xi32>
        %select_n3A_752 = arith.select %lt3A_748, %add3A_751, %xor3A_738 : vector<16xi1>, vector<16xi32>
        %broadcast_in_dim3A_753 = vector.shape_cast %select_n3A_752 : vector<16xi32> to vector<16x1xi32>
        %gather3A_754 = vector.shape_cast %broadcast_in_dim3A_753 : vector<16x1xi32> to vector<16xi32>
        %gather3A_755 = tpu.dynamic_gather %add3A_423[%gather3A_754] in [0] : vector<16xf32>, vector<16xi32> -> vector<16xf32>
        %select_n3A_756 = arith.select %eq3A_745, %add3A_396, %gather3A_755 : vector<16xi1>, vector<16xf32>
        %lt3A_757 = arith.constant 0 : i32
        %lt3A_758 = vector.broadcast %lt3A_757 : i32 to vector<16xi32>
        %lt3A_759 = arith.cmpi slt, %xor3A_738, %lt3A_758 : vector<16xi32>
        %add3A_760 = arith.constant 16 : i32
        %add3A_761 = vector.broadcast %add3A_760 : i32 to vector<16xi32>
        %add3A_762 = arith.addi %xor3A_738, %add3A_761 : vector<16xi32>
        %select_n3A_763 = arith.select %lt3A_759, %add3A_762, %xor3A_738 : vector<16xi1>, vector<16xi32>
        %broadcast_in_dim3A_764 = vector.shape_cast %select_n3A_763 : vector<16xi32> to vector<16x1xi32>
        %gather3A_765 = vector.shape_cast %broadcast_in_dim3A_764 : vector<16x1xi32> to vector<16xi32>
        %gather3A_766 = tpu.dynamic_gather %add3A_396[%gather3A_765] in [0] : vector<16xf32>, vector<16xi32> -> vector<16xf32>
        %select_n3A_767 = arith.select %eq3A_745, %gather3A_766, %add3A_423 : vector<16xi1>, vector<16xf32>
        %add3A_768 = arith.addf %select_n3A_756, %select_n3A_767 : vector<16xf32>
        %iota3A_769 = tpu.iota {dimensions = array<i32: 0>} : vector<16xi32>
        %xor3A_770 = arith.constant 1 : i32
        %xor3A_771 = vector.broadcast %xor3A_770 : i32 to vector<16xi32>
        %xor3A_772 = arith.xori %iota3A_769, %xor3A_771 : vector<16xi32>
        %iota3A_773 = tpu.iota {dimensions = array<i32: 0>} : vector<16xi32>
        %and3A_774 = arith.constant 1 : i32
        %and3A_775 = vector.broadcast %and3A_774 : i32 to vector<16xi32>
        %and3A_776 = arith.andi %iota3A_773, %and3A_775 : vector<16xi32>
        %eq3A_777 = arith.constant 0 : i32
        %eq3A_778 = vector.broadcast %eq3A_777 : i32 to vector<16xi32>
        %eq3A_779 = arith.cmpi eq, %and3A_776, %eq3A_778 : vector<16xi32>
        %lt3A_780 = arith.constant 0 : i32
        %lt3A_781 = vector.broadcast %lt3A_780 : i32 to vector<16xi32>
        %lt3A_782 = arith.cmpi slt, %xor3A_772, %lt3A_781 : vector<16xi32>
        %add3A_783 = arith.constant 16 : i32
        %add3A_784 = vector.broadcast %add3A_783 : i32 to vector<16xi32>
        %add3A_785 = arith.addi %xor3A_772, %add3A_784 : vector<16xi32>
        %select_n3A_786 = arith.select %lt3A_782, %add3A_785, %xor3A_772 : vector<16xi1>, vector<16xi32>
        %broadcast_in_dim3A_787 = vector.shape_cast %select_n3A_786 : vector<16xi32> to vector<16x1xi32>
        %gather3A_788 = vector.shape_cast %broadcast_in_dim3A_787 : vector<16x1xi32> to vector<16xi32>
        %gather3A_789 = tpu.dynamic_gather %add3A_477[%gather3A_788] in [0] : vector<16xf32>, vector<16xi32> -> vector<16xf32>
        %select_n3A_790 = arith.select %eq3A_779, %add3A_450, %gather3A_789 : vector<16xi1>, vector<16xf32>
        %lt3A_791 = arith.constant 0 : i32
        %lt3A_792 = vector.broadcast %lt3A_791 : i32 to vector<16xi32>
        %lt3A_793 = arith.cmpi slt, %xor3A_772, %lt3A_792 : vector<16xi32>
        %add3A_794 = arith.constant 16 : i32
        %add3A_795 = vector.broadcast %add3A_794 : i32 to vector<16xi32>
        %add3A_796 = arith.addi %xor3A_772, %add3A_795 : vector<16xi32>
        %select_n3A_797 = arith.select %lt3A_793, %add3A_796, %xor3A_772 : vector<16xi1>, vector<16xi32>
        %broadcast_in_dim3A_798 = vector.shape_cast %select_n3A_797 : vector<16xi32> to vector<16x1xi32>
        %gather3A_799 = vector.shape_cast %broadcast_in_dim3A_798 : vector<16x1xi32> to vector<16xi32>
        %gather3A_800 = tpu.dynamic_gather %add3A_450[%gather3A_799] in [0] : vector<16xf32>, vector<16xi32> -> vector<16xf32>
        %select_n3A_801 = arith.select %eq3A_779, %gather3A_800, %add3A_477 : vector<16xi1>, vector<16xf32>
        %add3A_802 = arith.addf %select_n3A_790, %select_n3A_801 : vector<16xf32>
        %iota3A_803 = tpu.iota {dimensions = array<i32: 0>} : vector<16xi32>
        %xor3A_804 = arith.constant 1 : i32
        %xor3A_805 = vector.broadcast %xor3A_804 : i32 to vector<16xi32>
        %xor3A_806 = arith.xori %iota3A_803, %xor3A_805 : vector<16xi32>
        %iota3A_807 = tpu.iota {dimensions = array<i32: 0>} : vector<16xi32>
        %and3A_808 = arith.constant 1 : i32
        %and3A_809 = vector.broadcast %and3A_808 : i32 to vector<16xi32>
        %and3A_810 = arith.andi %iota3A_807, %and3A_809 : vector<16xi32>
        %eq3A_811 = arith.constant 0 : i32
        %eq3A_812 = vector.broadcast %eq3A_811 : i32 to vector<16xi32>
        %eq3A_813 = arith.cmpi eq, %and3A_810, %eq3A_812 : vector<16xi32>
        %lt3A_814 = arith.constant 0 : i32
        %lt3A_815 = vector.broadcast %lt3A_814 : i32 to vector<16xi32>
        %lt3A_816 = arith.cmpi slt, %xor3A_806, %lt3A_815 : vector<16xi32>
        %add3A_817 = arith.constant 16 : i32
        %add3A_818 = vector.broadcast %add3A_817 : i32 to vector<16xi32>
        %add3A_819 = arith.addi %xor3A_806, %add3A_818 : vector<16xi32>
        %select_n3A_820 = arith.select %lt3A_816, %add3A_819, %xor3A_806 : vector<16xi1>, vector<16xi32>
        %broadcast_in_dim3A_821 = vector.shape_cast %select_n3A_820 : vector<16xi32> to vector<16x1xi32>
        %gather3A_822 = vector.shape_cast %broadcast_in_dim3A_821 : vector<16x1xi32> to vector<16xi32>
        %gather3A_823 = tpu.dynamic_gather %add3A_531[%gather3A_822] in [0] : vector<16xf32>, vector<16xi32> -> vector<16xf32>
        %select_n3A_824 = arith.select %eq3A_813, %add3A_504, %gather3A_823 : vector<16xi1>, vector<16xf32>
        %lt3A_825 = arith.constant 0 : i32
        %lt3A_826 = vector.broadcast %lt3A_825 : i32 to vector<16xi32>
        %lt3A_827 = arith.cmpi slt, %xor3A_806, %lt3A_826 : vector<16xi32>
        %add3A_828 = arith.constant 16 : i32
        %add3A_829 = vector.broadcast %add3A_828 : i32 to vector<16xi32>
        %add3A_830 = arith.addi %xor3A_806, %add3A_829 : vector<16xi32>
        %select_n3A_831 = arith.select %lt3A_827, %add3A_830, %xor3A_806 : vector<16xi1>, vector<16xi32>
        %broadcast_in_dim3A_832 = vector.shape_cast %select_n3A_831 : vector<16xi32> to vector<16x1xi32>
        %gather3A_833 = vector.shape_cast %broadcast_in_dim3A_832 : vector<16x1xi32> to vector<16xi32>
        %gather3A_834 = tpu.dynamic_gather %add3A_504[%gather3A_833] in [0] : vector<16xf32>, vector<16xi32> -> vector<16xf32>
        %select_n3A_835 = arith.select %eq3A_813, %gather3A_834, %add3A_531 : vector<16xi1>, vector<16xf32>
        %add3A_836 = arith.addf %select_n3A_824, %select_n3A_835 : vector<16xf32>
        %iota3A_837 = tpu.iota {dimensions = array<i32: 0>} : vector<16xi32>
        %xor3A_838 = arith.constant 1 : i32
        %xor3A_839 = vector.broadcast %xor3A_838 : i32 to vector<16xi32>
        %xor3A_840 = arith.xori %iota3A_837, %xor3A_839 : vector<16xi32>
        %iota3A_841 = tpu.iota {dimensions = array<i32: 0>} : vector<16xi32>
        %and3A_842 = arith.constant 1 : i32
        %and3A_843 = vector.broadcast %and3A_842 : i32 to vector<16xi32>
        %and3A_844 = arith.andi %iota3A_841, %and3A_843 : vector<16xi32>
        %eq3A_845 = arith.constant 0 : i32
        %eq3A_846 = vector.broadcast %eq3A_845 : i32 to vector<16xi32>
        %eq3A_847 = arith.cmpi eq, %and3A_844, %eq3A_846 : vector<16xi32>
        %lt3A_848 = arith.constant 0 : i32
        %lt3A_849 = vector.broadcast %lt3A_848 : i32 to vector<16xi32>
        %lt3A_850 = arith.cmpi slt, %xor3A_840, %lt3A_849 : vector<16xi32>
        %add3A_851 = arith.constant 16 : i32
        %add3A_852 = vector.broadcast %add3A_851 : i32 to vector<16xi32>
        %add3A_853 = arith.addi %xor3A_840, %add3A_852 : vector<16xi32>
        %select_n3A_854 = arith.select %lt3A_850, %add3A_853, %xor3A_840 : vector<16xi1>, vector<16xi32>
        %broadcast_in_dim3A_855 = vector.shape_cast %select_n3A_854 : vector<16xi32> to vector<16x1xi32>
        %gather3A_856 = vector.shape_cast %broadcast_in_dim3A_855 : vector<16x1xi32> to vector<16xi32>
        %gather3A_857 = tpu.dynamic_gather %add3A_585[%gather3A_856] in [0] : vector<16xf32>, vector<16xi32> -> vector<16xf32>
        %select_n3A_858 = arith.select %eq3A_847, %add3A_558, %gather3A_857 : vector<16xi1>, vector<16xf32>
        %lt3A_859 = arith.constant 0 : i32
        %lt3A_860 = vector.broadcast %lt3A_859 : i32 to vector<16xi32>
        %lt3A_861 = arith.cmpi slt, %xor3A_840, %lt3A_860 : vector<16xi32>
        %add3A_862 = arith.constant 16 : i32
        %add3A_863 = vector.broadcast %add3A_862 : i32 to vector<16xi32>
        %add3A_864 = arith.addi %xor3A_840, %add3A_863 : vector<16xi32>
        %select_n3A_865 = arith.select %lt3A_861, %add3A_864, %xor3A_840 : vector<16xi1>, vector<16xi32>
        %broadcast_in_dim3A_866 = vector.shape_cast %select_n3A_865 : vector<16xi32> to vector<16x1xi32>
        %gather3A_867 = vector.shape_cast %broadcast_in_dim3A_866 : vector<16x1xi32> to vector<16xi32>
        %gather3A_868 = tpu.dynamic_gather %add3A_558[%gather3A_867] in [0] : vector<16xf32>, vector<16xi32> -> vector<16xf32>
        %select_n3A_869 = arith.select %eq3A_847, %gather3A_868, %add3A_585 : vector<16xi1>, vector<16xf32>
        %add3A_870 = arith.addf %select_n3A_858, %select_n3A_869 : vector<16xf32>
        %iota3A_871 = tpu.iota {dimensions = array<i32: 0>} : vector<16xi32>
        %xor3A_872 = arith.constant 1 : i32
        %xor3A_873 = vector.broadcast %xor3A_872 : i32 to vector<16xi32>
        %xor3A_874 = arith.xori %iota3A_871, %xor3A_873 : vector<16xi32>
        %iota3A_875 = tpu.iota {dimensions = array<i32: 0>} : vector<16xi32>
        %and3A_876 = arith.constant 1 : i32
        %and3A_877 = vector.broadcast %and3A_876 : i32 to vector<16xi32>
        %and3A_878 = arith.andi %iota3A_875, %and3A_877 : vector<16xi32>
        %eq3A_879 = arith.constant 0 : i32
        %eq3A_880 = vector.broadcast %eq3A_879 : i32 to vector<16xi32>
        %eq3A_881 = arith.cmpi eq, %and3A_878, %eq3A_880 : vector<16xi32>
        %lt3A_882 = arith.constant 0 : i32
        %lt3A_883 = vector.broadcast %lt3A_882 : i32 to vector<16xi32>
        %lt3A_884 = arith.cmpi slt, %xor3A_874, %lt3A_883 : vector<16xi32>
        %add3A_885 = arith.constant 16 : i32
        %add3A_886 = vector.broadcast %add3A_885 : i32 to vector<16xi32>
        %add3A_887 = arith.addi %xor3A_874, %add3A_886 : vector<16xi32>
        %select_n3A_888 = arith.select %lt3A_884, %add3A_887, %xor3A_874 : vector<16xi1>, vector<16xi32>
        %broadcast_in_dim3A_889 = vector.shape_cast %select_n3A_888 : vector<16xi32> to vector<16x1xi32>
        %gather3A_890 = vector.shape_cast %broadcast_in_dim3A_889 : vector<16x1xi32> to vector<16xi32>
        %gather3A_891 = tpu.dynamic_gather %add3A_639[%gather3A_890] in [0] : vector<16xf32>, vector<16xi32> -> vector<16xf32>
        %select_n3A_892 = arith.select %eq3A_881, %add3A_612, %gather3A_891 : vector<16xi1>, vector<16xf32>
        %lt3A_893 = arith.constant 0 : i32
        %lt3A_894 = vector.broadcast %lt3A_893 : i32 to vector<16xi32>
        %lt3A_895 = arith.cmpi slt, %xor3A_874, %lt3A_894 : vector<16xi32>
        %add3A_896 = arith.constant 16 : i32
        %add3A_897 = vector.broadcast %add3A_896 : i32 to vector<16xi32>
        %add3A_898 = arith.addi %xor3A_874, %add3A_897 : vector<16xi32>
        %select_n3A_899 = arith.select %lt3A_895, %add3A_898, %xor3A_874 : vector<16xi1>, vector<16xi32>
        %broadcast_in_dim3A_900 = vector.shape_cast %select_n3A_899 : vector<16xi32> to vector<16x1xi32>
        %gather3A_901 = vector.shape_cast %broadcast_in_dim3A_900 : vector<16x1xi32> to vector<16xi32>
        %gather3A_902 = tpu.dynamic_gather %add3A_612[%gather3A_901] in [0] : vector<16xf32>, vector<16xi32> -> vector<16xf32>
        %select_n3A_903 = arith.select %eq3A_881, %gather3A_902, %add3A_639 : vector<16xi1>, vector<16xf32>
        %add3A_904 = arith.addf %select_n3A_892, %select_n3A_903 : vector<16xf32>
        %iota3A_905 = tpu.iota {dimensions = array<i32: 0>} : vector<16xi32>
        %xor3A_906 = arith.constant 2 : i32
        %xor3A_907 = vector.broadcast %xor3A_906 : i32 to vector<16xi32>
        %xor3A_908 = arith.xori %iota3A_905, %xor3A_907 : vector<16xi32>
        %iota3A_909 = tpu.iota {dimensions = array<i32: 0>} : vector<16xi32>
        %and3A_910 = arith.constant 2 : i32
        %and3A_911 = vector.broadcast %and3A_910 : i32 to vector<16xi32>
        %and3A_912 = arith.andi %iota3A_909, %and3A_911 : vector<16xi32>
        %eq3A_913 = arith.constant 0 : i32
        %eq3A_914 = vector.broadcast %eq3A_913 : i32 to vector<16xi32>
        %eq3A_915 = arith.cmpi eq, %and3A_912, %eq3A_914 : vector<16xi32>
        %lt3A_916 = arith.constant 0 : i32
        %lt3A_917 = vector.broadcast %lt3A_916 : i32 to vector<16xi32>
        %lt3A_918 = arith.cmpi slt, %xor3A_908, %lt3A_917 : vector<16xi32>
        %add3A_919 = arith.constant 16 : i32
        %add3A_920 = vector.broadcast %add3A_919 : i32 to vector<16xi32>
        %add3A_921 = arith.addi %xor3A_908, %add3A_920 : vector<16xi32>
        %select_n3A_922 = arith.select %lt3A_918, %add3A_921, %xor3A_908 : vector<16xi1>, vector<16xi32>
        %broadcast_in_dim3A_923 = vector.shape_cast %select_n3A_922 : vector<16xi32> to vector<16x1xi32>
        %gather3A_924 = vector.shape_cast %broadcast_in_dim3A_923 : vector<16x1xi32> to vector<16xi32>
        %gather3A_925 = tpu.dynamic_gather %add3A_700[%gather3A_924] in [0] : vector<16xf32>, vector<16xi32> -> vector<16xf32>
        %select_n3A_926 = arith.select %eq3A_915, %add3A_666, %gather3A_925 : vector<16xi1>, vector<16xf32>
        %lt3A_927 = arith.constant 0 : i32
        %lt3A_928 = vector.broadcast %lt3A_927 : i32 to vector<16xi32>
        %lt3A_929 = arith.cmpi slt, %xor3A_908, %lt3A_928 : vector<16xi32>
        %add3A_930 = arith.constant 16 : i32
        %add3A_931 = vector.broadcast %add3A_930 : i32 to vector<16xi32>
        %add3A_932 = arith.addi %xor3A_908, %add3A_931 : vector<16xi32>
        %select_n3A_933 = arith.select %lt3A_929, %add3A_932, %xor3A_908 : vector<16xi1>, vector<16xi32>
        %broadcast_in_dim3A_934 = vector.shape_cast %select_n3A_933 : vector<16xi32> to vector<16x1xi32>
        %gather3A_935 = vector.shape_cast %broadcast_in_dim3A_934 : vector<16x1xi32> to vector<16xi32>
        %gather3A_936 = tpu.dynamic_gather %add3A_666[%gather3A_935] in [0] : vector<16xf32>, vector<16xi32> -> vector<16xf32>
        %select_n3A_937 = arith.select %eq3A_915, %gather3A_936, %add3A_700 : vector<16xi1>, vector<16xf32>
        %add3A_938 = arith.addf %select_n3A_926, %select_n3A_937 : vector<16xf32>
        %iota3A_939 = tpu.iota {dimensions = array<i32: 0>} : vector<16xi32>
        %xor3A_940 = arith.constant 2 : i32
        %xor3A_941 = vector.broadcast %xor3A_940 : i32 to vector<16xi32>
        %xor3A_942 = arith.xori %iota3A_939, %xor3A_941 : vector<16xi32>
        %iota3A_943 = tpu.iota {dimensions = array<i32: 0>} : vector<16xi32>
        %and3A_944 = arith.constant 2 : i32
        %and3A_945 = vector.broadcast %and3A_944 : i32 to vector<16xi32>
        %and3A_946 = arith.andi %iota3A_943, %and3A_945 : vector<16xi32>
        %eq3A_947 = arith.constant 0 : i32
        %eq3A_948 = vector.broadcast %eq3A_947 : i32 to vector<16xi32>
        %eq3A_949 = arith.cmpi eq, %and3A_946, %eq3A_948 : vector<16xi32>
        %lt3A_950 = arith.constant 0 : i32
        %lt3A_951 = vector.broadcast %lt3A_950 : i32 to vector<16xi32>
        %lt3A_952 = arith.cmpi slt, %xor3A_942, %lt3A_951 : vector<16xi32>
        %add3A_953 = arith.constant 16 : i32
        %add3A_954 = vector.broadcast %add3A_953 : i32 to vector<16xi32>
        %add3A_955 = arith.addi %xor3A_942, %add3A_954 : vector<16xi32>
        %select_n3A_956 = arith.select %lt3A_952, %add3A_955, %xor3A_942 : vector<16xi1>, vector<16xi32>
        %broadcast_in_dim3A_957 = vector.shape_cast %select_n3A_956 : vector<16xi32> to vector<16x1xi32>
        %gather3A_958 = vector.shape_cast %broadcast_in_dim3A_957 : vector<16x1xi32> to vector<16xi32>
        %gather3A_959 = tpu.dynamic_gather %add3A_768[%gather3A_958] in [0] : vector<16xf32>, vector<16xi32> -> vector<16xf32>
        %select_n3A_960 = arith.select %eq3A_949, %add3A_734, %gather3A_959 : vector<16xi1>, vector<16xf32>
        %lt3A_961 = arith.constant 0 : i32
        %lt3A_962 = vector.broadcast %lt3A_961 : i32 to vector<16xi32>
        %lt3A_963 = arith.cmpi slt, %xor3A_942, %lt3A_962 : vector<16xi32>
        %add3A_964 = arith.constant 16 : i32
        %add3A_965 = vector.broadcast %add3A_964 : i32 to vector<16xi32>
        %add3A_966 = arith.addi %xor3A_942, %add3A_965 : vector<16xi32>
        %select_n3A_967 = arith.select %lt3A_963, %add3A_966, %xor3A_942 : vector<16xi1>, vector<16xi32>
        %broadcast_in_dim3A_968 = vector.shape_cast %select_n3A_967 : vector<16xi32> to vector<16x1xi32>
        %gather3A_969 = vector.shape_cast %broadcast_in_dim3A_968 : vector<16x1xi32> to vector<16xi32>
        %gather3A_970 = tpu.dynamic_gather %add3A_734[%gather3A_969] in [0] : vector<16xf32>, vector<16xi32> -> vector<16xf32>
        %select_n3A_971 = arith.select %eq3A_949, %gather3A_970, %add3A_768 : vector<16xi1>, vector<16xf32>
        %add3A_972 = arith.addf %select_n3A_960, %select_n3A_971 : vector<16xf32>
        %iota3A_973 = tpu.iota {dimensions = array<i32: 0>} : vector<16xi32>
        %xor3A_974 = arith.constant 2 : i32
        %xor3A_975 = vector.broadcast %xor3A_974 : i32 to vector<16xi32>
        %xor3A_976 = arith.xori %iota3A_973, %xor3A_975 : vector<16xi32>
        %iota3A_977 = tpu.iota {dimensions = array<i32: 0>} : vector<16xi32>
        %and3A_978 = arith.constant 2 : i32
        %and3A_979 = vector.broadcast %and3A_978 : i32 to vector<16xi32>
        %and3A_980 = arith.andi %iota3A_977, %and3A_979 : vector<16xi32>
        %eq3A_981 = arith.constant 0 : i32
        %eq3A_982 = vector.broadcast %eq3A_981 : i32 to vector<16xi32>
        %eq3A_983 = arith.cmpi eq, %and3A_980, %eq3A_982 : vector<16xi32>
        %lt3A_984 = arith.constant 0 : i32
        %lt3A_985 = vector.broadcast %lt3A_984 : i32 to vector<16xi32>
        %lt3A_986 = arith.cmpi slt, %xor3A_976, %lt3A_985 : vector<16xi32>
        %add3A_987 = arith.constant 16 : i32
        %add3A_988 = vector.broadcast %add3A_987 : i32 to vector<16xi32>
        %add3A_989 = arith.addi %xor3A_976, %add3A_988 : vector<16xi32>
        %select_n3A_990 = arith.select %lt3A_986, %add3A_989, %xor3A_976 : vector<16xi1>, vector<16xi32>
        %broadcast_in_dim3A_991 = vector.shape_cast %select_n3A_990 : vector<16xi32> to vector<16x1xi32>
        %gather3A_992 = vector.shape_cast %broadcast_in_dim3A_991 : vector<16x1xi32> to vector<16xi32>
        %gather3A_993 = tpu.dynamic_gather %add3A_836[%gather3A_992] in [0] : vector<16xf32>, vector<16xi32> -> vector<16xf32>
        %select_n3A_994 = arith.select %eq3A_983, %add3A_802, %gather3A_993 : vector<16xi1>, vector<16xf32>
        %lt3A_995 = arith.constant 0 : i32
        %lt3A_996 = vector.broadcast %lt3A_995 : i32 to vector<16xi32>
        %lt3A_997 = arith.cmpi slt, %xor3A_976, %lt3A_996 : vector<16xi32>
        %add3A_998 = arith.constant 16 : i32
        %add3A_999 = vector.broadcast %add3A_998 : i32 to vector<16xi32>
        %add3A_1000 = arith.addi %xor3A_976, %add3A_999 : vector<16xi32>
        %select_n3A_1001 = arith.select %lt3A_997, %add3A_1000, %xor3A_976 : vector<16xi1>, vector<16xi32>
        %broadcast_in_dim3A_1002 = vector.shape_cast %select_n3A_1001 : vector<16xi32> to vector<16x1xi32>
        %gather3A_1003 = vector.shape_cast %broadcast_in_dim3A_1002 : vector<16x1xi32> to vector<16xi32>
        %gather3A_1004 = tpu.dynamic_gather %add3A_802[%gather3A_1003] in [0] : vector<16xf32>, vector<16xi32> -> vector<16xf32>
        %select_n3A_1005 = arith.select %eq3A_983, %gather3A_1004, %add3A_836 : vector<16xi1>, vector<16xf32>
        %add3A_1006 = arith.addf %select_n3A_994, %select_n3A_1005 : vector<16xf32>
        %iota3A_1007 = tpu.iota {dimensions = array<i32: 0>} : vector<16xi32>
        %xor3A_1008 = arith.constant 2 : i32
        %xor3A_1009 = vector.broadcast %xor3A_1008 : i32 to vector<16xi32>
        %xor3A_1010 = arith.xori %iota3A_1007, %xor3A_1009 : vector<16xi32>
        %iota3A_1011 = tpu.iota {dimensions = array<i32: 0>} : vector<16xi32>
        %and3A_1012 = arith.constant 2 : i32
        %and3A_1013 = vector.broadcast %and3A_1012 : i32 to vector<16xi32>
        %and3A_1014 = arith.andi %iota3A_1011, %and3A_1013 : vector<16xi32>
        %eq3A_1015 = arith.constant 0 : i32
        %eq3A_1016 = vector.broadcast %eq3A_1015 : i32 to vector<16xi32>
        %eq3A_1017 = arith.cmpi eq, %and3A_1014, %eq3A_1016 : vector<16xi32>
        %lt3A_1018 = arith.constant 0 : i32
        %lt3A_1019 = vector.broadcast %lt3A_1018 : i32 to vector<16xi32>
        %lt3A_1020 = arith.cmpi slt, %xor3A_1010, %lt3A_1019 : vector<16xi32>
        %add3A_1021 = arith.constant 16 : i32
        %add3A_1022 = vector.broadcast %add3A_1021 : i32 to vector<16xi32>
        %add3A_1023 = arith.addi %xor3A_1010, %add3A_1022 : vector<16xi32>
        %select_n3A_1024 = arith.select %lt3A_1020, %add3A_1023, %xor3A_1010 : vector<16xi1>, vector<16xi32>
        %broadcast_in_dim3A_1025 = vector.shape_cast %select_n3A_1024 : vector<16xi32> to vector<16x1xi32>
        %gather3A_1026 = vector.shape_cast %broadcast_in_dim3A_1025 : vector<16x1xi32> to vector<16xi32>
        %gather3A_1027 = tpu.dynamic_gather %add3A_904[%gather3A_1026] in [0] : vector<16xf32>, vector<16xi32> -> vector<16xf32>
        %select_n3A_1028 = arith.select %eq3A_1017, %add3A_870, %gather3A_1027 : vector<16xi1>, vector<16xf32>
        %lt3A_1029 = arith.constant 0 : i32
        %lt3A_1030 = vector.broadcast %lt3A_1029 : i32 to vector<16xi32>
        %lt3A_1031 = arith.cmpi slt, %xor3A_1010, %lt3A_1030 : vector<16xi32>
        %add3A_1032 = arith.constant 16 : i32
        %add3A_1033 = vector.broadcast %add3A_1032 : i32 to vector<16xi32>
        %add3A_1034 = arith.addi %xor3A_1010, %add3A_1033 : vector<16xi32>
        %select_n3A_1035 = arith.select %lt3A_1031, %add3A_1034, %xor3A_1010 : vector<16xi1>, vector<16xi32>
        %broadcast_in_dim3A_1036 = vector.shape_cast %select_n3A_1035 : vector<16xi32> to vector<16x1xi32>
        %gather3A_1037 = vector.shape_cast %broadcast_in_dim3A_1036 : vector<16x1xi32> to vector<16xi32>
        %gather3A_1038 = tpu.dynamic_gather %add3A_870[%gather3A_1037] in [0] : vector<16xf32>, vector<16xi32> -> vector<16xf32>
        %select_n3A_1039 = arith.select %eq3A_1017, %gather3A_1038, %add3A_904 : vector<16xi1>, vector<16xf32>
        %add3A_1040 = arith.addf %select_n3A_1028, %select_n3A_1039 : vector<16xf32>
        %iota3A_1041 = tpu.iota {dimensions = array<i32: 0>} : vector<16xi32>
        %xor3A_1042 = arith.constant 4 : i32
        %xor3A_1043 = vector.broadcast %xor3A_1042 : i32 to vector<16xi32>
        %xor3A_1044 = arith.xori %iota3A_1041, %xor3A_1043 : vector<16xi32>
        %iota3A_1045 = tpu.iota {dimensions = array<i32: 0>} : vector<16xi32>
        %and3A_1046 = arith.constant 4 : i32
        %and3A_1047 = vector.broadcast %and3A_1046 : i32 to vector<16xi32>
        %and3A_1048 = arith.andi %iota3A_1045, %and3A_1047 : vector<16xi32>
        %eq3A_1049 = arith.constant 0 : i32
        %eq3A_1050 = vector.broadcast %eq3A_1049 : i32 to vector<16xi32>
        %eq3A_1051 = arith.cmpi eq, %and3A_1048, %eq3A_1050 : vector<16xi32>
        %lt3A_1052 = arith.constant 0 : i32
        %lt3A_1053 = vector.broadcast %lt3A_1052 : i32 to vector<16xi32>
        %lt3A_1054 = arith.cmpi slt, %xor3A_1044, %lt3A_1053 : vector<16xi32>
        %add3A_1055 = arith.constant 16 : i32
        %add3A_1056 = vector.broadcast %add3A_1055 : i32 to vector<16xi32>
        %add3A_1057 = arith.addi %xor3A_1044, %add3A_1056 : vector<16xi32>
        %select_n3A_1058 = arith.select %lt3A_1054, %add3A_1057, %xor3A_1044 : vector<16xi1>, vector<16xi32>
        %broadcast_in_dim3A_1059 = vector.shape_cast %select_n3A_1058 : vector<16xi32> to vector<16x1xi32>
        %gather3A_1060 = vector.shape_cast %broadcast_in_dim3A_1059 : vector<16x1xi32> to vector<16xi32>
        %gather3A_1061 = tpu.dynamic_gather %add3A_972[%gather3A_1060] in [0] : vector<16xf32>, vector<16xi32> -> vector<16xf32>
        %select_n3A_1062 = arith.select %eq3A_1051, %add3A_938, %gather3A_1061 : vector<16xi1>, vector<16xf32>
        %lt3A_1063 = arith.constant 0 : i32
        %lt3A_1064 = vector.broadcast %lt3A_1063 : i32 to vector<16xi32>
        %lt3A_1065 = arith.cmpi slt, %xor3A_1044, %lt3A_1064 : vector<16xi32>
        %add3A_1066 = arith.constant 16 : i32
        %add3A_1067 = vector.broadcast %add3A_1066 : i32 to vector<16xi32>
        %add3A_1068 = arith.addi %xor3A_1044, %add3A_1067 : vector<16xi32>
        %select_n3A_1069 = arith.select %lt3A_1065, %add3A_1068, %xor3A_1044 : vector<16xi1>, vector<16xi32>
        %broadcast_in_dim3A_1070 = vector.shape_cast %select_n3A_1069 : vector<16xi32> to vector<16x1xi32>
        %gather3A_1071 = vector.shape_cast %broadcast_in_dim3A_1070 : vector<16x1xi32> to vector<16xi32>
        %gather3A_1072 = tpu.dynamic_gather %add3A_938[%gather3A_1071] in [0] : vector<16xf32>, vector<16xi32> -> vector<16xf32>
        %select_n3A_1073 = arith.select %eq3A_1051, %gather3A_1072, %add3A_972 : vector<16xi1>, vector<16xf32>
        %add3A_1074 = arith.addf %select_n3A_1062, %select_n3A_1073 : vector<16xf32>
        %iota3A_1075 = tpu.iota {dimensions = array<i32: 0>} : vector<16xi32>
        %xor3A_1076 = arith.constant 4 : i32
        %xor3A_1077 = vector.broadcast %xor3A_1076 : i32 to vector<16xi32>
        %xor3A_1078 = arith.xori %iota3A_1075, %xor3A_1077 : vector<16xi32>
        %iota3A_1079 = tpu.iota {dimensions = array<i32: 0>} : vector<16xi32>
        %and3A_1080 = arith.constant 4 : i32
        %and3A_1081 = vector.broadcast %and3A_1080 : i32 to vector<16xi32>
        %and3A_1082 = arith.andi %iota3A_1079, %and3A_1081 : vector<16xi32>
        %eq3A_1083 = arith.constant 0 : i32
        %eq3A_1084 = vector.broadcast %eq3A_1083 : i32 to vector<16xi32>
        %eq3A_1085 = arith.cmpi eq, %and3A_1082, %eq3A_1084 : vector<16xi32>
        %lt3A_1086 = arith.constant 0 : i32
        %lt3A_1087 = vector.broadcast %lt3A_1086 : i32 to vector<16xi32>
        %lt3A_1088 = arith.cmpi slt, %xor3A_1078, %lt3A_1087 : vector<16xi32>
        %add3A_1089 = arith.constant 16 : i32
        %add3A_1090 = vector.broadcast %add3A_1089 : i32 to vector<16xi32>
        %add3A_1091 = arith.addi %xor3A_1078, %add3A_1090 : vector<16xi32>
        %select_n3A_1092 = arith.select %lt3A_1088, %add3A_1091, %xor3A_1078 : vector<16xi1>, vector<16xi32>
        %broadcast_in_dim3A_1093 = vector.shape_cast %select_n3A_1092 : vector<16xi32> to vector<16x1xi32>
        %gather3A_1094 = vector.shape_cast %broadcast_in_dim3A_1093 : vector<16x1xi32> to vector<16xi32>
        %gather3A_1095 = tpu.dynamic_gather %add3A_1040[%gather3A_1094] in [0] : vector<16xf32>, vector<16xi32> -> vector<16xf32>
        %select_n3A_1096 = arith.select %eq3A_1085, %add3A_1006, %gather3A_1095 : vector<16xi1>, vector<16xf32>
        %lt3A_1097 = arith.constant 0 : i32
        %lt3A_1098 = vector.broadcast %lt3A_1097 : i32 to vector<16xi32>
        %lt3A_1099 = arith.cmpi slt, %xor3A_1078, %lt3A_1098 : vector<16xi32>
        %add3A_1100 = arith.constant 16 : i32
        %add3A_1101 = vector.broadcast %add3A_1100 : i32 to vector<16xi32>
        %add3A_1102 = arith.addi %xor3A_1078, %add3A_1101 : vector<16xi32>
        %select_n3A_1103 = arith.select %lt3A_1099, %add3A_1102, %xor3A_1078 : vector<16xi1>, vector<16xi32>
        %broadcast_in_dim3A_1104 = vector.shape_cast %select_n3A_1103 : vector<16xi32> to vector<16x1xi32>
        %gather3A_1105 = vector.shape_cast %broadcast_in_dim3A_1104 : vector<16x1xi32> to vector<16xi32>
        %gather3A_1106 = tpu.dynamic_gather %add3A_1006[%gather3A_1105] in [0] : vector<16xf32>, vector<16xi32> -> vector<16xf32>
        %select_n3A_1107 = arith.select %eq3A_1085, %gather3A_1106, %add3A_1040 : vector<16xi1>, vector<16xf32>
        %add3A_1108 = arith.addf %select_n3A_1096, %select_n3A_1107 : vector<16xf32>
        %iota3A_1109 = tpu.iota {dimensions = array<i32: 0>} : vector<16xi32>
        %xor3A_1110 = arith.constant 8 : i32
        %xor3A_1111 = vector.broadcast %xor3A_1110 : i32 to vector<16xi32>
        %xor3A_1112 = arith.xori %iota3A_1109, %xor3A_1111 : vector<16xi32>
        %iota3A_1113 = tpu.iota {dimensions = array<i32: 0>} : vector<16xi32>
        %and3A_1114 = arith.constant 8 : i32
        %and3A_1115 = vector.broadcast %and3A_1114 : i32 to vector<16xi32>
        %and3A_1116 = arith.andi %iota3A_1113, %and3A_1115 : vector<16xi32>
        %eq3A_1117 = arith.constant 0 : i32
        %eq3A_1118 = vector.broadcast %eq3A_1117 : i32 to vector<16xi32>
        %eq3A_1119 = arith.cmpi eq, %and3A_1116, %eq3A_1118 : vector<16xi32>
        %lt3A_1120 = arith.constant 0 : i32
        %lt3A_1121 = vector.broadcast %lt3A_1120 : i32 to vector<16xi32>
        %lt3A_1122 = arith.cmpi slt, %xor3A_1112, %lt3A_1121 : vector<16xi32>
        %add3A_1123 = arith.constant 16 : i32
        %add3A_1124 = vector.broadcast %add3A_1123 : i32 to vector<16xi32>
        %add3A_1125 = arith.addi %xor3A_1112, %add3A_1124 : vector<16xi32>
        %select_n3A_1126 = arith.select %lt3A_1122, %add3A_1125, %xor3A_1112 : vector<16xi1>, vector<16xi32>
        %broadcast_in_dim3A_1127 = vector.shape_cast %select_n3A_1126 : vector<16xi32> to vector<16x1xi32>
        %gather3A_1128 = vector.shape_cast %broadcast_in_dim3A_1127 : vector<16x1xi32> to vector<16xi32>
        %gather3A_1129 = tpu.dynamic_gather %add3A_1108[%gather3A_1128] in [0] : vector<16xf32>, vector<16xi32> -> vector<16xf32>
        %select_n3A_1130 = arith.select %eq3A_1119, %add3A_1074, %gather3A_1129 : vector<16xi1>, vector<16xf32>
        %lt3A_1131 = arith.constant 0 : i32
        %lt3A_1132 = vector.broadcast %lt3A_1131 : i32 to vector<16xi32>
        %lt3A_1133 = arith.cmpi slt, %xor3A_1112, %lt3A_1132 : vector<16xi32>
        %add3A_1134 = arith.constant 16 : i32
        %add3A_1135 = vector.broadcast %add3A_1134 : i32 to vector<16xi32>
        %add3A_1136 = arith.addi %xor3A_1112, %add3A_1135 : vector<16xi32>
        %select_n3A_1137 = arith.select %lt3A_1133, %add3A_1136, %xor3A_1112 : vector<16xi1>, vector<16xi32>
        %broadcast_in_dim3A_1138 = vector.shape_cast %select_n3A_1137 : vector<16xi32> to vector<16x1xi32>
        %gather3A_1139 = vector.shape_cast %broadcast_in_dim3A_1138 : vector<16x1xi32> to vector<16xi32>
        %gather3A_1140 = tpu.dynamic_gather %add3A_1074[%gather3A_1139] in [0] : vector<16xf32>, vector<16xi32> -> vector<16xf32>
        %select_n3A_1141 = arith.select %eq3A_1119, %gather3A_1140, %add3A_1108 : vector<16xi1>, vector<16xf32>
        %add3A_1142 = arith.addf %select_n3A_1130, %select_n3A_1141 : vector<16xf32>
        %mul3A_1143 = arith.constant 32 : i32
        %mul3A_1144 = arith.muli %scan3A_196, %mul3A_1143 : i32
        %swap3A = arith.index_cast %mul3A_1144 : i32 to index
        %swap3A_1145 = tpu.vector_load %arg18[%swap3A] {strides = array<i32>} : memref<512xf32, #tpu.memory_space<vmem>>, vector<16xf32>,
        %swap3A_1146 = vector.shape_cast %swap3A_1145 : vector<16xf32> to vector<16xf32>
        %swap3A_1147 = vector.shape_cast %add3A_1142 : vector<16xf32> to vector<16xf32>
        tpu.vector_store %arg18[%swap3A], %swap3A_1147 {strides = array<i32>} : memref<512xf32, #tpu.memory_space<vmem>>, vector<16xf32>,
        %mul3A_1148 = arith.constant 20 : i32
        %mul3A_1149 = arith.muli %scan3A_196, %mul3A_1148 : i32
        %add3A_1150 = arith.constant 15 : i32
        %add3A_1151 = arith.addi %mul3A_1149, %add3A_1150 : i32
        %get3A_1152 = arith.index_cast %add3A_1151 : i32 to index
        %get3A_1153 = arith.constant 0 : index
        %get3A_1154 = tpu.vector_load %arg17[%get3A_1152, %get3A_1153] {strides = array<i32>} : memref<320x128xf32, #tpu.memory_space<vmem>>, vector<1x16xf32>,
        %get3A_1155 = vector.shape_cast %get3A_1154 : vector<1x16xf32> to vector<16xf32>
        %mul3A_1156 = arith.mulf %get3A_199, %get3A_1155 : vector<16xf32>
        %get3A_1157 = arith.index_cast %add3A_1151 : i32 to index
        %get3A_1158 = arith.constant 16 : index
        %get3A_1159 = tpu.vector_load %arg17[%get3A_1157, %get3A_1158] {strides = array<i32>} : memref<320x128xf32, #tpu.memory_space<vmem>>, vector<1x16xf32>,
        %get3A_1160 = vector.shape_cast %get3A_1159 : vector<1x16xf32> to vector<16xf32>
        %mul3A_1161 = arith.mulf %get3A_203, %get3A_1160 : vector<16xf32>
        %add3A_1162 = arith.addf %mul3A_1156, %mul3A_1161 : vector<16xf32>
        %get3A_1163 = arith.index_cast %add3A_1151 : i32 to index
        %get3A_1164 = arith.constant 32 : index
        %get3A_1165 = tpu.vector_load %arg17[%get3A_1163, %get3A_1164] {strides = array<i32>} : memref<320x128xf32, #tpu.memory_space<vmem>>, vector<1x16xf32>,
        %get3A_1166 = vector.shape_cast %get3A_1165 : vector<1x16xf32> to vector<16xf32>
        %mul3A_1167 = arith.mulf %get3A_207, %get3A_1166 : vector<16xf32>
        %add3A_1168 = arith.addf %add3A_1162, %mul3A_1167 : vector<16xf32>
        %get3A_1169 = arith.index_cast %add3A_1151 : i32 to index
        %get3A_1170 = arith.constant 48 : index
        %get3A_1171 = tpu.vector_load %arg17[%get3A_1169, %get3A_1170] {strides = array<i32>} : memref<320x128xf32, #tpu.memory_space<vmem>>, vector<1x16xf32>,
        %get3A_1172 = vector.shape_cast %get3A_1171 : vector<1x16xf32> to vector<16xf32>
        %mul3A_1173 = arith.mulf %get3A_211, %get3A_1172 : vector<16xf32>
        %add3A_1174 = arith.addf %add3A_1168, %mul3A_1173 : vector<16xf32>
        %mul3A_1175 = arith.constant 20 : i32
        %mul3A_1176 = arith.muli %scan3A_196, %mul3A_1175 : i32
        %add3A_1177 = arith.constant 16 : i32
        %add3A_1178 = arith.addi %mul3A_1176, %add3A_1177 : i32
        %get3A_1179 = arith.index_cast %add3A_1178 : i32 to index
        %get3A_1180 = arith.constant 0 : index
        %get3A_1181 = tpu.vector_load %arg17[%get3A_1179, %get3A_1180] {strides = array<i32>} : memref<320x128xf32, #tpu.memory_space<vmem>>, vector<1x16xf32>,
        %get3A_1182 = vector.shape_cast %get3A_1181 : vector<1x16xf32> to vector<16xf32>
        %mul3A_1183 = arith.mulf %get3A_199, %get3A_1182 : vector<16xf32>
        %get3A_1184 = arith.index_cast %add3A_1178 : i32 to index
        %get3A_1185 = arith.constant 16 : index
        %get3A_1186 = tpu.vector_load %arg17[%get3A_1184, %get3A_1185] {strides = array<i32>} : memref<320x128xf32, #tpu.memory_space<vmem>>, vector<1x16xf32>,
        %get3A_1187 = vector.shape_cast %get3A_1186 : vector<1x16xf32> to vector<16xf32>
        %mul3A_1188 = arith.mulf %get3A_203, %get3A_1187 : vector<16xf32>
        %add3A_1189 = arith.addf %mul3A_1183, %mul3A_1188 : vector<16xf32>
        %get3A_1190 = arith.index_cast %add3A_1178 : i32 to index
        %get3A_1191 = arith.constant 32 : index
        %get3A_1192 = tpu.vector_load %arg17[%get3A_1190, %get3A_1191] {strides = array<i32>} : memref<320x128xf32, #tpu.memory_space<vmem>>, vector<1x16xf32>,
        %get3A_1193 = vector.shape_cast %get3A_1192 : vector<1x16xf32> to vector<16xf32>
        %mul3A_1194 = arith.mulf %get3A_207, %get3A_1193 : vector<16xf32>
        %add3A_1195 = arith.addf %add3A_1189, %mul3A_1194 : vector<16xf32>
        %get3A_1196 = arith.index_cast %add3A_1178 : i32 to index
        %get3A_1197 = arith.constant 48 : index
        %get3A_1198 = tpu.vector_load %arg17[%get3A_1196, %get3A_1197] {strides = array<i32>} : memref<320x128xf32, #tpu.memory_space<vmem>>, vector<1x16xf32>,
        %get3A_1199 = vector.shape_cast %get3A_1198 : vector<1x16xf32> to vector<16xf32>
        %mul3A_1200 = arith.mulf %get3A_211, %get3A_1199 : vector<16xf32>
        %add3A_1201 = arith.addf %add3A_1195, %mul3A_1200 : vector<16xf32>
        %mul3A_1202 = arith.constant 20 : i32
        %mul3A_1203 = arith.muli %scan3A_196, %mul3A_1202 : i32
        %add3A_1204 = arith.constant 17 : i32
        %add3A_1205 = arith.addi %mul3A_1203, %add3A_1204 : i32
        %get3A_1206 = arith.index_cast %add3A_1205 : i32 to index
        %get3A_1207 = arith.constant 0 : index
        %get3A_1208 = tpu.vector_load %arg17[%get3A_1206, %get3A_1207] {strides = array<i32>} : memref<320x128xf32, #tpu.memory_space<vmem>>, vector<1x16xf32>,
        %get3A_1209 = vector.shape_cast %get3A_1208 : vector<1x16xf32> to vector<16xf32>
        %mul3A_1210 = arith.mulf %get3A_199, %get3A_1209 : vector<16xf32>
        %get3A_1211 = arith.index_cast %add3A_1205 : i32 to index
        %get3A_1212 = arith.constant 16 : index
        %get3A_1213 = tpu.vector_load %arg17[%get3A_1211, %get3A_1212] {strides = array<i32>} : memref<320x128xf32, #tpu.memory_space<vmem>>, vector<1x16xf32>,
        %get3A_1214 = vector.shape_cast %get3A_1213 : vector<1x16xf32> to vector<16xf32>
        %mul3A_1215 = arith.mulf %get3A_203, %get3A_1214 : vector<16xf32>
        %add3A_1216 = arith.addf %mul3A_1210, %mul3A_1215 : vector<16xf32>
        %get3A_1217 = arith.index_cast %add3A_1205 : i32 to index
        %get3A_1218 = arith.constant 32 : index
        %get3A_1219 = tpu.vector_load %arg17[%get3A_1217, %get3A_1218] {strides = array<i32>} : memref<320x128xf32, #tpu.memory_space<vmem>>, vector<1x16xf32>,
        %get3A_1220 = vector.shape_cast %get3A_1219 : vector<1x16xf32> to vector<16xf32>
        %mul3A_1221 = arith.mulf %get3A_207, %get3A_1220 : vector<16xf32>
        %add3A_1222 = arith.addf %add3A_1216, %mul3A_1221 : vector<16xf32>
        %get3A_1223 = arith.index_cast %add3A_1205 : i32 to index
        %get3A_1224 = arith.constant 48 : index
        %get3A_1225 = tpu.vector_load %arg17[%get3A_1223, %get3A_1224] {strides = array<i32>} : memref<320x128xf32, #tpu.memory_space<vmem>>, vector<1x16xf32>,
        %get3A_1226 = vector.shape_cast %get3A_1225 : vector<1x16xf32> to vector<16xf32>
        %mul3A_1227 = arith.mulf %get3A_211, %get3A_1226 : vector<16xf32>
        %add3A_1228 = arith.addf %add3A_1222, %mul3A_1227 : vector<16xf32>
        %mul3A_1229 = arith.constant 20 : i32
        %mul3A_1230 = arith.muli %scan3A_196, %mul3A_1229 : i32
        %add3A_1231 = arith.constant 18 : i32
        %add3A_1232 = arith.addi %mul3A_1230, %add3A_1231 : i32
        %get3A_1233 = arith.index_cast %add3A_1232 : i32 to index
        %get3A_1234 = arith.constant 0 : index
        %get3A_1235 = tpu.vector_load %arg17[%get3A_1233, %get3A_1234] {strides = array<i32>} : memref<320x128xf32, #tpu.memory_space<vmem>>, vector<1x16xf32>,
        %get3A_1236 = vector.shape_cast %get3A_1235 : vector<1x16xf32> to vector<16xf32>
        %mul3A_1237 = arith.mulf %get3A_199, %get3A_1236 : vector<16xf32>
        %get3A_1238 = arith.index_cast %add3A_1232 : i32 to index
        %get3A_1239 = arith.constant 16 : index
        %get3A_1240 = tpu.vector_load %arg17[%get3A_1238, %get3A_1239] {strides = array<i32>} : memref<320x128xf32, #tpu.memory_space<vmem>>, vector<1x16xf32>,
        %get3A_1241 = vector.shape_cast %get3A_1240 : vector<1x16xf32> to vector<16xf32>
        %mul3A_1242 = arith.mulf %get3A_203, %get3A_1241 : vector<16xf32>
        %add3A_1243 = arith.addf %mul3A_1237, %mul3A_1242 : vector<16xf32>
        %get3A_1244 = arith.index_cast %add3A_1232 : i32 to index
        %get3A_1245 = arith.constant 32 : index
        %get3A_1246 = tpu.vector_load %arg17[%get3A_1244, %get3A_1245] {strides = array<i32>} : memref<320x128xf32, #tpu.memory_space<vmem>>, vector<1x16xf32>,
        %get3A_1247 = vector.shape_cast %get3A_1246 : vector<1x16xf32> to vector<16xf32>
        %mul3A_1248 = arith.mulf %get3A_207, %get3A_1247 : vector<16xf32>
        %add3A_1249 = arith.addf %add3A_1243, %mul3A_1248 : vector<16xf32>
        %get3A_1250 = arith.index_cast %add3A_1232 : i32 to index
        %get3A_1251 = arith.constant 48 : index
        %get3A_1252 = tpu.vector_load %arg17[%get3A_1250, %get3A_1251] {strides = array<i32>} : memref<320x128xf32, #tpu.memory_space<vmem>>, vector<1x16xf32>,
        %get3A_1253 = vector.shape_cast %get3A_1252 : vector<1x16xf32> to vector<16xf32>
        %mul3A_1254 = arith.mulf %get3A_211, %get3A_1253 : vector<16xf32>
        %add3A_1255 = arith.addf %add3A_1249, %mul3A_1254 : vector<16xf32>
        %mul3A_1256 = arith.constant 20 : i32
        %mul3A_1257 = arith.muli %scan3A_196, %mul3A_1256 : i32
        %add3A_1258 = arith.constant 19 : i32
        %add3A_1259 = arith.addi %mul3A_1257, %add3A_1258 : i32
        %get3A_1260 = arith.index_cast %add3A_1259 : i32 to index
        %get3A_1261 = arith.constant 0 : index
        %get3A_1262 = tpu.vector_load %arg17[%get3A_1260, %get3A_1261] {strides = array<i32>} : memref<320x128xf32, #tpu.memory_space<vmem>>, vector<1x16xf32>,
        %get3A_1263 = vector.shape_cast %get3A_1262 : vector<1x16xf32> to vector<16xf32>
        %mul3A_1264 = arith.mulf %get3A_199, %get3A_1263 : vector<16xf32>
        %get3A_1265 = arith.index_cast %add3A_1259 : i32 to index
        %get3A_1266 = arith.constant 16 : index
        %get3A_1267 = tpu.vector_load %arg17[%get3A_1265, %get3A_1266] {strides = array<i32>} : memref<320x128xf32, #tpu.memory_space<vmem>>, vector<1x16xf32>,
        %get3A_1268 = vector.shape_cast %get3A_1267 : vector<1x16xf32> to vector<16xf32>
        %mul3A_1269 = arith.mulf %get3A_203, %get3A_1268 : vector<16xf32>
        %add3A_1270 = arith.addf %mul3A_1264, %mul3A_1269 : vector<16xf32>
        %get3A_1271 = arith.index_cast %add3A_1259 : i32 to index
        %get3A_1272 = arith.constant 32 : index
        %get3A_1273 = tpu.vector_load %arg17[%get3A_1271, %get3A_1272] {strides = array<i32>} : memref<320x128xf32, #tpu.memory_space<vmem>>, vector<1x16xf32>,
        %get3A_1274 = vector.shape_cast %get3A_1273 : vector<1x16xf32> to vector<16xf32>
        %mul3A_1275 = arith.mulf %get3A_207, %get3A_1274 : vector<16xf32>
        %add3A_1276 = arith.addf %add3A_1270, %mul3A_1275 : vector<16xf32>
        %get3A_1277 = arith.index_cast %add3A_1259 : i32 to index
        %get3A_1278 = arith.constant 48 : index
        %get3A_1279 = tpu.vector_load %arg17[%get3A_1277, %get3A_1278] {strides = array<i32>} : memref<320x128xf32, #tpu.memory_space<vmem>>, vector<1x16xf32>,
        %get3A_1280 = vector.shape_cast %get3A_1279 : vector<1x16xf32> to vector<16xf32>
        %mul3A_1281 = arith.mulf %get3A_211, %get3A_1280 : vector<16xf32>
        %add3A_1282 = arith.addf %add3A_1276, %mul3A_1281 : vector<16xf32>
        %iota3A_1283 = tpu.iota {dimensions = array<i32: 0>} : vector<16xi32>
        %xor3A_1284 = arith.constant 1 : i32
        %xor3A_1285 = vector.broadcast %xor3A_1284 : i32 to vector<16xi32>
        %xor3A_1286 = arith.xori %iota3A_1283, %xor3A_1285 : vector<16xi32>
        %iota3A_1287 = tpu.iota {dimensions = array<i32: 0>} : vector<16xi32>
        %and3A_1288 = arith.constant 1 : i32
        %and3A_1289 = vector.broadcast %and3A_1288 : i32 to vector<16xi32>
        %and3A_1290 = arith.andi %iota3A_1287, %and3A_1289 : vector<16xi32>
        %eq3A_1291 = arith.constant 0 : i32
        %eq3A_1292 = vector.broadcast %eq3A_1291 : i32 to vector<16xi32>
        %eq3A_1293 = arith.cmpi eq, %and3A_1290, %eq3A_1292 : vector<16xi32>
        %lt3A_1294 = arith.constant 0 : i32
        %lt3A_1295 = vector.broadcast %lt3A_1294 : i32 to vector<16xi32>
        %lt3A_1296 = arith.cmpi slt, %xor3A_1286, %lt3A_1295 : vector<16xi32>
        %add3A_1297 = arith.constant 16 : i32
        %add3A_1298 = vector.broadcast %add3A_1297 : i32 to vector<16xi32>
        %add3A_1299 = arith.addi %xor3A_1286, %add3A_1298 : vector<16xi32>
        %select_n3A_1300 = arith.select %lt3A_1296, %add3A_1299, %xor3A_1286 : vector<16xi1>, vector<16xi32>
        %broadcast_in_dim3A_1301 = vector.shape_cast %select_n3A_1300 : vector<16xi32> to vector<16x1xi32>
        %gather3A_1302 = vector.shape_cast %broadcast_in_dim3A_1301 : vector<16x1xi32> to vector<16xi32>
        %gather3A_1303 = tpu.dynamic_gather %add3A_1201[%gather3A_1302] in [0] : vector<16xf32>, vector<16xi32> -> vector<16xf32>
        %select_n3A_1304 = arith.select %eq3A_1293, %add3A_1174, %gather3A_1303 : vector<16xi1>, vector<16xf32>
        %lt3A_1305 = arith.constant 0 : i32
        %lt3A_1306 = vector.broadcast %lt3A_1305 : i32 to vector<16xi32>
        %lt3A_1307 = arith.cmpi slt, %xor3A_1286, %lt3A_1306 : vector<16xi32>
        %add3A_1308 = arith.constant 16 : i32
        %add3A_1309 = vector.broadcast %add3A_1308 : i32 to vector<16xi32>
        %add3A_1310 = arith.addi %xor3A_1286, %add3A_1309 : vector<16xi32>
        %select_n3A_1311 = arith.select %lt3A_1307, %add3A_1310, %xor3A_1286 : vector<16xi1>, vector<16xi32>
        %broadcast_in_dim3A_1312 = vector.shape_cast %select_n3A_1311 : vector<16xi32> to vector<16x1xi32>
        %gather3A_1313 = vector.shape_cast %broadcast_in_dim3A_1312 : vector<16x1xi32> to vector<16xi32>
        %gather3A_1314 = tpu.dynamic_gather %add3A_1174[%gather3A_1313] in [0] : vector<16xf32>, vector<16xi32> -> vector<16xf32>
        %select_n3A_1315 = arith.select %eq3A_1293, %gather3A_1314, %add3A_1201 : vector<16xi1>, vector<16xf32>
        %add3A_1316 = arith.addf %select_n3A_1304, %select_n3A_1315 : vector<16xf32>
        %iota3A_1317 = tpu.iota {dimensions = array<i32: 0>} : vector<16xi32>
        %xor3A_1318 = arith.constant 1 : i32
        %xor3A_1319 = vector.broadcast %xor3A_1318 : i32 to vector<16xi32>
        %xor3A_1320 = arith.xori %iota3A_1317, %xor3A_1319 : vector<16xi32>
        %iota3A_1321 = tpu.iota {dimensions = array<i32: 0>} : vector<16xi32>
        %and3A_1322 = arith.constant 1 : i32
        %and3A_1323 = vector.broadcast %and3A_1322 : i32 to vector<16xi32>
        %and3A_1324 = arith.andi %iota3A_1321, %and3A_1323 : vector<16xi32>
        %eq3A_1325 = arith.constant 0 : i32
        %eq3A_1326 = vector.broadcast %eq3A_1325 : i32 to vector<16xi32>
        %eq3A_1327 = arith.cmpi eq, %and3A_1324, %eq3A_1326 : vector<16xi32>
        %lt3A_1328 = arith.constant 0 : i32
        %lt3A_1329 = vector.broadcast %lt3A_1328 : i32 to vector<16xi32>
        %lt3A_1330 = arith.cmpi slt, %xor3A_1320, %lt3A_1329 : vector<16xi32>
        %add3A_1331 = arith.constant 16 : i32
        %add3A_1332 = vector.broadcast %add3A_1331 : i32 to vector<16xi32>
        %add3A_1333 = arith.addi %xor3A_1320, %add3A_1332 : vector<16xi32>
        %select_n3A_1334 = arith.select %lt3A_1330, %add3A_1333, %xor3A_1320 : vector<16xi1>, vector<16xi32>
        %broadcast_in_dim3A_1335 = vector.shape_cast %select_n3A_1334 : vector<16xi32> to vector<16x1xi32>
        %gather3A_1336 = vector.shape_cast %broadcast_in_dim3A_1335 : vector<16x1xi32> to vector<16xi32>
        %gather3A_1337 = tpu.dynamic_gather %add3A_1255[%gather3A_1336] in [0] : vector<16xf32>, vector<16xi32> -> vector<16xf32>
        %select_n3A_1338 = arith.select %eq3A_1327, %add3A_1228, %gather3A_1337 : vector<16xi1>, vector<16xf32>
        %lt3A_1339 = arith.constant 0 : i32
        %lt3A_1340 = vector.broadcast %lt3A_1339 : i32 to vector<16xi32>
        %lt3A_1341 = arith.cmpi slt, %xor3A_1320, %lt3A_1340 : vector<16xi32>
        %add3A_1342 = arith.constant 16 : i32
        %add3A_1343 = vector.broadcast %add3A_1342 : i32 to vector<16xi32>
        %add3A_1344 = arith.addi %xor3A_1320, %add3A_1343 : vector<16xi32>
        %select_n3A_1345 = arith.select %lt3A_1341, %add3A_1344, %xor3A_1320 : vector<16xi1>, vector<16xi32>
        %broadcast_in_dim3A_1346 = vector.shape_cast %select_n3A_1345 : vector<16xi32> to vector<16x1xi32>
        %gather3A_1347 = vector.shape_cast %broadcast_in_dim3A_1346 : vector<16x1xi32> to vector<16xi32>
        %gather3A_1348 = tpu.dynamic_gather %add3A_1228[%gather3A_1347] in [0] : vector<16xf32>, vector<16xi32> -> vector<16xf32>
        %select_n3A_1349 = arith.select %eq3A_1327, %gather3A_1348, %add3A_1255 : vector<16xi1>, vector<16xf32>
        %add3A_1350 = arith.addf %select_n3A_1338, %select_n3A_1349 : vector<16xf32>
        %iota3A_1351 = tpu.iota {dimensions = array<i32: 0>} : vector<16xi32>
        %xor3A_1352 = arith.constant 1 : i32
        %xor3A_1353 = vector.broadcast %xor3A_1352 : i32 to vector<16xi32>
        %xor3A_1354 = arith.xori %iota3A_1351, %xor3A_1353 : vector<16xi32>
        %iota3A_1355 = tpu.iota {dimensions = array<i32: 0>} : vector<16xi32>
        %and3A_1356 = arith.constant 1 : i32
        %and3A_1357 = vector.broadcast %and3A_1356 : i32 to vector<16xi32>
        %and3A_1358 = arith.andi %iota3A_1355, %and3A_1357 : vector<16xi32>
        %eq3A_1359 = arith.constant 0 : i32
        %eq3A_1360 = vector.broadcast %eq3A_1359 : i32 to vector<16xi32>
        %eq3A_1361 = arith.cmpi eq, %and3A_1358, %eq3A_1360 : vector<16xi32>
        %lt3A_1362 = arith.constant 0 : i32
        %lt3A_1363 = vector.broadcast %lt3A_1362 : i32 to vector<16xi32>
        %lt3A_1364 = arith.cmpi slt, %xor3A_1354, %lt3A_1363 : vector<16xi32>
        %add3A_1365 = arith.constant 16 : i32
        %add3A_1366 = vector.broadcast %add3A_1365 : i32 to vector<16xi32>
        %add3A_1367 = arith.addi %xor3A_1354, %add3A_1366 : vector<16xi32>
        %select_n3A_1368 = arith.select %lt3A_1364, %add3A_1367, %xor3A_1354 : vector<16xi1>, vector<16xi32>
        %broadcast_in_dim3A_1369 = vector.shape_cast %select_n3A_1368 : vector<16xi32> to vector<16x1xi32>
        %gather3A_1370 = vector.shape_cast %broadcast_in_dim3A_1369 : vector<16x1xi32> to vector<16xi32>
        %gather3A_1371 = tpu.dynamic_gather %add3A_1282[%gather3A_1370] in [0] : vector<16xf32>, vector<16xi32> -> vector<16xf32>
        %add3A_1372 = arith.addf %add3A_1282, %gather3A_1371 : vector<16xf32>
        %broadcast_in_dim3A_1373 = arith.constant 0.000000e+00 : f32
        %broadcast_in_dim3A_1374 = vector.broadcast %broadcast_in_dim3A_1373 : f32 to vector<16xf32>
        %select_n3A_1375 = arith.select %eq3A_1361, %add3A_1372, %broadcast_in_dim3A_1374 : vector<16xi1>, vector<16xf32>
        %iota3A_1376 = tpu.iota {dimensions = array<i32: 0>} : vector<16xi32>
        %xor3A_1377 = arith.constant 2 : i32
        %xor3A_1378 = vector.broadcast %xor3A_1377 : i32 to vector<16xi32>
        %xor3A_1379 = arith.xori %iota3A_1376, %xor3A_1378 : vector<16xi32>
        %iota3A_1380 = tpu.iota {dimensions = array<i32: 0>} : vector<16xi32>
        %and3A_1381 = arith.constant 2 : i32
        %and3A_1382 = vector.broadcast %and3A_1381 : i32 to vector<16xi32>
        %and3A_1383 = arith.andi %iota3A_1380, %and3A_1382 : vector<16xi32>
        %eq3A_1384 = arith.constant 0 : i32
        %eq3A_1385 = vector.broadcast %eq3A_1384 : i32 to vector<16xi32>
        %eq3A_1386 = arith.cmpi eq, %and3A_1383, %eq3A_1385 : vector<16xi32>
        %lt3A_1387 = arith.constant 0 : i32
        %lt3A_1388 = vector.broadcast %lt3A_1387 : i32 to vector<16xi32>
        %lt3A_1389 = arith.cmpi slt, %xor3A_1379, %lt3A_1388 : vector<16xi32>
        %add3A_1390 = arith.constant 16 : i32
        %add3A_1391 = vector.broadcast %add3A_1390 : i32 to vector<16xi32>
        %add3A_1392 = arith.addi %xor3A_1379, %add3A_1391 : vector<16xi32>
        %select_n3A_1393 = arith.select %lt3A_1389, %add3A_1392, %xor3A_1379 : vector<16xi1>, vector<16xi32>
        %broadcast_in_dim3A_1394 = vector.shape_cast %select_n3A_1393 : vector<16xi32> to vector<16x1xi32>
        %gather3A_1395 = vector.shape_cast %broadcast_in_dim3A_1394 : vector<16x1xi32> to vector<16xi32>
        %gather3A_1396 = tpu.dynamic_gather %add3A_1350[%gather3A_1395] in [0] : vector<16xf32>, vector<16xi32> -> vector<16xf32>
        %select_n3A_1397 = arith.select %eq3A_1386, %add3A_1316, %gather3A_1396 : vector<16xi1>, vector<16xf32>
        %lt3A_1398 = arith.constant 0 : i32
        %lt3A_1399 = vector.broadcast %lt3A_1398 : i32 to vector<16xi32>
        %lt3A_1400 = arith.cmpi slt, %xor3A_1379, %lt3A_1399 : vector<16xi32>
        %add3A_1401 = arith.constant 16 : i32
        %add3A_1402 = vector.broadcast %add3A_1401 : i32 to vector<16xi32>
        %add3A_1403 = arith.addi %xor3A_1379, %add3A_1402 : vector<16xi32>
        %select_n3A_1404 = arith.select %lt3A_1400, %add3A_1403, %xor3A_1379 : vector<16xi1>, vector<16xi32>
        %broadcast_in_dim3A_1405 = vector.shape_cast %select_n3A_1404 : vector<16xi32> to vector<16x1xi32>
        %gather3A_1406 = vector.shape_cast %broadcast_in_dim3A_1405 : vector<16x1xi32> to vector<16xi32>
        %gather3A_1407 = tpu.dynamic_gather %add3A_1316[%gather3A_1406] in [0] : vector<16xf32>, vector<16xi32> -> vector<16xf32>
        %select_n3A_1408 = arith.select %eq3A_1386, %gather3A_1407, %add3A_1350 : vector<16xi1>, vector<16xf32>
        %add3A_1409 = arith.addf %select_n3A_1397, %select_n3A_1408 : vector<16xf32>
        %iota3A_1410 = tpu.iota {dimensions = array<i32: 0>} : vector<16xi32>
        %xor3A_1411 = arith.constant 2 : i32
        %xor3A_1412 = vector.broadcast %xor3A_1411 : i32 to vector<16xi32>
        %xor3A_1413 = arith.xori %iota3A_1410, %xor3A_1412 : vector<16xi32>
        %iota3A_1414 = tpu.iota {dimensions = array<i32: 0>} : vector<16xi32>
        %and3A_1415 = arith.constant 2 : i32
        %and3A_1416 = vector.broadcast %and3A_1415 : i32 to vector<16xi32>
        %and3A_1417 = arith.andi %iota3A_1414, %and3A_1416 : vector<16xi32>
        %eq3A_1418 = arith.constant 0 : i32
        %eq3A_1419 = vector.broadcast %eq3A_1418 : i32 to vector<16xi32>
        %eq3A_1420 = arith.cmpi eq, %and3A_1417, %eq3A_1419 : vector<16xi32>
        %lt3A_1421 = arith.constant 0 : i32
        %lt3A_1422 = vector.broadcast %lt3A_1421 : i32 to vector<16xi32>
        %lt3A_1423 = arith.cmpi slt, %xor3A_1413, %lt3A_1422 : vector<16xi32>
        %add3A_1424 = arith.constant 16 : i32
        %add3A_1425 = vector.broadcast %add3A_1424 : i32 to vector<16xi32>
        %add3A_1426 = arith.addi %xor3A_1413, %add3A_1425 : vector<16xi32>
        %select_n3A_1427 = arith.select %lt3A_1423, %add3A_1426, %xor3A_1413 : vector<16xi1>, vector<16xi32>
        %broadcast_in_dim3A_1428 = vector.shape_cast %select_n3A_1427 : vector<16xi32> to vector<16x1xi32>
        %gather3A_1429 = vector.shape_cast %broadcast_in_dim3A_1428 : vector<16x1xi32> to vector<16xi32>
        %gather3A_1430 = tpu.dynamic_gather %select_n3A_1375[%gather3A_1429] in [0] : vector<16xf32>, vector<16xi32> -> vector<16xf32>
        %add3A_1431 = arith.addf %select_n3A_1375, %gather3A_1430 : vector<16xf32>
        %broadcast_in_dim3A_1432 = arith.constant 0.000000e+00 : f32
        %broadcast_in_dim3A_1433 = vector.broadcast %broadcast_in_dim3A_1432 : f32 to vector<16xf32>
        %select_n3A_1434 = arith.select %eq3A_1420, %add3A_1431, %broadcast_in_dim3A_1433 : vector<16xi1>, vector<16xf32>
        %iota3A_1435 = tpu.iota {dimensions = array<i32: 0>} : vector<16xi32>
        %xor3A_1436 = arith.constant 4 : i32
        %xor3A_1437 = vector.broadcast %xor3A_1436 : i32 to vector<16xi32>
        %xor3A_1438 = arith.xori %iota3A_1435, %xor3A_1437 : vector<16xi32>
        %iota3A_1439 = tpu.iota {dimensions = array<i32: 0>} : vector<16xi32>
        %and3A_1440 = arith.constant 4 : i32
        %and3A_1441 = vector.broadcast %and3A_1440 : i32 to vector<16xi32>
        %and3A_1442 = arith.andi %iota3A_1439, %and3A_1441 : vector<16xi32>
        %eq3A_1443 = arith.constant 0 : i32
        %eq3A_1444 = vector.broadcast %eq3A_1443 : i32 to vector<16xi32>
        %eq3A_1445 = arith.cmpi eq, %and3A_1442, %eq3A_1444 : vector<16xi32>
        %lt3A_1446 = arith.constant 0 : i32
        %lt3A_1447 = vector.broadcast %lt3A_1446 : i32 to vector<16xi32>
        %lt3A_1448 = arith.cmpi slt, %xor3A_1438, %lt3A_1447 : vector<16xi32>
        %add3A_1449 = arith.constant 16 : i32
        %add3A_1450 = vector.broadcast %add3A_1449 : i32 to vector<16xi32>
        %add3A_1451 = arith.addi %xor3A_1438, %add3A_1450 : vector<16xi32>
        %select_n3A_1452 = arith.select %lt3A_1448, %add3A_1451, %xor3A_1438 : vector<16xi1>, vector<16xi32>
        %broadcast_in_dim3A_1453 = vector.shape_cast %select_n3A_1452 : vector<16xi32> to vector<16x1xi32>
        %gather3A_1454 = vector.shape_cast %broadcast_in_dim3A_1453 : vector<16x1xi32> to vector<16xi32>
        %gather3A_1455 = tpu.dynamic_gather %select_n3A_1434[%gather3A_1454] in [0] : vector<16xf32>, vector<16xi32> -> vector<16xf32>
        %select_n3A_1456 = arith.select %eq3A_1445, %add3A_1409, %gather3A_1455 : vector<16xi1>, vector<16xf32>
        %lt3A_1457 = arith.constant 0 : i32
        %lt3A_1458 = vector.broadcast %lt3A_1457 : i32 to vector<16xi32>
        %lt3A_1459 = arith.cmpi slt, %xor3A_1438, %lt3A_1458 : vector<16xi32>
        %add3A_1460 = arith.constant 16 : i32
        %add3A_1461 = vector.broadcast %add3A_1460 : i32 to vector<16xi32>
        %add3A_1462 = arith.addi %xor3A_1438, %add3A_1461 : vector<16xi32>
        %select_n3A_1463 = arith.select %lt3A_1459, %add3A_1462, %xor3A_1438 : vector<16xi1>, vector<16xi32>
        %broadcast_in_dim3A_1464 = vector.shape_cast %select_n3A_1463 : vector<16xi32> to vector<16x1xi32>
        %gather3A_1465 = vector.shape_cast %broadcast_in_dim3A_1464 : vector<16x1xi32> to vector<16xi32>
        %gather3A_1466 = tpu.dynamic_gather %add3A_1409[%gather3A_1465] in [0] : vector<16xf32>, vector<16xi32> -> vector<16xf32>
        %select_n3A_1467 = arith.select %eq3A_1445, %gather3A_1466, %select_n3A_1434 : vector<16xi1>, vector<16xf32>
        %add3A_1468 = arith.addf %select_n3A_1456, %select_n3A_1467 : vector<16xf32>
        %iota3A_1469 = tpu.iota {dimensions = array<i32: 0>} : vector<16xi32>
        %xor3A_1470 = arith.constant 8 : i32
        %xor3A_1471 = vector.broadcast %xor3A_1470 : i32 to vector<16xi32>
        %xor3A_1472 = arith.xori %iota3A_1469, %xor3A_1471 : vector<16xi32>
        %iota3A_1473 = tpu.iota {dimensions = array<i32: 0>} : vector<16xi32>
        %and3A_1474 = arith.constant 8 : i32
        %and3A_1475 = vector.broadcast %and3A_1474 : i32 to vector<16xi32>
        %and3A_1476 = arith.andi %iota3A_1473, %and3A_1475 : vector<16xi32>
        %eq3A_1477 = arith.constant 0 : i32
        %eq3A_1478 = vector.broadcast %eq3A_1477 : i32 to vector<16xi32>
        %eq3A_1479 = arith.cmpi eq, %and3A_1476, %eq3A_1478 : vector<16xi32>
        %lt3A_1480 = arith.constant 0 : i32
        %lt3A_1481 = vector.broadcast %lt3A_1480 : i32 to vector<16xi32>
        %lt3A_1482 = arith.cmpi slt, %xor3A_1472, %lt3A_1481 : vector<16xi32>
        %add3A_1483 = arith.constant 16 : i32
        %add3A_1484 = vector.broadcast %add3A_1483 : i32 to vector<16xi32>
        %add3A_1485 = arith.addi %xor3A_1472, %add3A_1484 : vector<16xi32>
        %select_n3A_1486 = arith.select %lt3A_1482, %add3A_1485, %xor3A_1472 : vector<16xi1>, vector<16xi32>
        %broadcast_in_dim3A_1487 = vector.shape_cast %select_n3A_1486 : vector<16xi32> to vector<16x1xi32>
        %gather3A_1488 = vector.shape_cast %broadcast_in_dim3A_1487 : vector<16x1xi32> to vector<16xi32>
        %gather3A_1489 = tpu.dynamic_gather %add3A_1468[%gather3A_1488] in [0] : vector<16xf32>, vector<16xi32> -> vector<16xf32>
        %add3A_1490 = arith.addf %add3A_1468, %gather3A_1489 : vector<16xf32>
        %broadcast_in_dim3A_1491 = arith.constant 0.000000e+00 : f32
        %broadcast_in_dim3A_1492 = vector.broadcast %broadcast_in_dim3A_1491 : f32 to vector<16xf32>
        %select_n3A_1493 = arith.select %eq3A_1479, %add3A_1490, %broadcast_in_dim3A_1492 : vector<16xi1>, vector<16xf32>
        %mul3A_1494 = arith.constant 32 : i32
        %mul3A_1495 = arith.muli %scan3A_196, %mul3A_1494 : i32
        %add3A_1496 = arith.constant 16 : i32
        %add3A_1497 = arith.addi %mul3A_1495, %add3A_1496 : i32
        %swap3A_1498 = arith.index_cast %add3A_1497 : i32 to index
        %swap3A_1499 = tpu.vector_load %arg18[%swap3A_1498] {strides = array<i32>} : memref<512xf32, #tpu.memory_space<vmem>>, vector<16xf32>,
        %swap3A_1500 = vector.shape_cast %swap3A_1499 : vector<16xf32> to vector<16xf32>
        %swap3A_1501 = vector.shape_cast %select_n3A_1493 : vector<16xf32> to vector<16xf32>
        tpu.vector_store %arg18[%swap3A_1498], %swap3A_1501 {strides = array<i32>} : memref<512xf32, #tpu.memory_space<vmem>>, vector<16xf32>,
      }
      %scan3A_188 = arith.constant 16 : i32
      %mul3A_189 = arith.constant 16 : i32
      %mul3A_190 = arith.muli %add3A_177, %mul3A_189 : i32
      %add3A_191 = arith.addi %mul3A_2, %mul3A_190 : i32
      %mul3A_192 = arith.constant 32 : i32
      %mul3A_193 = arith.muli %add3A_191, %mul3A_192 : i32
      %dma_start3A_194 = tpu.memref_slice %arg7[%mul3A_193] : memref<524288xf32, #tpu.memory_space<hbm>> -> memref<512xf32, #tpu.memory_space<hbm>>
      %dma_start3A_195 = tpu.memref_slice %arg7[%mul3A_193] : memref<524288xf32, #tpu.memory_space<hbm>> -> memref<512xf32, #tpu.memory_space<hbm>>
      tpu.enqueue_dma source(%arg18 : memref<512xf32, #tpu.memory_space<vmem>>) target(%dma_start3A_195 : memref<512xf32, #tpu.memory_space<hbm>>) target_semaphore(%arg22 : memref<!tpu.dma_semaphore, #tpu.memory_space<semaphore_mem>>)
    }
    %scan3A_50 = arith.constant 16 : i32
    %dma_wait3A = arith.constant 0 : i32
    %dma_wait3A_51 = tpu.memref_slice %arg7[%dma_wait3A] : memref<524288xf32, #tpu.memory_space<hbm>> -> memref<512xf32, #tpu.memory_space<hbm>>
    %dma_wait3A_52 = arith.constant 0 : i32
    %dma_wait3A_53 = tpu.memref_slice %arg7[%dma_wait3A_52] : memref<524288xf32, #tpu.memory_space<hbm>> -> memref<512xf32, #tpu.memory_space<hbm>>
    tpu.wait_dma2 semaphore(%arg21 : memref<!tpu.dma_semaphore, #tpu.memory_space<semaphore_mem>>) src(%arg14 : memref<512xf32, #tpu.memory_space<vmem>>) dst(%dma_wait3A_53 : memref<512xf32, #tpu.memory_space<hbm>>)
    %dma_wait3A_54 = arith.constant 0 : i32
    %dma_wait3A_55 = tpu.memref_slice %arg7[%dma_wait3A_54] : memref<524288xf32, #tpu.memory_space<hbm>> -> memref<512xf32, #tpu.memory_space<hbm>>
    %dma_wait3A_56 = arith.constant 0 : i32
    %dma_wait3A_57 = tpu.memref_slice %arg7[%dma_wait3A_56] : memref<524288xf32, #tpu.memory_space<hbm>> -> memref<512xf32, #tpu.memory_space<hbm>>
    tpu.wait_dma2 semaphore(%arg22 : memref<!tpu.dma_semaphore, #tpu.memory_space<semaphore_mem>>) src(%arg18 : memref<512xf32, #tpu.memory_space<vmem>>) dst(%dma_wait3A_57 : memref<512xf32, #tpu.memory_space<hbm>>)
    return
  }
}

module attributes {stable_mosaic.version = 14 : i64} {
  func.func @body(%arg0: memref<4096x128xf32, #tpu.memory_space<vmem>>, %arg1: memref<1x1xf32, #tpu.memory_space<vmem>>) attributes {dimension_semantics = [], scalar_prefetch = 0 : i64, scratch_operands = 0 : i64, tpu.core_type = #tpu.core_type<tc>} {
    %get3A = arith.constant 0 : index
    %get3A_0 = arith.constant 0 : index
    %get3A_1 = vector.load %arg0[%get3A, %get3A_0] : memref<4096x128xf32, #tpu.memory_space<vmem>>, vector<4096x128xf32>
    %iota3A = tpu.iota {dimensions = array<i32: 1>} : vector<4096x128xi32>
    %rem3A = arith.constant 32 : i32
    %rem3A_2 = vector.broadcast %rem3A : i32 to vector<4096x128xi32>
    %rem3A_3 = arith.remsi %iota3A, %rem3A_2 : vector<4096x128xi32>
    %eq3A = arith.constant 0 : i32
    %eq3A_4 = vector.broadcast %eq3A : i32 to vector<4096x128xi32>
    %eq3A_5 = arith.cmpi eq, %rem3A_3, %eq3A_4 : vector<4096x128xi32>
    %neg3A = arith.constant 0.000000e+00 : f32
    %neg3A_6 = vector.broadcast %neg3A : f32 to vector<4096x128xf32>
    %neg3A_7 = arith.subf %neg3A_6, %get3A_1 : vector<4096x128xf32>
    %select_n3A = arith.select %eq3A_5, %get3A_1, %neg3A_7 : vector<4096x128xi1>, vector<4096x128xf32>
    %eq3A_8 = arith.constant 0 : i32
    %eq3A_9 = vector.broadcast %eq3A_8 : i32 to vector<4096x128xi32>
    %eq3A_10 = arith.cmpi eq, %rem3A_3, %eq3A_9 : vector<4096x128xi32>
    %le3A = arith.constant 20 : i32
    %le3A_11 = vector.broadcast %le3A : i32 to vector<4096x128xi32>
    %le3A_12 = arith.cmpi sle, %rem3A_3, %le3A_11 : vector<4096x128xi32>
    %jit3A = arith.constant 3.05175786E-6 : f32
    %jit3A_13 = arith.constant 0.000000e+00 : f32
    %broadcast_in_dim3A = vector.broadcast %jit3A : f32 to vector<4096x128xf32>
    %broadcast_in_dim3A_14 = vector.broadcast %jit3A_13 : f32 to vector<4096x128xf32>
    %select_n3A_15 = arith.select %le3A_12, %broadcast_in_dim3A, %broadcast_in_dim3A_14 : vector<4096x128xi1>, vector<4096x128xf32>
    %jit3A_16 = arith.constant 6.10351563E-5 : f32
    %broadcast_in_dim3A_17 = vector.broadcast %jit3A_16 : f32 to vector<4096x128xf32>
    %select_n3A_18 = arith.select %eq3A_10, %broadcast_in_dim3A_17, %select_n3A_15 : vector<4096x128xi1>, vector<4096x128xf32>
    %neg3A_19 = arith.constant 0.000000e+00 : f32
    %neg3A_20 = vector.broadcast %neg3A_19 : f32 to vector<4096x128xf32>
    %neg3A_21 = arith.subf %neg3A_20, %select_n3A : vector<4096x128xf32>
    %custom_jvp_call3A = arith.constant 0.000000e+00 : f32
    %max3A = vector.broadcast %custom_jvp_call3A : f32 to vector<4096x128xf32>
    %max3A_22 = arith.maximumf %neg3A_21, %max3A : vector<4096x128xf32>
    %sub3A = vector.broadcast %custom_jvp_call3A : f32 to vector<4096x128xf32>
    %sub3A_23 = arith.subf %neg3A_21, %sub3A : vector<4096x128xf32>
    %ne3A = arith.cmpf one, %sub3A_23, %sub3A_23 : vector<4096x128xf32>
    %add3A = vector.broadcast %custom_jvp_call3A : f32 to vector<4096x128xf32>
    %add3A_24 = arith.addf %neg3A_21, %add3A : vector<4096x128xf32>
    %abs3A = math.absf %sub3A_23 : vector<4096x128xf32>
    %neg3A_25 = arith.constant 0.000000e+00 : f32
    %neg3A_26 = vector.broadcast %neg3A_25 : f32 to vector<4096x128xf32>
    %neg3A_27 = arith.subf %neg3A_26, %abs3A : vector<4096x128xf32>
    %exp3A = math.exp %neg3A_27 : vector<4096x128xf32>
    %log1p3A = math.log1p %exp3A : vector<4096x128xf32>
    %add3A_28 = arith.addf %max3A_22, %log1p3A : vector<4096x128xf32>
    %select_n3A_29 = arith.select %ne3A, %add3A_24, %add3A_28 : vector<4096x128xi1>, vector<4096x128xf32>
    %neg3A_30 = arith.constant 0.000000e+00 : f32
    %neg3A_31 = vector.broadcast %neg3A_30 : f32 to vector<4096x128xf32>
    %neg3A_32 = arith.subf %neg3A_31, %select_n3A_29 : vector<4096x128xf32>
    %mul3A = arith.mulf %neg3A_32, %select_n3A_18 : vector<4096x128xf32>
    %reduce_sum3A = vector.shape_cast %mul3A : vector<4096x128xf32> to vector<1x4096x128xf32>
    %reduce_sum3A_33 = arith.constant dense<0.000000e+00> : vector<1xf32>
    %reduce_sum3A_34 = vector.multi_reduction <add>, %reduce_sum3A, %reduce_sum3A_33 [1, 2] : vector<1x4096x128xf32> to vector<1xf32>
    %reduce_sum3A_35 = vector.shape_cast %reduce_sum3A_34 : vector<1xf32> to vector<1x1x1xf32>
    %reduce_sum3A_36 = vector.extract %reduce_sum3A_35[0, 0, 0] : f32 from vector<1x1x1xf32>
    %neg3A_37 = arith.constant 0.000000e+00 : f32
    %neg3A_38 = arith.subf %neg3A_37, %reduce_sum3A_36 : f32
    %broadcast_in_dim3A_39 = vector.broadcast %neg3A_38 : f32 to vector<1x1xf32>
    %swap3A = arith.constant 0 : index
    %swap3A_40 = arith.constant 0 : index
    %swap3A_41 = vector.load %arg1[%swap3A, %swap3A_40] : memref<1x1xf32, #tpu.memory_space<vmem>>, vector<1x1xf32>
    tpu.vector_store %arg1[%swap3A, %swap3A_40], %broadcast_in_dim3A_39 {strides = array<i32>} : memref<1x1xf32, #tpu.memory_space<vmem>>, vector<1x1xf32>,
    return
  }
}

module attributes {stable_mosaic.version = 14 : i64} {
  func.func @body(%arg0: i32, %arg1: memref<64x8192xf32, #tpu.memory_space<vmem>>, %arg2: memref<8192x128xf32, #tpu.memory_space<vmem>>) attributes {dimension_semantics = [#tpu.dimension_semantics<arbitrary>], iteration_bounds = array<i64: 123>, scalar_prefetch = 0 : i64, scratch_operands = 0 : i64, tpu.core_type = #tpu.core_type<tc>, window_params = [{transform_indices = @transform_0, window_bounds = array<i64: 64, 8192>}, {transform_indices = @transform_1, window_bounds = array<i64: 8192, 128>}]} {
    %get3A = arith.constant 0 : index
    %get3A_0 = arith.constant 0 : index
    %get3A_1 = vector.load %arg1[%get3A, %get3A_0] : memref<64x8192xf32, #tpu.memory_space<vmem>>, vector<64x8192xf32>
    %transpose3A = tpu.transpose %get3A_1, [1, 0] : vector<64x8192xf32> -> vector<8192x64xf32>
    %swap3A = arith.constant 0 : index
    %swap3A_2 = arith.constant 0 : index
    %swap3A_3 = vector.load %arg2[%swap3A, %swap3A_2] : memref<8192x128xf32, #tpu.memory_space<vmem>>, vector<8192x64xf32>
    tpu.vector_store %arg2[%swap3A, %swap3A_2], %transpose3A {strides = array<i32>} : memref<8192x128xf32, #tpu.memory_space<vmem>>, vector<8192x64xf32>,
    return
  }
  func.func @transform_0(%arg0: i32) -> (i32, i32) {
    %c0_i32 = arith.constant 0 : i32
    %c0_i32_0 = arith.constant 0 : i32
    return %c0_i32, %arg0 : i32, i32
  }
  func.func @transform_1(%arg0: i32) -> (i32, i32) {
    %c0_i32 = arith.constant 0 : i32
    %c0_i32_0 = arith.constant 0 : i32
    return %arg0, %c0_i32 : i32, i32
  }
}

</mosaic_0001>

<sc_bundles>
// kernel: kernel.6.cloned.1.call-start
scs
__scs_entry_jumppad:
0x0: {  	(pc) =	sbr.rel $0x88, $3  }
0x1: {  	(tag) =	ssettag $0x0;
	lr =	simm.s32 $0x1  }
0x2: {  	[smem:$0x3F9C] =	sst lr;
	_ =	strace $0xD0000000  }
0x3: {  	_ = 	snop  }
0x4: {  	_ = 	snop  }
0x5: {  	_ = 	snop  }
0x6: {  	_ = 	snop  }
0x7: {  	_ = 	snop  }
__scs_overlays_trampoline_lowered:
0x8: {  	[smem:$0x3FAB] =	sst s0  }
0x9: {  	[smem:$0x3FAC] =	sst s1  }
0xa: {  	[smem:$0x3FAD] =	sst s2  }
0xb: {  	[smem:$0x3FAE] =	sst s3  }
0xc: {  	[smem:$0x3FAF] =	sst s4  }
0xd: {  	[smem:$0x3FB0] =	sst s5  }
0xe: {  	[smem:$0x3FB1] =	sst s6  }
0xf: {  	[smem:$0x3FB2] =	sst s7  }
0x10: {  	[smem:$0x3FB3] =	sst s8  }
0x11: {  	[smem:$0x3FB4] =	sst s9;
	s0 =	simm.s32 @!p0 $0x0  }
0x12: {  	s1 =	sld [smem:$0x3F9A];
	s0 =	simm.s32 @p0 $0x1  }
0x13: {  	[smem:$0x3FB5] =	sst s0;
	s0 =	simm.s32 @!p1 $0x0  }
0x14: {  	s2 =	sld [smem:$0x3F99];
	s0 =	simm.s32 @p1 $0x1  }
0x15: {  	[smem:$0x3FB6] =	sst s0;
	s0 =	simm.s32 @!p2 $0x0  }
0x16: {  	s3 =	sld [smem:$0x3FDB];
	s0 =	simm.s32 @p2 $0x1  }
0x17: {  	s4 =	simm.s32 $0x1BF5;
	[smem:$0x3FB8] =	sst s0  }
0x18: {  	s0 =	sld [smem:$0x3F9B];
	_ =	swait.ge [sflag:s4], $0x0  }
0x19: {  	s7 =	sld [smem:$0x3F9C]  }
0x1a: {  	s8 =	sadd.s32 $0xFFFFE003, lr  }
0x1b: {  	s9 =	sadd.s32 $0xFFFFFEF7, lr;
	s5 =	simm.s32 $0xFFFFFFFF;
	p2 =	slt.u32 s8, $0xFFFFF086  }
0x1c: {  	p1 =	slt.u32 s9, $0xF7A;
	s5 =	simm.s32 @!p2 $0x0  }
0x1d: {  	s5 =	simm.s32 @p1 $0x1;
	p0 =	seq.s32 s7, s2  }
0x1e: {  	s7 =	smul.u32 @!p0 $0xF7A, s2;
	p2 =	seq.s32 @!p0 s5, $0x0  }
0x1f: {  	s9 =	smul.u32 $0xF7A, s1;
	s8 =	simm.s32 @!p0 $0x1BF5;
	p2 =	por !p2, p0  }
0x20: {  	[sflag:s8] =	ssyncset.s32 @!p0 $0xFFFFF086;
	s6 =	sadd.s32 @!p0 s3, s7;
	s7 =	simm.s32 @!p0 $0x108  }
0x21: {  	s3 =	sadd.s32 s3, s9;
	s6 =	sadd.s32 @!p0 $0x88, s6;
	s7 =	simm.s32 @p2 $0x1082  }
0x22: {  	[simem:s7], [sflag:s8] =	dma.local @!p0 [hbm:s6], $0xF7A  }
0x23: {  	s9 =	sor.u32 $0xD0000000, s2;
	s6 =	simm.s32 $0x108;
	_ =	swait.ge @!p0 [sflag:s8], $0x0  }
0x24: {  	s3 =	sadd.s32 $0x88, s3;
	s6 =	simm.s32 @!p1 $0x1082;
	[sflag:s4] =	ssyncset.s32 $0xFFFFF086  }
0x25: {  	[simem:s6], [sflag:s4] =	dma.local [hbm:s3], $0xF7A  }
0x26: {  	[smem:$0x3F9C] =	sst s1;
	(tag) =	ssettag s2;
	_ =	strace s9  }
0x27: {  	s1 =	sld [smem:$0x3FAC]  }
0x28: {  	s2 =	sld [smem:$0x3FAD]  }
0x29: {  	s4 =	sld [smem:$0x3FAF]  }
0x2a: {  	p0 =	seq.s32 s5, $0x0;
	s5 =	sld [smem:$0x3FB0]  }
0x2b: {  	s6 =	sld [smem:$0x3FB1]  }
0x2c: {  	s7 =	sld [smem:$0x3FB2]  }
0x2d: {  	s3 =	simm.s32 $0x108;
	s8 =	sld [smem:$0x3FB3]  }
0x2e: {  	s3 =	simm.s32 @!p0 $0x1082;
	s9 =	sld [smem:$0x3FB4]  }
0x2f: {  	lr =	sadd.s32 s0, s3;
	s0 =	sld [smem:$0x3FAB]  }
0x30: {  	s3 =	sld [smem:$0x3FAE]  }
0x31: {  	[smem:$0x3FB7] =	sst s10  }
0x32: {  	s10 =	sld [smem:$0x3FB5];
	_ =	sdelay $0x3  }
0x33: {  	p0 =	seq.s32 s10, $0x1;
	s10 =	sld [smem:$0x3FB7];
	_ =	sdelay $0x3  }
0x34: {  	[smem:$0x3FB7] =	sst s10  }
0x35: {  	s10 =	sld [smem:$0x3FB6];
	_ =	sdelay $0x3  }
0x36: {  	p1 =	seq.s32 s10, $0x1;
	s10 =	sld [smem:$0x3FB7];
	_ =	sdelay $0x3  }
0x37: {  	[smem:$0x3FB7] =	sst s10  }
0x38: {  	s10 =	sld [smem:$0x3FB8]  }
0x39: {  	_ = 	snop;
	(pc) =	sbr.ind lr, $3  }
0x3a: {  	_ = 	snop  }
0x3b: {  	_ = 	snop  }
0x3c: {  	p2 =	seq.s32 s10, $0x1;
	s10 =	sld [smem:$0x3FB7]  }
0x3d: {  	_ =	shalt  }
0x3e: {  	_ =	shalt  }
0x3f: {  	_ =	shalt  }
0x40: {  	_ =	shalt  }
0x41: {  	_ =	shalt  }
0x42: {  	_ =	shalt  }
0x43: {  	_ =	shalt  }
0x44: {  	_ =	shalt  }
0x45: {  	_ =	shalt  }
0x46: {  	_ =	shalt  }
0x47: {  	_ =	shalt  }
0x48: {  	_ =	shalt  }
0x49: {  	_ =	shalt  }
0x4a: {  	_ =	shalt  }
0x4b: {  	_ =	shalt  }
0x4c: {  	_ =	shalt  }
0x4d: {  	_ =	shalt  }
0x4e: {  	_ =	shalt  }
0x4f: {  	_ =	shalt  }
0x50: {  	_ =	shalt  }
0x51: {  	_ =	shalt  }
0x52: {  	_ =	shalt  }
0x53: {  	_ =	shalt  }
0x54: {  	_ =	shalt  }
0x55: {  	_ =	shalt  }
0x56: {  	_ =	shalt  }
0x57: {  	_ =	shalt  }
0x58: {  	_ =	shalt  }
0x59: {  	_ =	shalt  }
0x5a: {  	_ =	shalt  }
0x5b: {  	_ =	shalt  }
0x5c: {  	_ =	shalt  }
0x5d: {  	_ =	shalt  }
0x5e: {  	_ =	shalt  }
0x5f: {  	_ =	shalt  }
0x60: {  	_ =	shalt  }
0x61: {  	_ =	shalt  }
0x62: {  	_ =	shalt  }
0x63: {  	_ =	shalt  }
0x64: {  	_ =	shalt  }
0x65: {  	_ =	shalt  }
0x66: {  	_ =	shalt  }
0x67: {  	_ =	shalt  }
0x68: {  	_ =	shalt  }
0x69: {  	_ =	shalt  }
0x6a: {  	_ =	shalt  }
0x6b: {  	_ =	shalt  }
0x6c: {  	_ =	shalt  }
0x6d: {  	_ =	shalt  }
0x6e: {  	_ =	shalt  }
0x6f: {  	_ =	shalt  }
0x70: {  	_ =	shalt  }
0x71: {  	_ =	shalt  }
0x72: {  	_ =	shalt  }
0x73: {  	_ =	shalt  }
0x74: {  	_ =	shalt  }
0x75: {  	_ =	shalt  }
0x76: {  	_ =	shalt  }
0x77: {  	_ =	shalt  }
0x78: {  	_ =	shalt  }
0x79: {  	_ =	shalt  }
0x7a: {  	_ =	shalt  }
0x7b: {  	_ =	shalt  }
0x7c: {  	_ =	shalt  }
0x7d: {  	_ =	shalt  }
0x7e: {  	_ =	shalt  }
0x7f: {  	_ =	shalt  }
0x80: {  	_ =	shalt  }
0x81: {  	_ =	shalt  }
0x82: {  	_ =	shalt  }
0x83: {  	_ =	shalt  }
0x84: {  	_ =	shalt  }
0x85: {  	_ =	shalt  }
0x86: {  	_ =	shalt  }
0x87: {  	_ =	shalt  }
.Lfunc_end0:
.L_simem_size_0:
called_computation_lowered:
.L_overlay_start_0:
0x88: {  	s2 =	sld [smem:$0x3FD9]  }
0x89: {  	s3 =	sld [smem:$0x3FFE];
	_ =	sdelay $0x1  }
0x8a: {  	s1 =	srdreg.scid  }
0x8b: {  	s0 =	sand.u32 $0x1, s1  }
0x8c: {  	s17 =	sshll.u32 s0, $0xA;
	s2 =	sadd.s32 s3, s2  }
0x8d: {  	s2 =	sadd.s32 s2, s17  }
0x8e: {  	[smem:$0x3FC3] =	sst s2  }
0x8f: {  	_ = 	snop  }
0x90: {  	s2 =	sld [smem:$0x3FC9]  }
0x91: {  	s18 =	sld [smem:$0x3FC8];
	(tm) =	ssettm $0x1  }
0x92: {  	s4 =	sld [smem:$0x3FFB];
	_ =	sdelay $0x3  }
0x93: {  	_ =	strace s4  }
0x94: {  	s4 =	sld [smem:$0x3FFC];
	_ =	sdelay $0x3  }
0x95: {  	_ =	strace s4  }
0x96: {  	s4 =	sld [smem:$0x3FFD];
	_ =	sdelay $0x3  }
0x97: {  	_ =	strace s4  }
0x98: {  	_ =	strace $0x8FFFFFFF  }
0x99: {  	s19 =	sld [smem:$0x3FDB];
	_ =	sdelay $0x1  }
0x9a: {  	s5 =	simm.s32 $_scs_section_size  }
0x9b: {  	s6 =	simm.s32 $_size__tile_overlayer_lowered;
	s7 =	simm.s32 $_tile_overlayer_lowered  }
0x9c: {  	s22 =	simm.s32 $0x1BFF;
	s21 =	sshll.u32 s7, $0x1;
	s4 =	sadd.s32 s5, s19  }
0x9d: {  	s8 =	simm.s32 $0x0;
	s20 =	sshll.u32 s6, $0x1;
	s6 =	sadd.s32 s21, s4  }
0x9e: {  	[timem:s8], [sflag:s22] =	dma.local [hbm:s6], s20  }
0x9f: {  	_ =	swait.ge [sflag:s22], s20  }
0xa0: {  	s5 =	ssub.s32 $0x0, s20;
	[sflag:s22] =	ssyncset.done $0x0  }
0xa1: {  	[sflag:s22] =	ssyncadd.s32 s5;
	_ =	sdelay $0x1  }
0xa2: {  	s23 =	simm.s32 $0x1B8B  }
0xa3: {  	_ =	swait.ge [sflag:s23], $0x1  }
0xa4: {  	[sflag:s23] =	ssyncset.done $0x0  }
0xa5: {  	s25 =	simm.s32 $0x1B8E;
	s24 =	sld [smem:$0x3FFE];
	[sflag:s23] =	ssyncadd.s32 $0xFFFFFFFF  }
0xa6: {  	s26 =	simm.s32 $execute0_lowered;
	[smem:$0x3FD2] =	sst s25  }
0xa7: {  	s6 =	sshll.u32 s26, $0x1;
	_ =	strace $0x80000046;
	[dreg:$0x1] =	wrdreg $0xFFFFFFFF  }
0xa8: {  	s28 =	simm.s32 $_size_execute0_lowered;
	s4 =	sadd.s32 s4, s6;
	[dreg:$0x0] =	wrdreg $0x0  }
0xa9: {  	s6 =	sshll.u32 s28, $0x1;
	[dreg:$0x2] =	wrdreg s4  }
0xaa: {  	[dreg:$0x3] =	wrdreg s6  }
0xab: {  	[dreg:$0x4] =	wrdreg $0xC0  }
0xac: {  	_ =	task [dreg:s8], $0x5FFFF  }
0xad: {  	[dreg:$0x1] =	wrdreg $0xFFFFFFFF  }
0xae: {  	[dreg:$0x0] =	wrdreg $0x60  }
0xaf: {  	[dreg:$0x2] =	wrdreg s2  }
0xb0: {  	[dreg:$0x3] =	wrdreg s18  }
0xb1: {  	[dreg:$0x4] =	wrdreg s24  }
0xb2: {  	[dreg:$0x5] =	wrdreg $0x9  }
0xb3: {  	_ =	task.clear_ibuf [dreg:s8], $0x6FFFF;
	_ =	strace $0x90000046  }
0xb4: {  	s29 =	simm.s32 $0x9;
	_ =	strace $0x80000048  }
0xb5: {  	_ =	swait.ge [sflag:s29], $0x1  }
0xb6: {  	[sflag:s29] =	ssyncadd.s32 $0xFFFFFFFF  }
0xb7: {  	_ =	strace $0x90000048  }
0xb8: {  	_ =	sfence  }
0xb9: {  	s30 =	sld [smem:$0x0];
	_ =	sdelay $0x2  }
0xba: {  	s31 =	sshll.u32 s1, $0xD;
	s1 =	sshrl.u32 s1, $0x2  }
0xbb: {  	s3 =	sand.u32 $0x4000, s31;
	s1 =	sadd.s32 s1, s30  }
0xbc: {  	s0 =	sor.u32 s3, s0;
	s1 =	sshll.u32 s1, $0x11  }
0xbd: {  	s0 =	sor.u32 s1, s0  }
0xbe: {  	s0 =	sadd.s32 $0x8F2B, s0  }
0xbf: {  	[sflag:s0] =	ssyncadd.remote.s32 $0x1  }
0xc0: {  	_ =	sfence.sel $0xFFFF  }
0xc1: {  	[dreg:$0x0] =	wrdreg $0xFFFFFFFF;
	(pc) =	sbr.abs _section_cstart, $3  }
0xc2: {  	[dreg:$0x1] =	wrdreg $0xFFFFFFFF  }
0xc3: {  	_ =	task.clear_ibuf [dreg:s8], $0x2FFFF;
	_ =	strace $0x9FFFFFFF  }
0xc4: {  	(tm) =	ssettm $0x7FFFFFFF  }
0xc5: {  	_ =	shalt  }
tec
execute0_lowered:
.L_overlay_start_1:
0x0: {  	(tag) =	ssettag $0x1  }
0x1: {  	v0 =	vimm.s32 $0xEFCDAB89  }
0x2: {  	vm0 =	vcmask $0xB08;
	vm1 =	vcmask $0x300;
	v1 =	vimm.s32 $0x67452301  }
0x3: {  	v2 =	vimm.s32 $0xDCFE98BA;
	v3 =	vimm.s32 $0x54761032;
	vm2 =	vcmask $0x700  }
0x4: {  	vm3 =	vcmask $0x3B38;
	v4 =	vimm.s32 $0xFEDCBA98;
	v5 =	vimm.s32 $0x76543210  }
0x5: {  	v0 =	vunpack.c.l.s4.s8 v0;
	vm0 =	vmor vm1, vm0;
	vm1 =	vcmask $0x1310  }
0x6: {  	s0 =	rddreg [dreg:$0x0];
	v1 =	vunpack.c.l.s4.s8 v1;
	v2 =	vunpack.c.l.s4.s8 v2;
	v3 =	vunpack.c.l.s4.s8 v3  }
0x7: {  	s1 =	srdreg.scid;
	s6 =	rddreg [dreg:$0x1];
	v4 =	vunpack.c.l.s4.s8 v4;
	vm0 =	vmor vm0, vm1;
	vm1 =	vcmask $0x1B18  }
0x8: {  	s2 =	stileid.u32;
	s5 =	rddreg [dreg:$0x2];
	s13 =	simm.s32 $0x5;
	v0 =	vunpack.c.0.s8.s32 v0;
	vm0 =	vmor vm0, vm1;
	vm1 =	vcmask $0x2320  }
0x9: {  	s14 =	simm.s32 $0x10;
	s16 =	simm.s32 $0x50;
	s24 =	simm.s32 $0xDE00;
	v1 =	vunpack.c.0.s8.s32 v1;
	vm0 =	vmor vm0, vm1;
	vm1 =	vcmask $0x2B28  }
0xa: {  	s25 =	simm.s32 $0xE600;
	s28 =	simm.s32 $0x11600;
	s29 =	simm.s32 $0x13E00;
	v4 =	vunpack.c.0.s8.s32 v4;
	vm0 =	vmor vm0, vm1;
	vm1 =	vcmask $0x3330  }
0xb: {  	s30 =	simm.s32 $0x16600;
	s31 =	simm.s32 $0x1;
	s12 =	simm.s32 $0x18E00;
	v0 =	vcombine.low v1, v0;
	v1 =	vunpack.c.0.s8.s32 v2;
	v2 =	vunpack.c.0.s8.s32 v3  }
0xc: {  	s15 =	simm.s32 $0x3;
	s17 =	simm.s32 $0x4;
	s18 =	simm.s32 $0x0;
	v3 =	vimm.s32 $0x32107654;
	vm0 =	vmor vm0, vm1;
	vm1 =	vcmask $0x1710  }
0xd: {  	s1 =	sand.u32 $0x1, s1;
	s2 =	sshll.u32 s2, $0x1;
	s4 =	sadd.s32 $0xF4CA00, s5;
	v3 =	vunpack.c.l.s4.s8 v3;
	v1 =	vcombine.low v2, v1;
	v2 =	vimm.s32 $0xBA98FEDC  }
0xe: {  	s7 =	sor.u32 s1, s2;
	s2 =	simm.s32 $0x0;
	s1 =	ssub.s32 $0x2, s1;
	vm1 =	vmor vm2, vm1;
	vm2 =	vcmask $0x2720;
	v2 =	vunpack.c.l.s4.s8 v2  }
0xf: {  	v5 =	vunpack.c.l.s4.s8 v5;
	s3 =	smul.u32 $0x500, s7;
	[smem:$0x7FF] =	sst s2;
	s9 =	sshll.u32 s7, $0xB;
	v4 =	vand.u32 $0xF, v4;
	vm1 =	vmor vm1, vm2  }
0x10: {  	s26 =	sshrl.u32 s1, $0x1;
	s7 =	sshll.u32 s7, $0x6;
	_ =	strace $0x80000047;
	vm2 =	vcmask $0x3730;
	v3 =	vunpack.c.0.s8.s32 v3;
	v2 =	vunpack.c.0.s8.s32 v2  }
0x11: {  	s9 =	sadd.s32 s9, s5;
	s1 =	ssub.s32 s1, s26;
	s6 =	sadd.s32 s6, s7;
	vm0 =	vmor vm0, vm3;
	vm3 =	vcmask $0xF00;
	vm1 =	vmor vm1, vm2  }
0x12: {  	s26 =	simm.s32 $0xEE00;
	s8 =	sadd.s32 s3, s5;
	s3 =	sadd.s32 $0xA600, s5;
	vm2 =	vcmask $0x2F20;
	v2 =	vcombine.low v3, v2;
	v3 =	vunpack.c.0.s8.s32 v5  }
0x13: {  	s5 =	sadd.s32 s0, s7;
	s0 =	simm.s32 $0x2;
	s7 =	sadd.s32 $0x600, s8;
	v0 =	vand.u32 $0xF, v0;
	v1 =	vand.u32 $0xF, v1;
	vm2 =	vmor vm3, vm2  }
0x14: {  	s8 =	sadd.s32 $0x1E8EE00, s9;
	s9 =	smax.u32 s1, $0x1;
	s1 =	simm.s32 $0xDC00;
	vm3 =	vmmov $0xff;
	v2 =	vand.u32 $0xF, v2;
	v3 =	vcombine.low v4, v3  }
.LBB2_1:
0x15: {  	[tilespmem:s2], [sflag:$0x5] =	stream.linear.gather [hbm4b:s5+s2], $0x200, $0x38;
	[tilespmem:$0x19000] =	vst v63  }
0x16: {  	_ =	swait.ge [sflag:s13], $0x200  }
0x17: {  	[sflag:s13] =	ssyncset.done $0x0  }
0x18: {  	s10 =	simm.s32 $0x200;
	[sflag:s13] =	ssyncadd.s32 $0xFFFFFE00  }
0x19: {  	[tilespmem:s10], [sflag:$0x5] =	stream.linear.gather [hbm4b:s6+s2], $0x200, $0x38;
	[tilespmem:$0x19000] =	vst v63  }
0x1a: {  	_ =	swait.ge [sflag:s13], $0x200  }
0x1b: {  	[sflag:s13] =	ssyncset.done $0x0  }
0x1c: {  	s11 =	simm.s32 $0x400;
	[sflag:s13] =	ssyncadd.s32 $0xFFFFFE00  }
0x1d: {  	[tilespmem:s11], [sflag:$0x5] =	stream.linear.gather [hbm4b:s7+s2], $0x2800, $0x38;
	[tilespmem:$0x19000] =	vst v63  }
0x1e: {  	_ =	swait.ge [sflag:s13], $0x2800  }
0x1f: {  	[sflag:s13] =	ssyncset.done $0x0  }
0x20: {  	s19 =	simm.s32 $0x2C00;
	[sflag:s13] =	ssyncadd.s32 $0xFFFFD800  }
0x21: {  	[tilespmem:s19], [sflag:$0x1] =	stream.indirect.gather [hbm4b:s3+s14], $0x80, s2, s14, $0xb8;
	[tilespmem:$0x19000] =	vst v63  }
0x22: {  	s22 =	simm.s32 $0x3400  }
0x23: {  	[tilespmem:s22], [sflag:$0x1] =	stream.indirect.gather [hbm4b:s4+s14], $0x80, s10, s14, $0xb8;
	[tilespmem:$0x19000] =	vst v63  }
0x24: {  	s23 =	simm.s32 $0x3C00  }
0x25: {  	[tilespmem:s23], [sflag:$0x1] =	stream.indirect.gather [hbm4b:s4+s16], $0x80, s11, s16, $0xb8;
	[tilespmem:$0x19000] =	vst v63  }
0x26: {  	s19 =	simm.s32 $0x6400;
	s11 =	simm.s32 $0x450  }
0x27: {  	[tilespmem:s19], [sflag:$0x1] =	stream.indirect.gather [hbm4b:s4+s16], $0x80, s11, s16, $0xb8;
	[tilespmem:$0x19000] =	vst v63  }
0x28: {  	s20 =	simm.s32 $0x4A0;
	s21 =	simm.s32 $0x8C00  }
0x29: {  	[tilespmem:s21], [sflag:$0x1] =	stream.indirect.gather [hbm4b:s4+s16], $0x80, s20, s16, $0xb8;
	[tilespmem:$0x19000] =	vst v63  }
0x2a: {  	s22 =	simm.s32 $0x4F0;
	s23 =	simm.s32 $0xB400;
	s19 =	simm.s32 $0x0  }
0x2b: {  	[tilespmem:s23], [sflag:$0x1] =	stream.indirect.gather [hbm4b:s4+s16], $0x80, s22, s16, $0xb8;
	[tilespmem:$0x19000] =	vst v63  }
.LBB2_2:
0x2c: {  	s20 =	sshllo.u32 s19, $0x1  }
0x2d: {  	s10 =	sshll.u32 s20, $0x4;
	s21 =	smul.u32 $0x500, s20  }
0x2e: {  	[tilespmem:s24], [sflag:$0x2] =	stream.indirect.gather [hbm4b:s3+s14], $0x80, s10, s14, $0xb8;
	[tilespmem:$0x19000] =	vst v63  }
0x2f: {  	s10 =	sadd.s32 $0x200, s10;
	s11 =	sshra.s32 s21, $0x2  }
0x30: {  	[tilespmem:s25], [sflag:$0x2] =	stream.indirect.gather [hbm4b:s4+s14], $0x80, s10, s14, $0xb8;
	[tilespmem:$0x19000] =	vst v63  }
0x31: {  	s21 =	sadd.s32 $0x400, s11  }
0x32: {  	[tilespmem:s26], [sflag:$0x2] =	stream.indirect.gather [hbm4b:s4+s16], $0x80, s21, s16, $0xb8;
	[tilespmem:$0x19000] =	vst v63  }
0x33: {  	s22 =	sadd.s32 $0x450, s11  }
0x34: {  	[tilespmem:s28], [sflag:$0x2] =	stream.indirect.gather [hbm4b:s4+s16], $0x80, s22, s16, $0xb8;
	[tilespmem:$0x19000] =	vst v63  }
0x35: {  	s23 =	sadd.s32 $0x4A0, s11  }
0x36: {  	[tilespmem:s29], [sflag:$0x2] =	stream.indirect.gather [hbm4b:s4+s16], $0x80, s23, s16, $0xb8;
	[tilespmem:$0x19000] =	vst v63  }
0x37: {  	s10 =	sadd.s32 $0x4F0, s11  }
0x38: {  	[tilespmem:s30], [sflag:$0x2] =	stream.indirect.gather [hbm4b:s4+s16], $0x80, s10, s16, $0xb8;
	[tilespmem:$0x19000] =	vst v63  }
0x39: {  	_ =	swait.ge [sflag:s31], $0x800  }
0x3a: {  	[sflag:s31] =	ssyncset.done $0x0  }
0x3b: {  	[sflag:s31] =	ssyncadd.s32 $0xFFFFF800  }
0x3c: {  	_ =	swait.ge [sflag:s31], $0x800  }
0x3d: {  	[sflag:s31] =	ssyncset.done $0x0  }
0x3e: {  	[sflag:s31] =	ssyncadd.s32 $0xFFFFF800  }
0x3f: {  	_ =	swait.ge [sflag:s31], $0xA000  }
0x40: {  	p0 =	seq.s32 s19, $0x0;
	[sflag:s31] =	ssyncset.done $0x0  }
0x41: {  	s10 =	simm.s32 @!p0 $0x3;
	[sflag:s31] =	ssyncadd.s32 $0xFFFF6000  }
0x42: {  	_ =	swait.ge @!p0 [sflag:s10], $0x200  }
0x43: {  	s21 =	sshll.u32 s19, $0x1;
	s22 =	simm.s32 $0x0;
	[sflag:s10] =	ssyncset.done @!p0 $0x0  }
0x44: {  	s23 =	simm.s32 $0x4100;
	[sflag:s10] =	ssyncadd.s32 @!p0 $0xFFFFFE00;
	s10 =	simm.s32 $0xDC10  }
.LBB2_3:
0x45: {  	v12 =	vld [tilespmem:s23+$0xFFFFFB00]  }
0x46: {  	v13 =	vld [tilespmem:s23+$0xFFFFFB10]  }
0x47: {  	v14 =	vld [tilespmem:s23+$0xFFFFFB20]  }
0x48: {  	v15 =	vld [tilespmem:s23+$0xFFFFFB30]  }
0x49: {  	v16 =	vld [tilespmem:s23+$0xFFFFFB80]  }
0x4a: {  	v17 =	vld [tilespmem:s23+$0xFFFFFB90]  }
0x4b: {  	v18 =	vld [tilespmem:s23+$0xFFFFFBA0]  }
0x4c: {  	v19 =	vld [tilespmem:s23+$0xFFFFFBB0]  }
0x4d: {  	v20 =	vld [tilespmem:s23+$0xFFFFFC00]  }
0x4e: {  	v21 =	vld [tilespmem:s23+$0xFFFFFC10]  }
0x4f: {  	v22 =	vld [tilespmem:s23+$0xFFFFFC20]  }
0x50: {  	v23 =	vld [tilespmem:s23+$0xFFFFFC30]  }
0x51: {  	v24 =	vld [tilespmem:s23+$0xFFFFFC80]  }
0x52: {  	v25 =	vld [tilespmem:s23+$0xFFFFFC90]  }
0x53: {  	v26 =	vld [tilespmem:s23+$0xFFFFFCA0]  }
0x54: {  	v27 =	vld [tilespmem:s23+$0xFFFFFCB0]  }
0x55: {  	v28 =	vld [tilespmem:s23+$0xFFFFFD00]  }
0x56: {  	v29 =	vld [tilespmem:s23+$0xFFFFFD10]  }
0x57: {  	v30 =	vld [tilespmem:s23+$0xFFFFFD20]  }
0x58: {  	s11 =	sshra.s32 s22, $0x2;
	v31 =	vld [tilespmem:s23+$0xFFFFFD30]  }
0x59: {  	v6 =	vld [tilespmem:s11+$0x2C00]  }
0x5a: {  	v7 =	vld [tilespmem:s11+$0x2C10]  }
0x5b: {  	v5 =	vld [tilespmem:s11+$0x2C20]  }
0x5c: {  	v4 =	vld [tilespmem:s11+$0x2C30]  }
0x5d: {  	v8 =	vld [tilespmem:s11+$0x3400]  }
0x5e: {  	v9 =	vld [tilespmem:s11+$0x3410]  }
0x5f: {  	v10 =	vld [tilespmem:s11+$0x3420]  }
0x60: {  	v11 =	vld [tilespmem:s11+$0x3430]  }
0x61: {  	v32 =	vld [tilespmem:s23+$0xFFFFFD80]  }
0x62: {  	v33 =	vld [tilespmem:s23+$0xFFFFFD90]  }
0x63: {  	v34 =	vld [tilespmem:s23+$0xFFFFFDA0];
	v8 =	vmul.f32 v8, v6;
	v9 =	vmul.f32 v9, v7  }
0x64: {  	v35 =	vld [tilespmem:s23+$0xFFFFFDB0];
	v12 =	vmul.f32 v12, v6;
	v13 =	vmul.f32 v13, v7  }
0x65: {  	v36 =	vld [tilespmem:s23+$0xFFFFFE00];
	v50 =	vmul.f32 v10, v5;
	v11 =	vmul.f32 v11, v4  }
0x66: {  	v37 =	vld [tilespmem:s23+$0xFFFFFE10];
	v51 =	vmul.f32 v14, v5;
	v52 =	vmul.f32 v16, v6  }
0x67: {  	v38 =	vld [tilespmem:s23+$0xFFFFFE20];
	v53 =	vmul.f32 v17, v7;
	v54 =	vmul.f32 v15, v4  }
0x68: {  	v39 =	vld [tilespmem:s23+$0xFFFFFE30];
	v55 =	vmul.f32 v18, v5;
	v56 =	vmul.f32 v20, v6  }
0x69: {  	v40 =	vld [tilespmem:s23+$0xFFFFFE80];
	v57 =	vmul.f32 v21, v7;
	v58 =	vmul.f32 v24, v6  }
0x6a: {  	v43 =	vld [tilespmem:s23+$0x0];
	v59 =	vmul.f32 v25, v7;
	v19 =	vmul.f32 v19, v4  }
0x6b: {  	v49 =	vld [tilespmem:s23+$0x20];
	v60 =	vmul.f32 v22, v5;
	v23 =	vmul.f32 v23, v4  }
0x6c: {  	v10 =	vld [tilespmem:s23+$0xFFFFFE90];
	v61 =	vmul.f32 v26, v5;
	v62 =	vmul.f32 v28, v6  }
0x6d: {  	v14 =	vld [tilespmem:s23+$0xFFFFFEA0];
	v63 =	vmul.f32 v29, v7;
	v41 =	vmul.f32 v27, v4  }
0x6e: {  	v17 =	vld [tilespmem:s23+$0xFFFFFEB0];
	v42 =	vmul.f32 v30, v5;
	v44 =	vmul.f32 v32, v6  }
0x6f: {  	v15 =	vld [tilespmem:s23+$0xFFFFFF00];
	v45 =	vmul.f32 v33, v7;
	v47 =	vmul.f32 v36, v6  }
0x70: {  	v16 =	vld [tilespmem:s23+$0xFFFFFF10];
	v48 =	vmul.f32 v37, v7;
	v8 =	vadd.f32 v9, v8;
	v12 =	vadd.f32 v13, v12  }
0x71: {  	v20 =	vld [tilespmem:s23+$0xFFFFFF20];
	v31 =	vmul.f32 v31, v4;
	v9 =	vadd.f32 v53, v52;
	v13 =	vadd.f32 v57, v56  }
0x72: {  	v25 =	vld [tilespmem:s23+$0xFFFFFF90];
	v18 =	vadd.f32 v63, v62;
	v52 =	vmul.f32 v35, v4;
	v53 =	vmul.f32 v38, v5  }
0x73: {  	v24 =	vld [tilespmem:s23+$0xFFFFFF30];
	v57 =	vmul.f32 v39, v4;
	v8 =	vadd.f32 v50, v8;
	v50 =	vmul.f32 v34, v5  }
0x74: {  	v28 =	vld [tilespmem:s23+$0xFFFFFFA0];
	v9 =	vadd.f32 v55, v9;
	v55 =	vmul.f32 v40, v6;
	v40 =	vmul.f32 v43, v6  }
0x75: {  	v21 =	vld [tilespmem:s23+$0xFFFFFFB0];
	v12 =	vadd.f32 v51, v12;
	v10 =	vmul.f32 v10, v7;
	v14 =	vmul.f32 v14, v5  }
0x76: {  	v37 =	vld [tilespmem:s23+$0x120];
	v13 =	vadd.f32 v60, v13;
	v15 =	vmul.f32 v15, v6;
	v16 =	vmul.f32 v16, v7  }
0x77: {  	v56 =	vld [tilespmem:s23+$0x90];
	v18 =	vadd.f32 v42, v18;
	v62 =	vmul.f32 v25, v7;
	v17 =	vmul.f32 v17, v4  }
0x78: {  	v63 =	vld [tilespmem:s23+$0x110];
	v34 =	vmul.f32 v20, v5;
	v24 =	vmul.f32 v24, v4;
	v8 =	vadd.f32 v11, v8  }
0x79: {  	v22 =	vld [tilespmem:s23+$0xFFFFFF80];
	v38 =	vmul.f32 v28, v5;
	v12 =	vadd.f32 v54, v12;
	v11 =	vadd.f32 v59, v58  }
0x7a: {  	v46 =	vld [tilespmem:s23+$0x10];
	v43 =	vmul.f32 v21, v4;
	v9 =	vadd.f32 v19, v9;
	v13 =	vadd.f32 v23, v13  }
0x7b: {  	v51 =	vld [tilespmem:s23+$0x30];
	v20 =	vmul.f32 v37, v5;
	v19 =	vadd.f32 v45, v44;
	v23 =	vadd.f32 v48, v47  }
0x7c: {  	v60 =	vld [tilespmem:s23+$0x100];
	v18 =	vadd.f32 v31, v18;
	v45 =	vmul.f32 v49, v5;
	v10 =	vadd.f32 v10, v55  }
0x7d: {  	v42 =	vld [tilespmem:s23+$0x180];
	v15 =	vadd.f32 v16, v15;
	v48 =	vmul.f32 v56, v7;
	v55 =	vmul.f32 v63, v7  }
0x7e: {  	v39 =	vld [tilespmem:s23+$0x130];
	v11 =	vadd.f32 v61, v11;
	v19 =	vadd.f32 v50, v19;
	v61 =	vmul.f32 v22, v6  }
0x7f: {  	v54 =	vld [tilespmem:s23+$0x80];
	v23 =	vadd.f32 v53, v23;
	v32 =	vperm.xlane v12, v0;
	v33 =	vperm.xlane v8, v0  }
0x80: {  	v58 =	vld [tilespmem:s23+$0xA0];
	v35 =	vperm.xlane v9, v0;
	v36 =	vperm.xlane v18, v0;
	v10 =	vadd.f32 v14, v10  }
0x81: {  	v59 =	vld [tilespmem:s23+$0xB0];
	v15 =	vadd.f32 v34, v15;
	v50 =	vmul.f32 v51, v4;
	v53 =	vmul.f32 v60, v6  }
0x82: {  	v44 =	vld [tilespmem:s23+$0x190];
	v29 =	vmul.f32 v42, v6;
	v11 =	vadd.f32 v41, v11;
	v19 =	vadd.f32 v52, v19  }
0x83: {  	v49 =	vld [tilespmem:s23+$0x210];
	v34 =	vperm.xlane v13, v0;
	v23 =	vadd.f32 v57, v23;
	v14 =	vadd.f32 v62, v61  }
0x84: {  	v56 =	vld [tilespmem:s23+$0x1B0];
	v41 =	vmul.f32 v46, v7;
	v62 =	vmul.f32 v39, v4;
	v8 =	vsel vm0, v8, v32  }
0x85: {  	v12 =	vsel vm0, v33, v12;
	v13 =	vsel vm0, v35, v13;
	v10 =	vadd.f32 v17, v10  }
0x86: {  	v15 =	vadd.f32 v24, v15;
	v47 =	vmul.f32 v54, v6;
	v31 =	vmul.f32 v58, v5  }
0x87: {  	v52 =	vmul.f32 v59, v4;
	v21 =	vmul.f32 v44, v7;
	v22 =	vadd.f32 v55, v53  }
0x88: {  	v58 =	vmul.f32 v49, v7;
	v9 =	vsel vm0, v9, v34;
	v8 =	vadd.f32 v12, v8  }
0x89: {  	v51 =	vld [tilespmem:s23+$0x1A0];
	v14 =	vadd.f32 v38, v14;
	v16 =	vadd.f32 v41, v40;
	v25 =	vmul.f32 v56, v4  }
0x8a: {  	v46 =	vld [tilespmem:s23+$0x200];
	v37 =	vperm.xlane v11, v0;
	v9 =	vadd.f32 v13, v9;
	v38 =	vperm.xlane v23, v0  }
0x8b: {  	v57 =	vld [tilespmem:s23+$0x230];
	v11 =	vsel vm0, v11, v36;
	v40 =	vperm.xlane v19, v0;
	v17 =	vadd.f32 v48, v47  }
0x8c: {  	v21 =	vadd.f32 v21, v29;
	v20 =	vadd.f32 v20, v22;
	v41 =	vperm.xlane v15, v0  }
0x8d: {  	v54 =	vld [tilespmem:s23+$0x220];
	v42 =	vperm.xlane v10, v0;
	v14 =	vadd.f32 v43, v14;
	v16 =	vadd.f32 v45, v16  }
0x8e: {  	v59 =	vmul.f32 v51, v5;
	v39 =	vsel vm0, v37, v18;
	v12 =	vsel vm0, v19, v38  }
0x8f: {  	v18 =	vsel vm0, v40, v23;
	v51 =	vperm.xlane v9, v1;
	v17 =	vadd.f32 v31, v17  }
0x90: {  	v24 =	vmul.f32 v46, v6;
	v63 =	vmul.f32 v57, v4;
	v20 =	vadd.f32 v62, v20  }
0x91: {  	v11 =	vadd.f32 v39, v11;
	v12 =	vadd.f32 v18, v12;
	v10 =	vsel vm0, v10, v41  }
0x92: {  	v15 =	vsel vm0, v42, v15;
	v61 =	vmul.f32 v54, v5;
	v60 =	vadd.f32 v58, v24  }
0x93: {  	v16 =	vadd.f32 v50, v16;
	v21 =	vadd.f32 v59, v21;
	v44 =	vperm.xlane v14, v0  }
0x94: {  	v10 =	vadd.f32 v15, v10;
	v45 =	vperm.xlane v20, v0;
	v22 =	vadd.f32 v61, v60  }
0x95: {  	v17 =	vadd.f32 v52, v17;
	v52 =	vperm.xlane v8, v1;
	v53 =	vperm.xlane v12, v1  }
0x96: {  	v21 =	vadd.f32 v25, v21;
	v43 =	vperm.xlane v16, v0;
	v22 =	vadd.f32 v63, v22  }
0x97: {  	v8 =	vsel vm1, v8, v51;
	v13 =	vsel vm0, v44, v16;
	v46 =	vperm.xlane v17, v0  }
0x98: {  	v14 =	vsel vm0, v14, v43;
	v48 =	vperm.xlane v21, v0;
	v47 =	vperm.xlane v22, v0  }
0x99: {  	v54 =	vperm.xlane v11, v1;
	v49 =	vsel vm0, v17, v45;
	v13 =	vadd.f32 v13, v14  }
0x9a: {  	v16 =	vsel vm0, v46, v20;
	v14 =	vsel vm0, v48, v22;
	v50 =	vsel vm0, v21, v47  }
0x9b: {  	v56 =	vperm.xlane v10, v1;
	v15 =	vadd.f32 v16, v49;
	v14 =	vadd.f32 v14, v50  }
0x9c: {  	v9 =	vsel vm1, v52, v9;
	v11 =	vsel vm1, v11, v53;
	v55 =	vperm.xlane v13, v1  }
0x9d: {  	v12 =	vsel vm1, v54, v12;
	v58 =	vperm.xlane v15, v1;
	v57 =	vperm.xlane v14, v1  }
0x9e: {  	v8 =	vadd.f32 v9, v8;
	v59 =	vadd.f32 v12, v11;
	v60 =	vsel vm1, v56, v13  }
0x9f: {  	v10 =	vsel vm1, v10, v55;
	v62 =	vsel vm1, v58, v14;
	v61 =	vsel vm1, v15, v57  }
0xa0: {  	v10 =	vadd.f32 v60, v10;
	v63 =	vadd.f32 v62, v61  }
0xa1: {  	v18 =	vperm.xlane v59, v2;
	v19 =	vperm.xlane v8, v2  }
0xa2: {  	v21 =	vperm.xlane v10, v2;
	v20 =	vperm.xlane v63, v2  }
0xa3: {  	v8 =	vsel vm2, v8, v18  }
0xa4: {  	v9 =	vsel vm2, v19, v59;
	v11 =	vsel vm2, v21, v63;
	v10 =	vsel vm2, v10, v20  }
0xa5: {  	v8 =	vadd.f32 v9, v8;
	v22 =	vadd.f32 v11, v10;
	_ =	sdelay $0x1  }
0xa6: {  	v23 =	vperm.xlane v8, v3;
	v10 =	vperm.xlane v22, v3;
	_ =	sdelay $0x1  }
0xa7: {  	v9 =	vsel vm3, v23, v22;
	v8 =	vsel vm3, v8, v10  }
0xa8: {  	v8 =	vadd.f32 v9, v8;
	_ =	sdelay $0x1  }
0xa9: {  	[tilespmem:s10+$0xFFFFFFF0] =	vst v8  }
0xaa: {  	v8 =	vld [tilespmem:s23+$0x280]  }
0xab: {  	v24 =	vld [tilespmem:s23+$0x290]  }
0xac: {  	v25 =	vld [tilespmem:s23+$0x2A0]  }
0xad: {  	v26 =	vld [tilespmem:s23+$0x2B0]  }
0xae: {  	v27 =	vld [tilespmem:s23+$0x300]  }
0xaf: {  	v28 =	vld [tilespmem:s23+$0x310]  }
0xb0: {  	v29 =	vld [tilespmem:s23+$0x320]  }
0xb1: {  	v30 =	vld [tilespmem:s23+$0x330]  }
0xb2: {  	v31 =	vld [tilespmem:s23+$0x380]  }
0xb3: {  	v32 =	vld [tilespmem:s23+$0x390]  }
0xb4: {  	v33 =	vld [tilespmem:s23+$0x3A0]  }
0xb5: {  	v35 =	vld [tilespmem:s23+$0x400]  }
0xb6: {  	v36 =	vld [tilespmem:s23+$0x410];
	v8 =	vmul.f32 v8, v6  }
0xb7: {  	v37 =	vld [tilespmem:s23+$0x480];
	v9 =	vmul.f32 v24, v7;
	v12 =	vmul.f32 v27, v6  }
0xb8: {  	v38 =	vld [tilespmem:s23+$0x490];
	v13 =	vmul.f32 v28, v7;
	v39 =	vmul.f32 v25, v5  }
0xb9: {  	v41 =	vld [tilespmem:s23+$0x420];
	v40 =	vmul.f32 v26, v4;
	v42 =	vmul.f32 v29, v5  }
0xba: {  	v44 =	vld [tilespmem:s23+$0x4A0];
	v43 =	vmul.f32 v31, v6;
	v45 =	vmul.f32 v32, v7  }
0xbb: {  	v34 =	vld [tilespmem:s23+$0x3B0];
	v46 =	vmul.f32 v33, v5;
	v48 =	vmul.f32 v35, v6  }
0xbc: {  	v47 =	vld [tilespmem:s23+$0x430];
	v49 =	vmul.f32 v36, v7;
	v6 =	vmul.f32 v37, v6  }
0xbd: {  	v50 =	vld [tilespmem:s23+$0x4B0];
	v7 =	vmul.f32 v38, v7;
	v51 =	vmul.f32 v30, v4;
	v8 =	vadd.f32 v9, v8  }
0xbe: {  	v11 =	vmul.f32 v41, v5;
	v12 =	vadd.f32 v13, v12;
	v9 =	vadd.f32 v45, v43  }
0xbf: {  	v5 =	vmul.f32 v44, v5;
	v13 =	vadd.f32 v49, v48;
	v6 =	vadd.f32 v7, v6  }
0xc0: {  	v52 =	vmul.f32 v34, v4;
	v8 =	vadd.f32 v39, v8;
	v12 =	vadd.f32 v42, v12  }
0xc1: {  	v53 =	vmul.f32 v47, v4;
	v9 =	vadd.f32 v46, v9;
	v11 =	vadd.f32 v11, v13  }
0xc2: {  	v4 =	vmul.f32 v50, v4;
	v5 =	vadd.f32 v5, v6;
	v12 =	vadd.f32 v51, v12  }
0xc3: {  	v54 =	vadd.f32 v52, v9;
	v55 =	vadd.f32 v53, v11  }
0xc4: {  	v8 =	vadd.f32 v40, v8;
	v4 =	vadd.f32 v4, v5;
	v5 =	vperm.xlane v12, v0  }
0xc5: {  	v56 =	vperm.xlane v55, v0;
	v57 =	vperm.xlane v54, v0  }
0xc6: {  	v58 =	vperm.xlane v8, v0;
	v59 =	vperm.xlane v4, v0  }
0xc7: {  	v5 =	vsel vm0, v8, v5;
	v6 =	vsel vm0, v54, v56;
	v7 =	vsel vm0, v57, v55  }
0xc8: {  	v60 =	vsel vm0, v58, v12;
	v4 =	vadd.f32 v59, v4;
	v6 =	vadd.f32 v7, v6  }
0xc9: {  	v5 =	vadd.f32 v60, v5  }
0xca: {  	v4 =	vnsel vm0, $0x0, v4;
	v7 =	vperm.xlane v6, v1  }
0xcb: {  	v8 =	vperm.xlane v5, v1;
	v61 =	vperm.xlane v4, v1;
	_ =	sdelay $0x1  }
0xcc: {  	v5 =	vsel vm1, v5, v7;
	v6 =	vsel vm1, v8, v6;
	v4 =	vadd.f32 v61, v4  }
0xcd: {  	v5 =	vadd.f32 v6, v5  }
0xce: {  	v4 =	vnsel vm1, $0x0, v4  }
0xcf: {  	v62 =	vperm.xlane v4, v2;
	v63 =	vperm.xlane v5, v2;
	_ =	sdelay $0x1  }
0xd0: {  	v5 =	vsel vm2, v5, v62;
	v4 =	vsel vm2, v63, v4  }
0xd1: {  	v4 =	vadd.f32 v4, v5;
	_ =	sdelay $0x1  }
0xd2: {  	p1 =	sne.s32 s22, $0x1E00;
	v5 =	vperm.xlane v4, v3  }
.Ltmp0:
0xd3: {  	_ = 	snop;
	(pc) =	sbr.rel @p1 .LBB2_3-.Ltmp0, $3  }
0xd4: {  	v4 =	vadd.f32 v4, v5;
	_ =	sdelay $0x1  }
0xd5: {  	v4 =	vnsel vm3, $0x0, v4  }
0xd6: {  	s22 =	sadd.s32 $0x200, s22;
	s23 =	sadd.s32 $0xA00, s23;
	[tilespmem:s10+$0x0] =	vst v4;
	s10 =	sadd.s32 $0x20, s10  }
0xd7: {  	s10 =	sshll.u32 s19, $0x7  }
0xd8: {  	p1 =	seq.s32 s19, $0xF;
	s10 =	sadd.s32 s10, s8  }
0xd9: {  	[hbm4b:s10+s2] =	stream.linear.scatter [tilespmem:s1], [sflag:$0x3], $0x200, $0x38;
	[tilespmem:$0x19000] =	vst v63  }
0xda: {  	s22 =	simm.s32 @!p1 $0x2C00;
	s10 =	sadd.s32 @!p1 $0x2, s21  }
0xdb: {  	s21 =	simm.s32 @!p1 $0x10;
	s11 =	sshll.u32 @!p1 s10, $0x4;
	s10 =	smul.u32 @!p1 $0x500, s10  }
0xdc: {  	[tilespmem:s22], [sflag:$0x1] =	stream.indirect.gather @!p1 [hbm4b:s3+s21], $0x80, s11, s21, $0xb8;
	[tilespmem:$0x19000] =	vst v63  }
0xdd: {  	s11 =	sadd.s32 @!p1 $0x200, s11;
	s22 =	simm.s32 @!p1 $0x3400;
	s10 =	sshra.s32 @!p1 s10, $0x2  }
0xde: {  	[tilespmem:s22], [sflag:$0x1] =	stream.indirect.gather @!p1 [hbm4b:s4+s21], $0x80, s11, s21, $0xb8;
	[tilespmem:$0x19000] =	vst v63  }
0xdf: {  	s11 =	sadd.s32 @!p1 $0x400, s10;
	s21 =	simm.s32 @!p1 $0x50;
	s22 =	simm.s32 @!p1 $0x3C00  }
0xe0: {  	[tilespmem:s22], [sflag:$0x1] =	stream.indirect.gather @!p1 [hbm4b:s4+s21], $0x80, s11, s21, $0xb8;
	[tilespmem:$0x19000] =	vst v63  }
0xe1: {  	s11 =	sadd.s32 @!p1 $0x450, s10;
	s22 =	simm.s32 @!p1 $0x6400  }
0xe2: {  	[tilespmem:s22], [sflag:$0x1] =	stream.indirect.gather @!p1 [hbm4b:s4+s21], $0x80, s11, s21, $0xb8;
	[tilespmem:$0x19000] =	vst v63  }
0xe3: {  	s11 =	sadd.s32 @!p1 $0x4A0, s10;
	s22 =	simm.s32 @!p1 $0x8C00  }
0xe4: {  	[tilespmem:s22], [sflag:$0x1] =	stream.indirect.gather @!p1 [hbm4b:s4+s21], $0x80, s11, s21, $0xb8;
	[tilespmem:$0x19000] =	vst v63  }
0xe5: {  	s10 =	sadd.s32 @!p1 $0x4F0, s10;
	s11 =	simm.s32 @!p1 $0xB400  }
0xe6: {  	[tilespmem:s11], [sflag:$0x1] =	stream.indirect.gather @!p1 [hbm4b:s4+s21], $0x80, s10, s21, $0xb8;
	[tilespmem:$0x19000] =	vst v63  }
0xe7: {  	_ =	swait.ge [sflag:s0], $0x800  }
0xe8: {  	[sflag:s0] =	ssyncset.done $0x0  }
0xe9: {  	[sflag:s0] =	ssyncadd.s32 $0xFFFFF800  }
0xea: {  	_ =	swait.ge [sflag:s0], $0x800  }
0xeb: {  	[sflag:s0] =	ssyncset.done $0x0  }
0xec: {  	[sflag:s0] =	ssyncadd.s32 $0xFFFFF800  }
0xed: {  	_ =	swait.ge [sflag:s0], $0xA000  }
0xee: {  	[sflag:s0] =	ssyncset.done $0x0  }
0xef: {  	s10 =	simm.s32 @!p0 $0x4;
	[sflag:s0] =	ssyncadd.s32 $0xFFFF6000  }
0xf0: {  	_ =	swait.ge @!p0 [sflag:s10], $0x200  }
0xf1: {  	s22 =	simm.s32 $0xF300;
	[sflag:s10] =	ssyncset.done @!p0 $0x0  }
0xf2: {  	s21 =	simm.s32 $0x0;
	[sflag:s10] =	ssyncadd.s32 @!p0 $0xFFFFFE00;
	s10 =	simm.s32 $0x18E10  }
.LBB2_5:
0xf3: {  	v12 =	vld [tilespmem:s22+$0xFFFFFB00]  }
0xf4: {  	v13 =	vld [tilespmem:s22+$0xFFFFFB10]  }
0xf5: {  	v14 =	vld [tilespmem:s22+$0xFFFFFB20]  }
0xf6: {  	v15 =	vld [tilespmem:s22+$0xFFFFFB30]  }
0xf7: {  	v16 =	vld [tilespmem:s22+$0xFFFFFB80]  }
0xf8: {  	v17 =	vld [tilespmem:s22+$0xFFFFFB90]  }
0xf9: {  	v18 =	vld [tilespmem:s22+$0xFFFFFBA0]  }
0xfa: {  	v19 =	vld [tilespmem:s22+$0xFFFFFBB0]  }
0xfb: {  	v20 =	vld [tilespmem:s22+$0xFFFFFC00]  }
0xfc: {  	v21 =	vld [tilespmem:s22+$0xFFFFFC10]  }
0xfd: {  	v22 =	vld [tilespmem:s22+$0xFFFFFC20]  }
0xfe: {  	v23 =	vld [tilespmem:s22+$0xFFFFFC30]  }
0xff: {  	v24 =	vld [tilespmem:s22+$0xFFFFFC80]  }
0x100: {  	v25 =	vld [tilespmem:s22+$0xFFFFFC90]  }
0x101: {  	v26 =	vld [tilespmem:s22+$0xFFFFFCA0]  }
0x102: {  	v27 =	vld [tilespmem:s22+$0xFFFFFCB0]  }
0x103: {  	v28 =	vld [tilespmem:s22+$0xFFFFFD00]  }
0x104: {  	v29 =	vld [tilespmem:s22+$0xFFFFFD10]  }
0x105: {  	v30 =	vld [tilespmem:s22+$0xFFFFFD20]  }
0x106: {  	s11 =	sshra.s32 s21, $0x2;
	v31 =	vld [tilespmem:s22+$0xFFFFFD30]  }
0x107: {  	v6 =	vld [tilespmem:s11+$0xDE00]  }
0x108: {  	v7 =	vld [tilespmem:s11+$0xDE10]  }
0x109: {  	v5 =	vld [tilespmem:s11+$0xDE20]  }
0x10a: {  	v4 =	vld [tilespmem:s11+$0xDE30]  }
0x10b: {  	v8 =	vld [tilespmem:s11+$0xE600]  }
0x10c: {  	v9 =	vld [tilespmem:s11+$0xE610]  }
0x10d: {  	v10 =	vld [tilespmem:s11+$0xE620]  }
0x10e: {  	v11 =	vld [tilespmem:s11+$0xE630]  }
0x10f: {  	v32 =	vld [tilespmem:s22+$0xFFFFFD80]  }
0x110: {  	v33 =	vld [tilespmem:s22+$0xFFFFFD90]  }
0x111: {  	v34 =	vld [tilespmem:s22+$0xFFFFFDA0];
	v8 =	vmul.f32 v8, v6;
	v9 =	vmul.f32 v9, v7  }
0x112: {  	v35 =	vld [tilespmem:s22+$0xFFFFFDB0];
	v12 =	vmul.f32 v12, v6;
	v13 =	vmul.f32 v13, v7  }
0x113: {  	v36 =	vld [tilespmem:s22+$0xFFFFFE00];
	v50 =	vmul.f32 v10, v5;
	v11 =	vmul.f32 v11, v4  }
0x114: {  	v37 =	vld [tilespmem:s22+$0xFFFFFE10];
	v51 =	vmul.f32 v14, v5;
	v52 =	vmul.f32 v16, v6  }
0x115: {  	v38 =	vld [tilespmem:s22+$0xFFFFFE20];
	v53 =	vmul.f32 v17, v7;
	v54 =	vmul.f32 v15, v4  }
0x116: {  	v39 =	vld [tilespmem:s22+$0xFFFFFE30];
	v55 =	vmul.f32 v18, v5;
	v56 =	vmul.f32 v20, v6  }
0x117: {  	v40 =	vld [tilespmem:s22+$0xFFFFFE80];
	v57 =	vmul.f32 v21, v7;
	v58 =	vmul.f32 v24, v6  }
0x118: {  	v43 =	vld [tilespmem:s22+$0x0];
	v59 =	vmul.f32 v25, v7;
	v19 =	vmul.f32 v19, v4  }
0x119: {  	v49 =	vld [tilespmem:s22+$0x20];
	v60 =	vmul.f32 v22, v5;
	v23 =	vmul.f32 v23, v4  }
0x11a: {  	v10 =	vld [tilespmem:s22+$0xFFFFFE90];
	v61 =	vmul.f32 v26, v5;
	v62 =	vmul.f32 v28, v6  }
0x11b: {  	v14 =	vld [tilespmem:s22+$0xFFFFFEA0];
	v63 =	vmul.f32 v29, v7;
	v41 =	vmul.f32 v27, v4  }
0x11c: {  	v17 =	vld [tilespmem:s22+$0xFFFFFEB0];
	v42 =	vmul.f32 v30, v5;
	v44 =	vmul.f32 v32, v6  }
0x11d: {  	v15 =	vld [tilespmem:s22+$0xFFFFFF00];
	v45 =	vmul.f32 v33, v7;
	v47 =	vmul.f32 v36, v6  }
0x11e: {  	v16 =	vld [tilespmem:s22+$0xFFFFFF10];
	v48 =	vmul.f32 v37, v7;
	v8 =	vadd.f32 v9, v8;
	v12 =	vadd.f32 v13, v12  }
0x11f: {  	v20 =	vld [tilespmem:s22+$0xFFFFFF20];
	v31 =	vmul.f32 v31, v4;
	v9 =	vadd.f32 v53, v52;
	v13 =	vadd.f32 v57, v56  }
0x120: {  	v25 =	vld [tilespmem:s22+$0xFFFFFF90];
	v18 =	vadd.f32 v63, v62;
	v52 =	vmul.f32 v35, v4;
	v53 =	vmul.f32 v38, v5  }
0x121: {  	v24 =	vld [tilespmem:s22+$0xFFFFFF30];
	v57 =	vmul.f32 v39, v4;
	v8 =	vadd.f32 v50, v8;
	v50 =	vmul.f32 v34, v5  }
0x122: {  	v28 =	vld [tilespmem:s22+$0xFFFFFFA0];
	v9 =	vadd.f32 v55, v9;
	v55 =	vmul.f32 v40, v6;
	v40 =	vmul.f32 v43, v6  }
0x123: {  	v21 =	vld [tilespmem:s22+$0xFFFFFFB0];
	v12 =	vadd.f32 v51, v12;
	v10 =	vmul.f32 v10, v7;
	v14 =	vmul.f32 v14, v5  }
0x124: {  	v37 =	vld [tilespmem:s22+$0x120];
	v13 =	vadd.f32 v60, v13;
	v15 =	vmul.f32 v15, v6;
	v16 =	vmul.f32 v16, v7  }
0x125: {  	v56 =	vld [tilespmem:s22+$0x90];
	v18 =	vadd.f32 v42, v18;
	v62 =	vmul.f32 v25, v7;
	v17 =	vmul.f32 v17, v4  }
0x126: {  	v63 =	vld [tilespmem:s22+$0x110];
	v34 =	vmul.f32 v20, v5;
	v24 =	vmul.f32 v24, v4;
	v8 =	vadd.f32 v11, v8  }
0x127: {  	v22 =	vld [tilespmem:s22+$0xFFFFFF80];
	v38 =	vmul.f32 v28, v5;
	v12 =	vadd.f32 v54, v12;
	v11 =	vadd.f32 v59, v58  }
0x128: {  	v46 =	vld [tilespmem:s22+$0x10];
	v43 =	vmul.f32 v21, v4;
	v9 =	vadd.f32 v19, v9;
	v13 =	vadd.f32 v23, v13  }
0x129: {  	v51 =	vld [tilespmem:s22+$0x30];
	v20 =	vmul.f32 v37, v5;
	v19 =	vadd.f32 v45, v44;
	v23 =	vadd.f32 v48, v47  }
0x12a: {  	v60 =	vld [tilespmem:s22+$0x100];
	v18 =	vadd.f32 v31, v18;
	v45 =	vmul.f32 v49, v5;
	v10 =	vadd.f32 v10, v55  }
0x12b: {  	v42 =	vld [tilespmem:s22+$0x180];
	v15 =	vadd.f32 v16, v15;
	v48 =	vmul.f32 v56, v7;
	v55 =	vmul.f32 v63, v7  }
0x12c: {  	v39 =	vld [tilespmem:s22+$0x130];
	v11 =	vadd.f32 v61, v11;
	v19 =	vadd.f32 v50, v19;
	v61 =	vmul.f32 v22, v6  }
0x12d: {  	v54 =	vld [tilespmem:s22+$0x80];
	v23 =	vadd.f32 v53, v23;
	v32 =	vperm.xlane v12, v0;
	v33 =	vperm.xlane v8, v0  }
0x12e: {  	v58 =	vld [tilespmem:s22+$0xA0];
	v35 =	vperm.xlane v9, v0;
	v36 =	vperm.xlane v18, v0;
	v10 =	vadd.f32 v14, v10  }
0x12f: {  	v59 =	vld [tilespmem:s22+$0xB0];
	v15 =	vadd.f32 v34, v15;
	v50 =	vmul.f32 v51, v4;
	v53 =	vmul.f32 v60, v6  }
0x130: {  	v44 =	vld [tilespmem:s22+$0x190];
	v29 =	vmul.f32 v42, v6;
	v11 =	vadd.f32 v41, v11;
	v19 =	vadd.f32 v52, v19  }
0x131: {  	v49 =	vld [tilespmem:s22+$0x210];
	v34 =	vperm.xlane v13, v0;
	v23 =	vadd.f32 v57, v23;
	v14 =	vadd.f32 v62, v61  }
0x132: {  	v56 =	vld [tilespmem:s22+$0x1B0];
	v41 =	vmul.f32 v46, v7;
	v62 =	vmul.f32 v39, v4;
	v8 =	vsel vm0, v8, v32  }
0x133: {  	v12 =	vsel vm0, v33, v12;
	v13 =	vsel vm0, v35, v13;
	v10 =	vadd.f32 v17, v10  }
0x134: {  	v15 =	vadd.f32 v24, v15;
	v47 =	vmul.f32 v54, v6;
	v31 =	vmul.f32 v58, v5  }
0x135: {  	v52 =	vmul.f32 v59, v4;
	v21 =	vmul.f32 v44, v7;
	v22 =	vadd.f32 v55, v53  }
0x136: {  	v58 =	vmul.f32 v49, v7;
	v9 =	vsel vm0, v9, v34;
	v8 =	vadd.f32 v12, v8  }
0x137: {  	v51 =	vld [tilespmem:s22+$0x1A0];
	v14 =	vadd.f32 v38, v14;
	v16 =	vadd.f32 v41, v40;
	v25 =	vmul.f32 v56, v4  }
0x138: {  	v46 =	vld [tilespmem:s22+$0x200];
	v37 =	vperm.xlane v11, v0;
	v9 =	vadd.f32 v13, v9;
	v38 =	vperm.xlane v23, v0  }
0x139: {  	v57 =	vld [tilespmem:s22+$0x230];
	v11 =	vsel vm0, v11, v36;
	v40 =	vperm.xlane v19, v0;
	v17 =	vadd.f32 v48, v47  }
0x13a: {  	v21 =	vadd.f32 v21, v29;
	v20 =	vadd.f32 v20, v22;
	v41 =	vperm.xlane v15, v0  }
0x13b: {  	v54 =	vld [tilespmem:s22+$0x220];
	v42 =	vperm.xlane v10, v0;
	v14 =	vadd.f32 v43, v14;
	v16 =	vadd.f32 v45, v16  }
0x13c: {  	v59 =	vmul.f32 v51, v5;
	v39 =	vsel vm0, v37, v18;
	v12 =	vsel vm0, v19, v38  }
0x13d: {  	v18 =	vsel vm0, v40, v23;
	v51 =	vperm.xlane v9, v1;
	v17 =	vadd.f32 v31, v17  }
0x13e: {  	v24 =	vmul.f32 v46, v6;
	v63 =	vmul.f32 v57, v4;
	v20 =	vadd.f32 v62, v20  }
0x13f: {  	v11 =	vadd.f32 v39, v11;
	v12 =	vadd.f32 v18, v12;
	v10 =	vsel vm0, v10, v41  }
0x140: {  	v15 =	vsel vm0, v42, v15;
	v61 =	vmul.f32 v54, v5;
	v60 =	vadd.f32 v58, v24  }
0x141: {  	v16 =	vadd.f32 v50, v16;
	v21 =	vadd.f32 v59, v21;
	v44 =	vperm.xlane v14, v0  }
0x142: {  	v10 =	vadd.f32 v15, v10;
	v45 =	vperm.xlane v20, v0;
	v22 =	vadd.f32 v61, v60  }
0x143: {  	v17 =	vadd.f32 v52, v17;
	v52 =	vperm.xlane v8, v1;
	v53 =	vperm.xlane v12, v1  }
0x144: {  	v21 =	vadd.f32 v25, v21;
	v43 =	vperm.xlane v16, v0;
	v22 =	vadd.f32 v63, v22  }
0x145: {  	v8 =	vsel vm1, v8, v51;
	v13 =	vsel vm0, v44, v16;
	v46 =	vperm.xlane v17, v0  }
0x146: {  	v14 =	vsel vm0, v14, v43;
	v48 =	vperm.xlane v21, v0;
	v47 =	vperm.xlane v22, v0  }
0x147: {  	v54 =	vperm.xlane v11, v1;
	v49 =	vsel vm0, v17, v45;
	v13 =	vadd.f32 v13, v14  }
0x148: {  	v16 =	vsel vm0, v46, v20;
	v14 =	vsel vm0, v48, v22;
	v50 =	vsel vm0, v21, v47  }
0x149: {  	v56 =	vperm.xlane v10, v1;
	v15 =	vadd.f32 v16, v49;
	v14 =	vadd.f32 v14, v50  }
0x14a: {  	v9 =	vsel vm1, v52, v9;
	v11 =	vsel vm1, v11, v53;
	v55 =	vperm.xlane v13, v1  }
0x14b: {  	v12 =	vsel vm1, v54, v12;
	v58 =	vperm.xlane v15, v1;
	v57 =	vperm.xlane v14, v1  }
0x14c: {  	v8 =	vadd.f32 v9, v8;
	v59 =	vadd.f32 v12, v11;
	v60 =	vsel vm1, v56, v13  }
0x14d: {  	v10 =	vsel vm1, v10, v55;
	v62 =	vsel vm1, v58, v14;
	v61 =	vsel vm1, v15, v57  }
0x14e: {  	v10 =	vadd.f32 v60, v10;
	v63 =	vadd.f32 v62, v61  }
0x14f: {  	v18 =	vperm.xlane v59, v2;
	v19 =	vperm.xlane v8, v2  }
0x150: {  	v21 =	vperm.xlane v10, v2;
	v20 =	vperm.xlane v63, v2  }
0x151: {  	v8 =	vsel vm2, v8, v18  }
0x152: {  	v9 =	vsel vm2, v19, v59;
	v11 =	vsel vm2, v21, v63;
	v10 =	vsel vm2, v10, v20  }
0x153: {  	v8 =	vadd.f32 v9, v8;
	v22 =	vadd.f32 v11, v10;
	_ =	sdelay $0x1  }
0x154: {  	v23 =	vperm.xlane v8, v3;
	v10 =	vperm.xlane v22, v3;
	_ =	sdelay $0x1  }
0x155: {  	v9 =	vsel vm3, v23, v22;
	v8 =	vsel vm3, v8, v10  }
0x156: {  	v8 =	vadd.f32 v9, v8;
	_ =	sdelay $0x1  }
0x157: {  	[tilespmem:s10+$0xFFFFFFF0] =	vst v8  }
0x158: {  	v8 =	vld [tilespmem:s22+$0x280]  }
0x159: {  	v24 =	vld [tilespmem:s22+$0x290]  }
0x15a: {  	v25 =	vld [tilespmem:s22+$0x2A0]  }
0x15b: {  	v26 =	vld [tilespmem:s22+$0x2B0]  }
0x15c: {  	v27 =	vld [tilespmem:s22+$0x300]  }
0x15d: {  	v28 =	vld [tilespmem:s22+$0x310]  }
0x15e: {  	v29 =	vld [tilespmem:s22+$0x320]  }
0x15f: {  	v30 =	vld [tilespmem:s22+$0x330]  }
0x160: {  	v31 =	vld [tilespmem:s22+$0x380]  }
0x161: {  	v32 =	vld [tilespmem:s22+$0x390]  }
0x162: {  	v33 =	vld [tilespmem:s22+$0x3A0]  }
0x163: {  	v35 =	vld [tilespmem:s22+$0x400]  }
0x164: {  	v36 =	vld [tilespmem:s22+$0x410];
	v8 =	vmul.f32 v8, v6  }
0x165: {  	v37 =	vld [tilespmem:s22+$0x480];
	v9 =	vmul.f32 v24, v7;
	v12 =	vmul.f32 v27, v6  }
0x166: {  	v38 =	vld [tilespmem:s22+$0x490];
	v13 =	vmul.f32 v28, v7;
	v39 =	vmul.f32 v25, v5  }
0x167: {  	v41 =	vld [tilespmem:s22+$0x420];
	v40 =	vmul.f32 v26, v4;
	v42 =	vmul.f32 v29, v5  }
0x168: {  	v44 =	vld [tilespmem:s22+$0x4A0];
	v43 =	vmul.f32 v31, v6;
	v45 =	vmul.f32 v32, v7  }
0x169: {  	v34 =	vld [tilespmem:s22+$0x3B0];
	v46 =	vmul.f32 v33, v5;
	v48 =	vmul.f32 v35, v6  }
0x16a: {  	v47 =	vld [tilespmem:s22+$0x430];
	v49 =	vmul.f32 v36, v7;
	v6 =	vmul.f32 v37, v6  }
0x16b: {  	v50 =	vld [tilespmem:s22+$0x4B0];
	v7 =	vmul.f32 v38, v7;
	v51 =	vmul.f32 v30, v4;
	v8 =	vadd.f32 v9, v8  }
0x16c: {  	v11 =	vmul.f32 v41, v5;
	v12 =	vadd.f32 v13, v12;
	v9 =	vadd.f32 v45, v43  }
0x16d: {  	v5 =	vmul.f32 v44, v5;
	v13 =	vadd.f32 v49, v48;
	v6 =	vadd.f32 v7, v6  }
0x16e: {  	v52 =	vmul.f32 v34, v4;
	v8 =	vadd.f32 v39, v8;
	v12 =	vadd.f32 v42, v12  }
0x16f: {  	v53 =	vmul.f32 v47, v4;
	v9 =	vadd.f32 v46, v9;
	v11 =	vadd.f32 v11, v13  }
0x170: {  	v4 =	vmul.f32 v50, v4;
	v5 =	vadd.f32 v5, v6;
	v12 =	vadd.f32 v51, v12  }
0x171: {  	v54 =	vadd.f32 v52, v9;
	v55 =	vadd.f32 v53, v11  }
0x172: {  	v8 =	vadd.f32 v40, v8;
	v4 =	vadd.f32 v4, v5;
	v5 =	vperm.xlane v12, v0  }
0x173: {  	v56 =	vperm.xlane v55, v0;
	v57 =	vperm.xlane v54, v0  }
0x174: {  	v58 =	vperm.xlane v8, v0;
	v59 =	vperm.xlane v4, v0  }
0x175: {  	v5 =	vsel vm0, v8, v5;
	v6 =	vsel vm0, v54, v56;
	v7 =	vsel vm0, v57, v55  }
0x176: {  	v60 =	vsel vm0, v58, v12;
	v4 =	vadd.f32 v59, v4;
	v6 =	vadd.f32 v7, v6  }
0x177: {  	v5 =	vadd.f32 v60, v5  }
0x178: {  	v4 =	vnsel vm0, $0x0, v4;
	v7 =	vperm.xlane v6, v1  }
0x179: {  	v8 =	vperm.xlane v5, v1;
	v61 =	vperm.xlane v4, v1;
	_ =	sdelay $0x1  }
0x17a: {  	v5 =	vsel vm1, v5, v7;
	v6 =	vsel vm1, v8, v6;
	v4 =	vadd.f32 v61, v4  }
0x17b: {  	v5 =	vadd.f32 v6, v5  }
0x17c: {  	v4 =	vnsel vm1, $0x0, v4  }
0x17d: {  	v62 =	vperm.xlane v4, v2;
	v63 =	vperm.xlane v5, v2;
	_ =	sdelay $0x1  }
0x17e: {  	v5 =	vsel vm2, v5, v62;
	v4 =	vsel vm2, v63, v4  }
0x17f: {  	v4 =	vadd.f32 v4, v5;
	_ =	sdelay $0x1  }
0x180: {  	p0 =	sne.s32 s21, $0x1E00;
	v5 =	vperm.xlane v4, v3  }
.Ltmp1:
0x181: {  	_ = 	snop;
	(pc) =	sbr.rel @p0 .LBB2_5-.Ltmp1, $3  }
0x182: {  	v4 =	vadd.f32 v4, v5;
	_ =	sdelay $0x1  }
0x183: {  	v4 =	vnsel vm3, $0x0, v4  }
0x184: {  	s21 =	sadd.s32 $0x200, s21;
	s22 =	sadd.s32 $0xA00, s22;
	[tilespmem:s10+$0x0] =	vst v4;
	s10 =	sadd.s32 $0x20, s10  }
0x185: {  	s19 =	sadd.s32 $0x1, s19  }
0x186: {  	p0 =	sne.s32 s19, $0x10  }
.Ltmp2:
0x187: {  	_ = 	snop;
	(pc) =	sbr.rel @p0 .LBB2_2-.Ltmp2, $4  }
0x188: {  	_ = 	snop  }
0x189: {  	s10 =	sshll.u32 s20, $0x6  }
0x18a: {  	s10 =	sadd.s32 s10, s8  }
0x18b: {  	[hbm4b:s10+s2] =	stream.linear.scatter [tilespmem:s12], [sflag:$0x4], $0x200, $0x38;
	[tilespmem:$0x19000] =	vst v63  }
0x18c: {  	s18 =	sadd.s32 $0x1, s18  }
0x18d: {  	_ =	swait.ge [sflag:s15], $0x200;
	p0 =	sne.s32 s18, s9  }
.Ltmp3:
0x18e: {  	[sflag:s15] =	ssyncset.done $0x0;
	(pc) =	sbr.rel @p0 .LBB2_1-.Ltmp3, $4  }
0x18f: {  	[sflag:s15] =	ssyncadd.s32 $0xFFFFFE00  }
0x190: {  	_ =	swait.ge [sflag:s17], $0x200  }
0x191: {  	[sflag:s17] =	ssyncset.done $0x0  }
0x192: {  	[sflag:s17] =	ssyncadd.s32 $0xFFFFFE00  }
0x193: {  	_ =	sfence.sel $0x180000  }
0x194: {  	[bflag:$0x0] =	sbarrier.arrive $0xFFFF  }
0x195: {  	_ =	strace $0x90000047  }
0x196: {  	s0 =	stileid.u32;
	[bflag:$0x2] =	sbarrier.arrive $0xFFFF  }
0x197: {  	p0 =	sne.s32 s0, $0x0;
	s0 =	rddreg [dreg:$0x3]  }
0x198: {  	s0 =	sadd.s32 @!p0 $0x100000, s0  }
0x199: {  	[sflag:s0] =	ssyncadd.tile.s32 @!p0 $0x1;
	_ =	shalt  }
.Lfunc_end2:
_tile_overlayer_lowered:
.L_overlay_start_2:
0x19a: {  	(tag) =	ssettag $0x2  }
0x19b: {  	s0 =	rddreg [dreg:$0x0];
	s2 =	stileid.u32  }
0x19c: {  	s1 =	rddreg [dreg:$0x1];
	p0 =	sne.s32 s2, $0x0  }
0x19d: {  	s3 =	rddreg [dreg:$0x2];
	[bflag:$0x3] =	sbarrier.arrive $0xFFFF;
	s2 =	simm.s32 @!p0 $0x1C05  }
0x19e: {  	[timem:s3], [sflag:s2] =	dma.local @!p0 [hbm:s0], s1  }
0x19f: {  	s0 =	simm.s32 @!p0 $0x5  }
0x1a0: {  	_ =	swait.ge @!p0 [sflag:s0], s1  }
0x1a1: {  	s1 =	ssub.s32 @!p0 $0x0, s1;
	[sflag:s0] =	ssyncset.done @!p0 $0x0  }
0x1a2: {  	[sflag:s0] =	ssyncadd.s32 @!p0 s1  }
0x1a3: {  	[bflag:$0x3] =	sbarrier.arrive $0xFFFF  }
0x1a4: {  	_ =	shalt  }

</sc_bundles>
